<compile_context>
chip_gen: v7x
topology: tpu7x:2x2x1
jax: 0.10.2.dev20260603
libtpu: 0.0.44.dev20260713+nightly
codegen_flags: <defaults>
</compile_context>

<pallas_src>
import functools

import jax
import jax.numpy as jnp
from jax import lax
from jax.experimental import pallas as pl
from jax.experimental.pallas import tpu as pltpu
from jax.experimental.pallas import tpu_sc as plsc

N = 10000
D = 128
E = 320000
NC = 2
NS = 16
NW = NC * NS
EPW = E // NW
CHUNK = 125
NCHUNK = EPW // CHUNK
GRP = 8
ROWS_PER_SUB = N // NS
WB_ROWS = 624
ZCOPIES = ROWS_PER_SUB // CHUNK
DEG_PAD = 10240
DEG_PER_SUB = DEG_PAD // NS

_F32 = jnp.float32


def _make_sc_agg(with_deg: bool):
  mesh = plsc.VectorSubcoreMesh(core_axis_name="c", subcore_axis_name="s")
  out_type = [jax.ShapeDtypeStruct((NC, N, D), _F32)]
  if with_deg:
    out_type.append(jax.ShapeDtypeStruct((NC, DEG_PAD), _F32))
  scratch = [
      pltpu.VMEM((2 * GRP, CHUNK), jnp.int32),
      pltpu.VMEM((2 * GRP, CHUNK), jnp.int32),
      pltpu.VMEM((CHUNK, D), _F32),
      pltpu.VMEM((CHUNK, D), _F32),
      pltpu.VMEM((128,), _F32),
      pltpu.VMEM((DEG_PER_SUB,), _F32),
      pltpu.VMEM_SHARED((N, D), _F32),
      pltpu.VMEM_SHARED((DEG_PAD,), _F32),
      pltpu.SemaphoreType.DMA,
      pltpu.SemaphoreType.DMA,
      pltpu.SemaphoreType.DMA,
  ]

  def body(h_hbm, src_hbm, dst_hbm, *rest):
    if with_deg:
      agg_out, deg_out = rest[0], rest[1]
      rest = rest[2:]
    else:
      agg_out = rest[0]
      rest = rest[1:]
    (idx_s, idx_d, rows0, rows1, ones_v, zeros_d, agg_sh, deg_sh,
     sem0, sem1, semi) = rest
    rows = (rows0, rows1)
    sems = (sem0, sem1)

    cid = lax.axis_index("c")
    sid = lax.axis_index("s")
    wid = cid * NS + sid
    zv = jnp.zeros((16,), _F32)
    ov = jnp.full((16,), 1.0, _F32)

    def zrow(i, carry):
      for j in range(D // 16):
        rows0[i, pl.ds(j * 16, 16)] = zv
      return carry
    lax.fori_loop(0, CHUNK, zrow, 0)
    if with_deg:
      for j in range(128 // 16):
        ones_v[pl.ds(j * 16, 16)] = ov
      for j in range(DEG_PER_SUB // 16):
        zeros_d[pl.ds(j * 16, 16)] = zv

    for k in range(ZCOPIES):
      pltpu.sync_copy(
          rows0, agg_sh.at[pl.ds(sid * ROWS_PER_SUB + k * CHUNK, CHUNK)])
    if with_deg:
      pltpu.sync_copy(zeros_d, deg_sh.at[pl.ds(sid * DEG_PER_SUB,
                                               DEG_PER_SUB)])
    plsc.subcore_barrier()

    NGRP = NCHUNK // GRP

    def idx_fetch(g, half):
      base = pl.multiple_of(wid * NCHUNK + g * GRP, 8)
      dsts = idx_s.at[pl.ds(half * GRP, GRP)]
      dstd = idx_d.at[pl.ds(half * GRP, GRP)]
      return (
          pltpu.async_copy(src_hbm.at[pl.ds(base, GRP)], dsts, semi),
          pltpu.async_copy(dst_hbm.at[pl.ds(base, GRP)], dstd, semi),
      )

    def idx_wait(g, half):
      base = pl.multiple_of(wid * NCHUNK + g * GRP, 8)
      dsts = idx_s.at[pl.ds(half * GRP, GRP)]
      dstd = idx_d.at[pl.ds(half * GRP, GRP)]
      pltpu.make_async_copy(src_hbm.at[pl.ds(base, GRP)], dsts, semi).wait()
      pltpu.make_async_copy(dst_hbm.at[pl.ds(base, GRP)], dstd, semi).wait()

    def cpos(c):
      return lax.rem(c // GRP, 2) * GRP + lax.rem(c, GRP)

    idx_fetch(0, 0)
    idx_wait(0, 0)
    idx_fetch(1, 1)
    pltpu.async_copy(h_hbm.at[idx_s.at[0]], rows[0], sems[0])
    pltpu.async_copy(h_hbm.at[idx_s.at[1]], rows[1], sems[1])

    def step(cc, carry):
      c0 = cc * 2
      for j in range(2):
        c = c0 + j
        rb, sb = rows[j], sems[j]
        pltpu.make_async_copy(h_hbm.at[idx_s.at[cpos(c)]], rb, sb).wait()
        pltpu.sync_copy(rb, agg_sh.at[idx_d.at[cpos(c)]], add=True)
        if with_deg:
          pltpu.sync_copy(ones_v.at[pl.ds(0, CHUNK)],
                          deg_sh.at[idx_d.at[cpos(c)]], add=True)
        nxt = c + 2

        @pl.when((lax.rem(nxt, GRP) == 0) & (nxt < NCHUNK))
        def _():
          g = nxt // GRP
          idx_wait(g, lax.rem(g, 2))

        @pl.when((lax.rem(nxt, GRP) == 1) & (nxt < NCHUNK))
        def _():
          g2 = nxt // GRP + 1

          @pl.when(g2 < NGRP)
          def _():
            idx_fetch(g2, lax.rem(g2, 2))

        @pl.when(nxt < NCHUNK)
        def _():
          pltpu.async_copy(h_hbm.at[idx_s.at[cpos(nxt)]], rb, sb)
      return carry

    lax.fori_loop(0, NCHUNK // 2, step, 0)
    plsc.subcore_barrier()

    wb_base = pl.multiple_of(sid * WB_ROWS, 8)
    pltpu.sync_copy(agg_sh.at[pl.ds(wb_base, WB_ROWS)],
                    agg_out.at[cid, pl.ds(wb_base, WB_ROWS)])

    @pl.when(sid == NS - 1)
    def _():
      pltpu.sync_copy(agg_sh.at[pl.ds(NS * WB_ROWS, N - NS * WB_ROWS)],
                      agg_out.at[cid, pl.ds(NS * WB_ROWS, N - NS * WB_ROWS)])
    if with_deg:
      @pl.when(sid == 0)
      def _():
        pltpu.sync_copy(deg_sh, deg_out.at[cid])

  return pl.kernel(body, out_type=out_type, mesh=mesh,
                   scratch_types=scratch)


_sc_agg_deg = _make_sc_agg(True)
_sc_agg = _make_sc_agg(False)


def _make_tc_layer(apply_tanh: bool):
  BLK = 2000

  def body(h_ref, a_ref, d_ref, ws_ref, wn_ref, b_ref, o_ref):
    a = a_ref[0] + a_ref[1]
    d = d_ref[0] + d_ref[1]
    hn = a / jnp.maximum(d, 1.0)
    out = jnp.dot(h_ref[...], ws_ref[...], preferred_element_type=_F32)
    out = out + jnp.dot(hn, wn_ref[...], preferred_element_type=_F32)
    out = out + b_ref[...]
    if apply_tanh:
      out = jnp.tanh(out)
    o_ref[...] = out

  return pl.pallas_call(
      body,
      grid=(N // BLK,),
      in_specs=[
          pl.BlockSpec((BLK, D), lambda i: (i, 0)),
          pl.BlockSpec((NC, BLK, D), lambda i: (0, i, 0)),
          pl.BlockSpec((NC, BLK, 1), lambda i: (0, i, 0)),
          pl.BlockSpec((D, D), lambda i: (0, 0)),
          pl.BlockSpec((D, D), lambda i: (0, 0)),
          pl.BlockSpec((1, D), lambda i: (0, 0)),
      ],
      out_specs=pl.BlockSpec((BLK, D), lambda i: (i, 0)),
      out_shape=jax.ShapeDtypeStruct((N, D), _F32),
  )


_tc_layer1 = _make_tc_layer(False)
_tc_layer2 = _make_tc_layer(True)


@jax.jit
def kernel(x, edge_index, W_self1, W_neigh1, b1, W_self2, W_neigh2, b2):
  src2 = edge_index[0].reshape(NW * NCHUNK, CHUNK)
  dst2 = edge_index[1].reshape(NW * NCHUNK, CHUNK)
  agg1, degp = _sc_agg_deg(x, src2, dst2)
  deg3 = degp[:, :N, None]
  h1 = _tc_layer1(x, agg1, deg3, W_self1, W_neigh1, b1.reshape(1, D))
  (agg2,) = _sc_agg(h1, src2, dst2)
  out = _tc_layer2(h1, agg2, deg3, W_self2, W_neigh2, b2.reshape(1, D))
  return out

# --- scband reference (transcript-rebuilt; emitter-appended) ---
"""Pipeline reference for scband-sage-embedder-69870527971697 (READ-ONLY COPY).

The authoritative reference and input builder live on the scoring server;
editing this copy changes nothing except your own understanding.
"""

import jax, jax.numpy as jnp
import numpy as np

N = 10000
E = 320000
D_IN = 128
D_H = 128


def setup_inputs(seed: int = 0) -> dict:
    key = jax.random.key(seed)
    ks = jax.random.split(key, 9)
    x = jax.random.normal(ks[0], (N, D_IN), dtype=jnp.float32)
    edge_index = jax.random.randint(ks[1], (2, E), 0, N, dtype=jnp.int32)
    s1 = 1.0 / np.sqrt(D_IN)
    s2 = 1.0 / np.sqrt(D_H)
    W_self1 = jax.random.normal(ks[2], (D_IN, D_H), dtype=jnp.float32) * s1
    W_neigh1 = jax.random.normal(ks[3], (D_IN, D_H), dtype=jnp.float32) * s1
    b1 = jnp.zeros((D_H,), dtype=jnp.float32)
    W_self2 = jax.random.normal(ks[4], (D_H, D_H), dtype=jnp.float32) * s2
    W_neigh2 = jax.random.normal(ks[5], (D_H, D_H), dtype=jnp.float32) * s2
    b2 = jnp.zeros((D_H,), dtype=jnp.float32)
    return {
        "x": x,
        "edge_index": edge_index,
        "W_self1": W_self1,
        "W_neigh1": W_neigh1,
        "b1": b1,
        "W_self2": W_self2,
        "W_neigh2": W_neigh2,
        "b2": b2,
    }


def reference(x, edge_index, W_self1, W_neigh1, b1, W_self2, W_neigh2, b2):
    # SageEmbedder forward: dropout(p=0 -> identity) on inputs, then n_layers SAGEConv
    # (mean aggregator, DGL-style: fc_self(h) + fc_neigh(mean_neighbors(h)) + bias),
    # no inter-layer activation, final tanh.
    src = edge_index[0]
    dst = edge_index[1]

    def sage_conv(h, Ws, Wn, b):
        msg = jnp.take(h, src, axis=0)                      # gather src features
        agg = jax.ops.segment_sum(msg, dst, num_segments=N)  # scatter-add by dst
        deg = jax.ops.segment_sum(jnp.ones((E,), dtype=h.dtype), dst, num_segments=N)
        h_neigh = agg / jnp.clip(deg, 1.0, None)[:, None]
        return h @ Ws + h_neigh @ Wn + b

    h = x.astype(jnp.float32)
    h = sage_conv(h, W_self1, W_neigh1, b1)
    h = sage_conv(h, W_self2, W_neigh2, b2)
    return jnp.tanh(h)

if __name__ == "__main__":
    import jax
    _d = setup_inputs()
    print(jax.jit(kernel)(*tuple(_d.values())))

</pallas_src>

<mosaic_0001>
#map = affine_map<(d0, d1) -> (0, 0)>
#map1 = affine_map<(d0, d1) -> (0, 0, 0)>
module attributes {stable_mosaic.version = 14 : i64} {
  func.func @body(%arg0: i32, %arg1: i32, %arg2: memref<10000x128xf32, #tpu.memory_space<hbm>>, %arg3: memref<2560x125xi32, #tpu.memory_space<hbm>>, %arg4: memref<2560x125xi32, #tpu.memory_space<hbm>>, %arg5: memref<2x10000x128xf32, #tpu.memory_space<hbm>>, %arg6: memref<16x125xi32, #tpu.memory_space<vmem>>, %arg7: memref<16x125xi32, #tpu.memory_space<vmem>>, %arg8: memref<125x128xf32, #tpu.memory_space<vmem>>, %arg9: memref<125x128xf32, #tpu.memory_space<vmem>>, %arg10: memref<128xf32, #tpu.memory_space<vmem>>, %arg11: memref<640xf32, #tpu.memory_space<vmem>>, %arg12: memref<10000x128xf32, #tpu.memory_space<vmem_shared>>, %arg13: memref<10240xf32, #tpu.memory_space<vmem_shared>>, %arg14: memref<!tpu.dma_semaphore, #tpu.memory_space<semaphore_mem>>, %arg15: memref<!tpu.dma_semaphore, #tpu.memory_space<semaphore_mem>>, %arg16: memref<!tpu.dma_semaphore, #tpu.memory_space<semaphore_mem>>) attributes {dimension_semantics = [#tpu.dimension_semantics<core_parallel>, #tpu.dimension_semantics<subcore_parallel>], iteration_bounds = array<i64: 2, 16>, scalar_prefetch = 0 : i64, scratch_operands = 11 : i64, tpu.core_type = #tpu.core_type<sc_vector_subcore>, window_params = [{transform_indices = #map}, {transform_indices = #map}, {transform_indices = #map}, {transform_indices = #map1}]} {
    %mul3A = arith.constant 16 : i32
    %mul3A_0 = arith.muli %arg0, %mul3A : i32
    %add3A = arith.addi %mul3A_0, %arg1 : i32
    %broadcast_in_dim3A = arith.constant 0.000000e+00 : f32
    %broadcast_in_dim3A_1 = vector.broadcast %broadcast_in_dim3A : f32 to vector<16xf32>
    %broadcast_in_dim3A_2 = arith.constant 1.000000e+00 : f32
    %broadcast_in_dim3A_3 = vector.broadcast %broadcast_in_dim3A_2 : f32 to vector<16xf32>
    %scan3A = arith.constant 0 : i32
    %scan3A_4 = arith.constant 0 : i32
    %scan3A_5 = arith.constant 125 : i32
    %scan3A_6 = arith.addi %scan3A_4, %scan3A_5 : i32
    %scan3A_7 = arith.constant 1 : i32
    scf.for %scan3A_127 = %scan3A_4 to %scan3A_6 step %scan3A_7  : i32 {
      %swap3A = arith.index_cast %scan3A_127 : i32 to index
      %swap3A_128 = arith.constant 0 : index
      %swap3A_129 = tpu.vector_load %arg8[%swap3A, %swap3A_128] {strides = array<i32>} : memref<125x128xf32, #tpu.memory_space<vmem>>, vector<1x16xf32>,
      %swap3A_130 = vector.shape_cast %swap3A_129 : vector<1x16xf32> to vector<16xf32>
      %swap3A_131 = vector.shape_cast %broadcast_in_dim3A_1 : vector<16xf32> to vector<1x16xf32>
      tpu.vector_store %arg8[%swap3A, %swap3A_128], %swap3A_131 {strides = array<i32>} : memref<125x128xf32, #tpu.memory_space<vmem>>, vector<1x16xf32>,
      %swap3A_132 = arith.index_cast %scan3A_127 : i32 to index
      %swap3A_133 = arith.constant 16 : index
      %swap3A_134 = tpu.vector_load %arg8[%swap3A_132, %swap3A_133] {strides = array<i32>} : memref<125x128xf32, #tpu.memory_space<vmem>>, vector<1x16xf32>,
      %swap3A_135 = vector.shape_cast %swap3A_134 : vector<1x16xf32> to vector<16xf32>
      %swap3A_136 = vector.shape_cast %broadcast_in_dim3A_1 : vector<16xf32> to vector<1x16xf32>
      tpu.vector_store %arg8[%swap3A_132, %swap3A_133], %swap3A_136 {strides = array<i32>} : memref<125x128xf32, #tpu.memory_space<vmem>>, vector<1x16xf32>,
      %swap3A_137 = arith.index_cast %scan3A_127 : i32 to index
      %swap3A_138 = arith.constant 32 : index
      %swap3A_139 = tpu.vector_load %arg8[%swap3A_137, %swap3A_138] {strides = array<i32>} : memref<125x128xf32, #tpu.memory_space<vmem>>, vector<1x16xf32>,
      %swap3A_140 = vector.shape_cast %swap3A_139 : vector<1x16xf32> to vector<16xf32>
      %swap3A_141 = vector.shape_cast %broadcast_in_dim3A_1 : vector<16xf32> to vector<1x16xf32>
      tpu.vector_store %arg8[%swap3A_137, %swap3A_138], %swap3A_141 {strides = array<i32>} : memref<125x128xf32, #tpu.memory_space<vmem>>, vector<1x16xf32>,
      %swap3A_142 = arith.index_cast %scan3A_127 : i32 to index
      %swap3A_143 = arith.constant 48 : index
      %swap3A_144 = tpu.vector_load %arg8[%swap3A_142, %swap3A_143] {strides = array<i32>} : memref<125x128xf32, #tpu.memory_space<vmem>>, vector<1x16xf32>,
      %swap3A_145 = vector.shape_cast %swap3A_144 : vector<1x16xf32> to vector<16xf32>
      %swap3A_146 = vector.shape_cast %broadcast_in_dim3A_1 : vector<16xf32> to vector<1x16xf32>
      tpu.vector_store %arg8[%swap3A_142, %swap3A_143], %swap3A_146 {strides = array<i32>} : memref<125x128xf32, #tpu.memory_space<vmem>>, vector<1x16xf32>,
      %swap3A_147 = arith.index_cast %scan3A_127 : i32 to index
      %swap3A_148 = arith.constant 64 : index
      %swap3A_149 = tpu.vector_load %arg8[%swap3A_147, %swap3A_148] {strides = array<i32>} : memref<125x128xf32, #tpu.memory_space<vmem>>, vector<1x16xf32>,
      %swap3A_150 = vector.shape_cast %swap3A_149 : vector<1x16xf32> to vector<16xf32>
      %swap3A_151 = vector.shape_cast %broadcast_in_dim3A_1 : vector<16xf32> to vector<1x16xf32>
      tpu.vector_store %arg8[%swap3A_147, %swap3A_148], %swap3A_151 {strides = array<i32>} : memref<125x128xf32, #tpu.memory_space<vmem>>, vector<1x16xf32>,
      %swap3A_152 = arith.index_cast %scan3A_127 : i32 to index
      %swap3A_153 = arith.constant 80 : index
      %swap3A_154 = tpu.vector_load %arg8[%swap3A_152, %swap3A_153] {strides = array<i32>} : memref<125x128xf32, #tpu.memory_space<vmem>>, vector<1x16xf32>,
      %swap3A_155 = vector.shape_cast %swap3A_154 : vector<1x16xf32> to vector<16xf32>
      %swap3A_156 = vector.shape_cast %broadcast_in_dim3A_1 : vector<16xf32> to vector<1x16xf32>
      tpu.vector_store %arg8[%swap3A_152, %swap3A_153], %swap3A_156 {strides = array<i32>} : memref<125x128xf32, #tpu.memory_space<vmem>>, vector<1x16xf32>,
      %swap3A_157 = arith.index_cast %scan3A_127 : i32 to index
      %swap3A_158 = arith.constant 96 : index
      %swap3A_159 = tpu.vector_load %arg8[%swap3A_157, %swap3A_158] {strides = array<i32>} : memref<125x128xf32, #tpu.memory_space<vmem>>, vector<1x16xf32>,
      %swap3A_160 = vector.shape_cast %swap3A_159 : vector<1x16xf32> to vector<16xf32>
      %swap3A_161 = vector.shape_cast %broadcast_in_dim3A_1 : vector<16xf32> to vector<1x16xf32>
      tpu.vector_store %arg8[%swap3A_157, %swap3A_158], %swap3A_161 {strides = array<i32>} : memref<125x128xf32, #tpu.memory_space<vmem>>, vector<1x16xf32>,
      %swap3A_162 = arith.index_cast %scan3A_127 : i32 to index
      %swap3A_163 = arith.constant 112 : index
      %swap3A_164 = tpu.vector_load %arg8[%swap3A_162, %swap3A_163] {strides = array<i32>} : memref<125x128xf32, #tpu.memory_space<vmem>>, vector<1x16xf32>,
      %swap3A_165 = vector.shape_cast %swap3A_164 : vector<1x16xf32> to vector<16xf32>
      %swap3A_166 = vector.shape_cast %broadcast_in_dim3A_1 : vector<16xf32> to vector<1x16xf32>
      tpu.vector_store %arg8[%swap3A_162, %swap3A_163], %swap3A_166 {strides = array<i32>} : memref<125x128xf32, #tpu.memory_space<vmem>>, vector<1x16xf32>,
    }
    %scan3A_8 = arith.constant 125 : i32
    %mul3A_9 = arith.constant 625 : i32
    %mul3A_10 = arith.muli %arg1, %mul3A_9 : i32
    %add3A_11 = arith.constant 0 : i32
    %add3A_12 = arith.addi %mul3A_10, %add3A_11 : i32
    "tpu.region"() ({
      %run_scoped3A = tpu.sem_alloc : memref<!tpu.dma_semaphore, #tpu.memory_space<semaphore_mem>>
      %dma_start3A_127 = arith.constant 0 : i32
      %dma_start3A_128 = tpu.memref_slice %arg12[%add3A_12, %dma_start3A_127] : memref<10000x128xf32, #tpu.memory_space<vmem_shared>> -> memref<125x128xf32, #tpu.memory_space<vmem_shared>>
      %dma_start3A_129 = arith.constant 0 : i32
      %dma_start3A_130 = tpu.memref_slice %arg12[%add3A_12, %dma_start3A_129] : memref<10000x128xf32, #tpu.memory_space<vmem_shared>> -> memref<125x128xf32, #tpu.memory_space<vmem_shared>>
      tpu.enqueue_dma source(%arg8 : memref<125x128xf32, #tpu.memory_space<vmem>>) target(%dma_start3A_130 : memref<125x128xf32, #tpu.memory_space<vmem_shared>>) target_semaphore(%run_scoped3A : memref<!tpu.dma_semaphore, #tpu.memory_space<semaphore_mem>>)
      %dma_wait3A_131 = arith.constant 0 : i32
      %dma_wait3A_132 = tpu.memref_slice %arg12[%add3A_12, %dma_wait3A_131] : memref<10000x128xf32, #tpu.memory_space<vmem_shared>> -> memref<125x128xf32, #tpu.memory_space<vmem_shared>>
      %dma_wait3A_133 = arith.constant 0 : i32
      %dma_wait3A_134 = tpu.memref_slice %arg12[%add3A_12, %dma_wait3A_133] : memref<10000x128xf32, #tpu.memory_space<vmem_shared>> -> memref<125x128xf32, #tpu.memory_space<vmem_shared>>
      tpu.wait_dma2 semaphore(%run_scoped3A : memref<!tpu.dma_semaphore, #tpu.memory_space<semaphore_mem>>) src(%arg8 : memref<125x128xf32, #tpu.memory_space<vmem>>) dst(%dma_wait3A_134 : memref<125x128xf32, #tpu.memory_space<vmem_shared>>)
      tpu.yield
    }) : () -> ()
    %mul3A_13 = arith.constant 625 : i32
    %mul3A_14 = arith.muli %arg1, %mul3A_13 : i32
    %add3A_15 = arith.constant 125 : i32
    %add3A_16 = arith.addi %mul3A_14, %add3A_15 : i32
    "tpu.region"() ({
      %run_scoped3A = tpu.sem_alloc : memref<!tpu.dma_semaphore, #tpu.memory_space<semaphore_mem>>
      %dma_start3A_127 = arith.constant 0 : i32
      %dma_start3A_128 = tpu.memref_slice %arg12[%add3A_16, %dma_start3A_127] : memref<10000x128xf32, #tpu.memory_space<vmem_shared>> -> memref<125x128xf32, #tpu.memory_space<vmem_shared>>
      %dma_start3A_129 = arith.constant 0 : i32
      %dma_start3A_130 = tpu.memref_slice %arg12[%add3A_16, %dma_start3A_129] : memref<10000x128xf32, #tpu.memory_space<vmem_shared>> -> memref<125x128xf32, #tpu.memory_space<vmem_shared>>
      tpu.enqueue_dma source(%arg8 : memref<125x128xf32, #tpu.memory_space<vmem>>) target(%dma_start3A_130 : memref<125x128xf32, #tpu.memory_space<vmem_shared>>) target_semaphore(%run_scoped3A : memref<!tpu.dma_semaphore, #tpu.memory_space<semaphore_mem>>)
      %dma_wait3A_131 = arith.constant 0 : i32
      %dma_wait3A_132 = tpu.memref_slice %arg12[%add3A_16, %dma_wait3A_131] : memref<10000x128xf32, #tpu.memory_space<vmem_shared>> -> memref<125x128xf32, #tpu.memory_space<vmem_shared>>
      %dma_wait3A_133 = arith.constant 0 : i32
      %dma_wait3A_134 = tpu.memref_slice %arg12[%add3A_16, %dma_wait3A_133] : memref<10000x128xf32, #tpu.memory_space<vmem_shared>> -> memref<125x128xf32, #tpu.memory_space<vmem_shared>>
      tpu.wait_dma2 semaphore(%run_scoped3A : memref<!tpu.dma_semaphore, #tpu.memory_space<semaphore_mem>>) src(%arg8 : memref<125x128xf32, #tpu.memory_space<vmem>>) dst(%dma_wait3A_134 : memref<125x128xf32, #tpu.memory_space<vmem_shared>>)
      tpu.yield
    }) : () -> ()
    %mul3A_17 = arith.constant 625 : i32
    %mul3A_18 = arith.muli %arg1, %mul3A_17 : i32
    %add3A_19 = arith.constant 250 : i32
    %add3A_20 = arith.addi %mul3A_18, %add3A_19 : i32
    "tpu.region"() ({
      %run_scoped3A = tpu.sem_alloc : memref<!tpu.dma_semaphore, #tpu.memory_space<semaphore_mem>>
      %dma_start3A_127 = arith.constant 0 : i32
      %dma_start3A_128 = tpu.memref_slice %arg12[%add3A_20, %dma_start3A_127] : memref<10000x128xf32, #tpu.memory_space<vmem_shared>> -> memref<125x128xf32, #tpu.memory_space<vmem_shared>>
      %dma_start3A_129 = arith.constant 0 : i32
      %dma_start3A_130 = tpu.memref_slice %arg12[%add3A_20, %dma_start3A_129] : memref<10000x128xf32, #tpu.memory_space<vmem_shared>> -> memref<125x128xf32, #tpu.memory_space<vmem_shared>>
      tpu.enqueue_dma source(%arg8 : memref<125x128xf32, #tpu.memory_space<vmem>>) target(%dma_start3A_130 : memref<125x128xf32, #tpu.memory_space<vmem_shared>>) target_semaphore(%run_scoped3A : memref<!tpu.dma_semaphore, #tpu.memory_space<semaphore_mem>>)
      %dma_wait3A_131 = arith.constant 0 : i32
      %dma_wait3A_132 = tpu.memref_slice %arg12[%add3A_20, %dma_wait3A_131] : memref<10000x128xf32, #tpu.memory_space<vmem_shared>> -> memref<125x128xf32, #tpu.memory_space<vmem_shared>>
      %dma_wait3A_133 = arith.constant 0 : i32
      %dma_wait3A_134 = tpu.memref_slice %arg12[%add3A_20, %dma_wait3A_133] : memref<10000x128xf32, #tpu.memory_space<vmem_shared>> -> memref<125x128xf32, #tpu.memory_space<vmem_shared>>
      tpu.wait_dma2 semaphore(%run_scoped3A : memref<!tpu.dma_semaphore, #tpu.memory_space<semaphore_mem>>) src(%arg8 : memref<125x128xf32, #tpu.memory_space<vmem>>) dst(%dma_wait3A_134 : memref<125x128xf32, #tpu.memory_space<vmem_shared>>)
      tpu.yield
    }) : () -> ()
    %mul3A_21 = arith.constant 625 : i32
    %mul3A_22 = arith.muli %arg1, %mul3A_21 : i32
    %add3A_23 = arith.constant 375 : i32
    %add3A_24 = arith.addi %mul3A_22, %add3A_23 : i32
    "tpu.region"() ({
      %run_scoped3A = tpu.sem_alloc : memref<!tpu.dma_semaphore, #tpu.memory_space<semaphore_mem>>
      %dma_start3A_127 = arith.constant 0 : i32
      %dma_start3A_128 = tpu.memref_slice %arg12[%add3A_24, %dma_start3A_127] : memref<10000x128xf32, #tpu.memory_space<vmem_shared>> -> memref<125x128xf32, #tpu.memory_space<vmem_shared>>
      %dma_start3A_129 = arith.constant 0 : i32
      %dma_start3A_130 = tpu.memref_slice %arg12[%add3A_24, %dma_start3A_129] : memref<10000x128xf32, #tpu.memory_space<vmem_shared>> -> memref<125x128xf32, #tpu.memory_space<vmem_shared>>
      tpu.enqueue_dma source(%arg8 : memref<125x128xf32, #tpu.memory_space<vmem>>) target(%dma_start3A_130 : memref<125x128xf32, #tpu.memory_space<vmem_shared>>) target_semaphore(%run_scoped3A : memref<!tpu.dma_semaphore, #tpu.memory_space<semaphore_mem>>)
      %dma_wait3A_131 = arith.constant 0 : i32
      %dma_wait3A_132 = tpu.memref_slice %arg12[%add3A_24, %dma_wait3A_131] : memref<10000x128xf32, #tpu.memory_space<vmem_shared>> -> memref<125x128xf32, #tpu.memory_space<vmem_shared>>
      %dma_wait3A_133 = arith.constant 0 : i32
      %dma_wait3A_134 = tpu.memref_slice %arg12[%add3A_24, %dma_wait3A_133] : memref<10000x128xf32, #tpu.memory_space<vmem_shared>> -> memref<125x128xf32, #tpu.memory_space<vmem_shared>>
      tpu.wait_dma2 semaphore(%run_scoped3A : memref<!tpu.dma_semaphore, #tpu.memory_space<semaphore_mem>>) src(%arg8 : memref<125x128xf32, #tpu.memory_space<vmem>>) dst(%dma_wait3A_134 : memref<125x128xf32, #tpu.memory_space<vmem_shared>>)
      tpu.yield
    }) : () -> ()
    %mul3A_25 = arith.constant 625 : i32
    %mul3A_26 = arith.muli %arg1, %mul3A_25 : i32
    %add3A_27 = arith.constant 500 : i32
    %add3A_28 = arith.addi %mul3A_26, %add3A_27 : i32
    "tpu.region"() ({
      %run_scoped3A = tpu.sem_alloc : memref<!tpu.dma_semaphore, #tpu.memory_space<semaphore_mem>>
      %dma_start3A_127 = arith.constant 0 : i32
      %dma_start3A_128 = tpu.memref_slice %arg12[%add3A_28, %dma_start3A_127] : memref<10000x128xf32, #tpu.memory_space<vmem_shared>> -> memref<125x128xf32, #tpu.memory_space<vmem_shared>>
      %dma_start3A_129 = arith.constant 0 : i32
      %dma_start3A_130 = tpu.memref_slice %arg12[%add3A_28, %dma_start3A_129] : memref<10000x128xf32, #tpu.memory_space<vmem_shared>> -> memref<125x128xf32, #tpu.memory_space<vmem_shared>>
      tpu.enqueue_dma source(%arg8 : memref<125x128xf32, #tpu.memory_space<vmem>>) target(%dma_start3A_130 : memref<125x128xf32, #tpu.memory_space<vmem_shared>>) target_semaphore(%run_scoped3A : memref<!tpu.dma_semaphore, #tpu.memory_space<semaphore_mem>>)
      %dma_wait3A_131 = arith.constant 0 : i32
      %dma_wait3A_132 = tpu.memref_slice %arg12[%add3A_28, %dma_wait3A_131] : memref<10000x128xf32, #tpu.memory_space<vmem_shared>> -> memref<125x128xf32, #tpu.memory_space<vmem_shared>>
      %dma_wait3A_133 = arith.constant 0 : i32
      %dma_wait3A_134 = tpu.memref_slice %arg12[%add3A_28, %dma_wait3A_133] : memref<10000x128xf32, #tpu.memory_space<vmem_shared>> -> memref<125x128xf32, #tpu.memory_space<vmem_shared>>
      tpu.wait_dma2 semaphore(%run_scoped3A : memref<!tpu.dma_semaphore, #tpu.memory_space<semaphore_mem>>) src(%arg8 : memref<125x128xf32, #tpu.memory_space<vmem>>) dst(%dma_wait3A_134 : memref<125x128xf32, #tpu.memory_space<vmem_shared>>)
      tpu.yield
    }) : () -> ()
    %barrier3A = arith.constant 0 : index
    tpu.barrier barrier_id(%barrier3A)
    %mul3A_29 = arith.constant 80 : i32
    %mul3A_30 = arith.muli %add3A, %mul3A_29 : i32
    %add3A_31 = arith.constant 0 : i32
    %add3A_32 = arith.addi %mul3A_30, %add3A_31 : i32
    %multiple_of3A = tpu.assume_multiple %add3A_32, 8 : i32
    %dma_start3A = arith.constant 0 : i32
    %dma_start3A_33 = arith.constant 0 : i32
    %dma_start3A_34 = tpu.memref_slice %arg6[%dma_start3A, %dma_start3A_33] : memref<16x125xi32, #tpu.memory_space<vmem>> -> memref<8x125xi32, #tpu.memory_space<vmem>>
    %dma_start3A_35 = arith.constant 0 : i32
    %dma_start3A_36 = tpu.memref_slice %arg3[%multiple_of3A, %dma_start3A_35] : memref<2560x125xi32, #tpu.memory_space<hbm>> -> memref<8x125xi32, #tpu.memory_space<hbm>>
    %dma_start3A_37 = arith.constant 0 : i32
    %dma_start3A_38 = arith.constant 0 : i32
    %dma_start3A_39 = tpu.memref_slice %arg6[%dma_start3A_37, %dma_start3A_38] : memref<16x125xi32, #tpu.memory_space<vmem>> -> memref<8x125xi32, #tpu.memory_space<vmem>>
    %dma_start3A_40 = arith.constant 0 : i32
    %dma_start3A_41 = tpu.memref_slice %arg3[%multiple_of3A, %dma_start3A_40] : memref<2560x125xi32, #tpu.memory_space<hbm>> -> memref<8x125xi32, #tpu.memory_space<hbm>>
    tpu.enqueue_dma source(%dma_start3A_41 : memref<8x125xi32, #tpu.memory_space<hbm>>) target(%dma_start3A_39 : memref<8x125xi32, #tpu.memory_space<vmem>>) target_semaphore(%arg16 : memref<!tpu.dma_semaphore, #tpu.memory_space<semaphore_mem>>)
    %dma_start3A_42 = arith.constant 0 : i32
    %dma_start3A_43 = arith.constant 0 : i32
    %dma_start3A_44 = tpu.memref_slice %arg7[%dma_start3A_42, %dma_start3A_43] : memref<16x125xi32, #tpu.memory_space<vmem>> -> memref<8x125xi32, #tpu.memory_space<vmem>>
    %dma_start3A_45 = arith.constant 0 : i32
    %dma_start3A_46 = tpu.memref_slice %arg4[%multiple_of3A, %dma_start3A_45] : memref<2560x125xi32, #tpu.memory_space<hbm>> -> memref<8x125xi32, #tpu.memory_space<hbm>>
    %dma_start3A_47 = arith.constant 0 : i32
    %dma_start3A_48 = arith.constant 0 : i32
    %dma_start3A_49 = tpu.memref_slice %arg7[%dma_start3A_47, %dma_start3A_48] : memref<16x125xi32, #tpu.memory_space<vmem>> -> memref<8x125xi32, #tpu.memory_space<vmem>>
    %dma_start3A_50 = arith.constant 0 : i32
    %dma_start3A_51 = tpu.memref_slice %arg4[%multiple_of3A, %dma_start3A_50] : memref<2560x125xi32, #tpu.memory_space<hbm>> -> memref<8x125xi32, #tpu.memory_space<hbm>>
    tpu.enqueue_dma source(%dma_start3A_51 : memref<8x125xi32, #tpu.memory_space<hbm>>) target(%dma_start3A_49 : memref<8x125xi32, #tpu.memory_space<vmem>>) target_semaphore(%arg16 : memref<!tpu.dma_semaphore, #tpu.memory_space<semaphore_mem>>)
    %mul3A_52 = arith.constant 80 : i32
    %mul3A_53 = arith.muli %add3A, %mul3A_52 : i32
    %add3A_54 = arith.constant 0 : i32
    %add3A_55 = arith.addi %mul3A_53, %add3A_54 : i32
    %multiple_of3A_56 = tpu.assume_multiple %add3A_55, 8 : i32
    %dma_wait3A = arith.constant 0 : i32
    %dma_wait3A_57 = arith.constant 0 : i32
    %dma_wait3A_58 = tpu.memref_slice %arg6[%dma_wait3A, %dma_wait3A_57] : memref<16x125xi32, #tpu.memory_space<vmem>> -> memref<8x125xi32, #tpu.memory_space<vmem>>
    %dma_wait3A_59 = arith.constant 0 : i32
    %dma_wait3A_60 = tpu.memref_slice %arg3[%multiple_of3A_56, %dma_wait3A_59] : memref<2560x125xi32, #tpu.memory_space<hbm>> -> memref<8x125xi32, #tpu.memory_space<hbm>>
    %dma_wait3A_61 = arith.constant 0 : i32
    %dma_wait3A_62 = arith.constant 0 : i32
    %dma_wait3A_63 = tpu.memref_slice %arg6[%dma_wait3A_61, %dma_wait3A_62] : memref<16x125xi32, #tpu.memory_space<vmem>> -> memref<8x125xi32, #tpu.memory_space<vmem>>
    %dma_wait3A_64 = arith.constant 0 : i32
    %dma_wait3A_65 = tpu.memref_slice %arg3[%multiple_of3A_56, %dma_wait3A_64] : memref<2560x125xi32, #tpu.memory_space<hbm>> -> memref<8x125xi32, #tpu.memory_space<hbm>>
    tpu.wait_dma2 semaphore(%arg16 : memref<!tpu.dma_semaphore, #tpu.memory_space<semaphore_mem>>) src(%dma_wait3A_65 : memref<8x125xi32, #tpu.memory_space<hbm>>) dst(%dma_wait3A_63 : memref<8x125xi32, #tpu.memory_space<vmem>>)
    %dma_wait3A_66 = arith.constant 0 : i32
    %dma_wait3A_67 = arith.constant 0 : i32
    %dma_wait3A_68 = tpu.memref_slice %arg7[%dma_wait3A_66, %dma_wait3A_67] : memref<16x125xi32, #tpu.memory_space<vmem>> -> memref<8x125xi32, #tpu.memory_space<vmem>>
    %dma_wait3A_69 = arith.constant 0 : i32
    %dma_wait3A_70 = tpu.memref_slice %arg4[%multiple_of3A_56, %dma_wait3A_69] : memref<2560x125xi32, #tpu.memory_space<hbm>> -> memref<8x125xi32, #tpu.memory_space<hbm>>
    %dma_wait3A_71 = arith.constant 0 : i32
    %dma_wait3A_72 = arith.constant 0 : i32
    %dma_wait3A_73 = tpu.memref_slice %arg7[%dma_wait3A_71, %dma_wait3A_72] : memref<16x125xi32, #tpu.memory_space<vmem>> -> memref<8x125xi32, #tpu.memory_space<vmem>>
    %dma_wait3A_74 = arith.constant 0 : i32
    %dma_wait3A_75 = tpu.memref_slice %arg4[%multiple_of3A_56, %dma_wait3A_74] : memref<2560x125xi32, #tpu.memory_space<hbm>> -> memref<8x125xi32, #tpu.memory_space<hbm>>
    tpu.wait_dma2 semaphore(%arg16 : memref<!tpu.dma_semaphore, #tpu.memory_space<semaphore_mem>>) src(%dma_wait3A_75 : memref<8x125xi32, #tpu.memory_space<hbm>>) dst(%dma_wait3A_73 : memref<8x125xi32, #tpu.memory_space<vmem>>)
    %mul3A_76 = arith.constant 80 : i32
    %mul3A_77 = arith.muli %add3A, %mul3A_76 : i32
    %add3A_78 = arith.constant 8 : i32
    %add3A_79 = arith.addi %mul3A_77, %add3A_78 : i32
    %multiple_of3A_80 = tpu.assume_multiple %add3A_79, 8 : i32
    %dma_start3A_81 = arith.constant 8 : i32
    %dma_start3A_82 = arith.constant 0 : i32
    %dma_start3A_83 = tpu.memref_slice %arg6[%dma_start3A_81, %dma_start3A_82] : memref<16x125xi32, #tpu.memory_space<vmem>> -> memref<8x125xi32, #tpu.memory_space<vmem>>
    %dma_start3A_84 = arith.constant 0 : i32
    %dma_start3A_85 = tpu.memref_slice %arg3[%multiple_of3A_80, %dma_start3A_84] : memref<2560x125xi32, #tpu.memory_space<hbm>> -> memref<8x125xi32, #tpu.memory_space<hbm>>
    %dma_start3A_86 = arith.constant 8 : i32
    %dma_start3A_87 = arith.constant 0 : i32
    %dma_start3A_88 = tpu.memref_slice %arg6[%dma_start3A_86, %dma_start3A_87] : memref<16x125xi32, #tpu.memory_space<vmem>> -> memref<8x125xi32, #tpu.memory_space<vmem>>
    %dma_start3A_89 = arith.constant 0 : i32
    %dma_start3A_90 = tpu.memref_slice %arg3[%multiple_of3A_80, %dma_start3A_89] : memref<2560x125xi32, #tpu.memory_space<hbm>> -> memref<8x125xi32, #tpu.memory_space<hbm>>
    tpu.enqueue_dma source(%dma_start3A_90 : memref<8x125xi32, #tpu.memory_space<hbm>>) target(%dma_start3A_88 : memref<8x125xi32, #tpu.memory_space<vmem>>) target_semaphore(%arg16 : memref<!tpu.dma_semaphore, #tpu.memory_space<semaphore_mem>>)
    %dma_start3A_91 = arith.constant 8 : i32
    %dma_start3A_92 = arith.constant 0 : i32
    %dma_start3A_93 = tpu.memref_slice %arg7[%dma_start3A_91, %dma_start3A_92] : memref<16x125xi32, #tpu.memory_space<vmem>> -> memref<8x125xi32, #tpu.memory_space<vmem>>
    %dma_start3A_94 = arith.constant 0 : i32
    %dma_start3A_95 = tpu.memref_slice %arg4[%multiple_of3A_80, %dma_start3A_94] : memref<2560x125xi32, #tpu.memory_space<hbm>> -> memref<8x125xi32, #tpu.memory_space<hbm>>
    %dma_start3A_96 = arith.constant 8 : i32
    %dma_start3A_97 = arith.constant 0 : i32
    %dma_start3A_98 = tpu.memref_slice %arg7[%dma_start3A_96, %dma_start3A_97] : memref<16x125xi32, #tpu.memory_space<vmem>> -> memref<8x125xi32, #tpu.memory_space<vmem>>
    %dma_start3A_99 = arith.constant 0 : i32
    %dma_start3A_100 = tpu.memref_slice %arg4[%multiple_of3A_80, %dma_start3A_99] : memref<2560x125xi32, #tpu.memory_space<hbm>> -> memref<8x125xi32, #tpu.memory_space<hbm>>
    tpu.enqueue_dma source(%dma_start3A_100 : memref<8x125xi32, #tpu.memory_space<hbm>>) target(%dma_start3A_98 : memref<8x125xi32, #tpu.memory_space<vmem>>) target_semaphore(%arg16 : memref<!tpu.dma_semaphore, #tpu.memory_space<semaphore_mem>>)
    %dma_start3A_101 = arith.constant 0 : i32
    %dma_start3A_102 = arith.constant 0 : i32
    %dma_start3A_103 = tpu.memref_slice %arg6[%dma_start3A_101, %dma_start3A_102] : memref<16x125xi32, #tpu.memory_space<vmem>> -> memref<1x125xi32, #tpu.memory_space<vmem>>
    %dma_start3A_104 = tpu.memref_squeeze %dma_start3A_103 : memref<1x125xi32, #tpu.memory_space<vmem>> -> memref<125xi32, #tpu.memory_space<vmem>>
    %dma_start3A_105 = arith.constant 0 : i32
    %dma_start3A_106 = arith.constant 0 : i32
    %dma_start3A_107 = tpu.memref_slice %arg2[%dma_start3A_105, %dma_start3A_106] : memref<10000x128xf32, #tpu.memory_space<hbm>> -> memref<10000x128xf32, #tpu.memory_space<hbm>>
    tpu.enqueue_indirect_dma source(%dma_start3A_107 : memref<10000x128xf32, #tpu.memory_space<hbm>>) target(%arg8 : memref<125x128xf32, #tpu.memory_space<vmem>>) offsets(%dma_start3A_104 : memref<125xi32, #tpu.memory_space<vmem>>) semaphore(%arg14 : memref<!tpu.dma_semaphore, #tpu.memory_space<semaphore_mem>>)
    %dma_start3A_108 = arith.constant 1 : i32
    %dma_start3A_109 = arith.constant 0 : i32
    %dma_start3A_110 = tpu.memref_slice %arg6[%dma_start3A_108, %dma_start3A_109] : memref<16x125xi32, #tpu.memory_space<vmem>> -> memref<1x125xi32, #tpu.memory_space<vmem>>
    %dma_start3A_111 = tpu.memref_squeeze %dma_start3A_110 : memref<1x125xi32, #tpu.memory_space<vmem>> -> memref<125xi32, #tpu.memory_space<vmem>>
    %dma_start3A_112 = arith.constant 0 : i32
    %dma_start3A_113 = arith.constant 0 : i32
    %dma_start3A_114 = tpu.memref_slice %arg2[%dma_start3A_112, %dma_start3A_113] : memref<10000x128xf32, #tpu.memory_space<hbm>> -> memref<10000x128xf32, #tpu.memory_space<hbm>>
    tpu.enqueue_indirect_dma source(%dma_start3A_114 : memref<10000x128xf32, #tpu.memory_space<hbm>>) target(%arg9 : memref<125x128xf32, #tpu.memory_space<vmem>>) offsets(%dma_start3A_111 : memref<125xi32, #tpu.memory_space<vmem>>) semaphore(%arg15 : memref<!tpu.dma_semaphore, #tpu.memory_space<semaphore_mem>>)
    %scan3A_115 = arith.constant 0 : i32
    %scan3A_116 = arith.constant 0 : i32
    %scan3A_117 = arith.constant 40 : i32
    %scan3A_118 = arith.addi %scan3A_116, %scan3A_117 : i32
    %scan3A_119 = arith.constant 1 : i32
    scf.for %scan3A_127 = %scan3A_116 to %scan3A_118 step %scan3A_119  : i32 {
      %mul3A_128 = arith.constant 2 : i32
      %mul3A_129 = arith.muli %scan3A_127, %mul3A_128 : i32
      %add3A_130 = arith.constant 0 : i32
      %add3A_131 = arith.addi %mul3A_129, %add3A_130 : i32
      %jit3A = arith.constant 8 : i32
      %div3A = arith.divsi %add3A_131, %jit3A : i32
      %sign3A = arith.constant 0 : i32
      %sign3A_132 = arith.cmpi sgt, %add3A_131, %sign3A : i32
      %sign3A_133 = arith.extui %sign3A_132 : i1 to i32
      %sign3A_134 = arith.constant 0 : i32
      %sign3A_135 = arith.cmpi slt, %add3A_131, %sign3A_134 : i32
      %sign3A_136 = arith.extui %sign3A_135 : i1 to i32
      %sign3A_137 = arith.subi %sign3A_133, %sign3A_136 : i32
      %sign3A_138 = arith.constant 0 : i32
      %sign3A_139 = arith.cmpi sgt, %jit3A, %sign3A_138 : i32
      %sign3A_140 = arith.extui %sign3A_139 : i1 to i32
      %sign3A_141 = arith.constant 0 : i32
      %sign3A_142 = arith.cmpi slt, %jit3A, %sign3A_141 : i32
      %sign3A_143 = arith.extui %sign3A_142 : i1 to i32
      %sign3A_144 = arith.subi %sign3A_140, %sign3A_143 : i32
      %ne3A = arith.cmpi ne, %sign3A_137, %sign3A_144 : i32
      %rem3A = arith.remsi %add3A_131, %jit3A : i32
      %ne3A_145 = arith.constant 0 : i32
      %ne3A_146 = arith.cmpi ne, %rem3A, %ne3A_145 : i32
      %and3A = arith.andi %ne3A, %ne3A_146 : i1
      %sub3A = arith.constant 1 : i32
      %sub3A_147 = arith.subi %div3A, %sub3A : i32
      %select_n3A = arith.select %and3A, %sub3A_147, %div3A : i32
      %rem3A_148 = arith.constant 2 : i32
      %rem3A_149 = arith.remsi %select_n3A, %rem3A_148 : i32
      %mul3A_150 = arith.constant 8 : i32
      %mul3A_151 = arith.muli %rem3A_149, %mul3A_150 : i32
      %rem3A_152 = arith.constant 8 : i32
      %rem3A_153 = arith.remsi %add3A_131, %rem3A_152 : i32
      %add3A_154 = arith.addi %mul3A_151, %rem3A_153 : i32
      %dma_wait3A_155 = arith.constant 0 : i32
      %dma_wait3A_156 = tpu.memref_slice %arg6[%add3A_154, %dma_wait3A_155] : memref<16x125xi32, #tpu.memory_space<vmem>> -> memref<1x125xi32, #tpu.memory_space<vmem>>
      %dma_wait3A_157 = tpu.memref_squeeze %dma_wait3A_156 : memref<1x125xi32, #tpu.memory_space<vmem>> -> memref<125xi32, #tpu.memory_space<vmem>>
      %dma_wait3A_158 = arith.constant 0 : i32
      %dma_wait3A_159 = arith.constant 0 : i32
      %dma_wait3A_160 = tpu.memref_slice %arg2[%dma_wait3A_158, %dma_wait3A_159] : memref<10000x128xf32, #tpu.memory_space<hbm>> -> memref<10000x128xf32, #tpu.memory_space<hbm>>
      tpu.wait_indirect_dma semaphore(%arg14 : memref<!tpu.dma_semaphore, #tpu.memory_space<semaphore_mem>>) src(%dma_wait3A_160 : memref<10000x128xf32, #tpu.memory_space<hbm>>) dst(%arg8 : memref<125x128xf32, #tpu.memory_space<vmem>>)
      %jit3A_161 = arith.constant 8 : i32
      %div3A_162 = arith.divsi %add3A_131, %jit3A_161 : i32
      %sign3A_163 = arith.constant 0 : i32
      %sign3A_164 = arith.cmpi sgt, %add3A_131, %sign3A_163 : i32
      %sign3A_165 = arith.extui %sign3A_164 : i1 to i32
      %sign3A_166 = arith.constant 0 : i32
      %sign3A_167 = arith.cmpi slt, %add3A_131, %sign3A_166 : i32
      %sign3A_168 = arith.extui %sign3A_167 : i1 to i32
      %sign3A_169 = arith.subi %sign3A_165, %sign3A_168 : i32
      %sign3A_170 = arith.constant 0 : i32
      %sign3A_171 = arith.cmpi sgt, %jit3A_161, %sign3A_170 : i32
      %sign3A_172 = arith.extui %sign3A_171 : i1 to i32
      %sign3A_173 = arith.constant 0 : i32
      %sign3A_174 = arith.cmpi slt, %jit3A_161, %sign3A_173 : i32
      %sign3A_175 = arith.extui %sign3A_174 : i1 to i32
      %sign3A_176 = arith.subi %sign3A_172, %sign3A_175 : i32
      %ne3A_177 = arith.cmpi ne, %sign3A_169, %sign3A_176 : i32
      %rem3A_178 = arith.remsi %add3A_131, %jit3A_161 : i32
      %ne3A_179 = arith.constant 0 : i32
      %ne3A_180 = arith.cmpi ne, %rem3A_178, %ne3A_179 : i32
      %and3A_181 = arith.andi %ne3A_177, %ne3A_180 : i1
      %sub3A_182 = arith.constant 1 : i32
      %sub3A_183 = arith.subi %div3A_162, %sub3A_182 : i32
      %select_n3A_184 = arith.select %and3A_181, %sub3A_183, %div3A_162 : i32
      %rem3A_185 = arith.constant 2 : i32
      %rem3A_186 = arith.remsi %select_n3A_184, %rem3A_185 : i32
      %mul3A_187 = arith.constant 8 : i32
      %mul3A_188 = arith.muli %rem3A_186, %mul3A_187 : i32
      %rem3A_189 = arith.constant 8 : i32
      %rem3A_190 = arith.remsi %add3A_131, %rem3A_189 : i32
      %add3A_191 = arith.addi %mul3A_188, %rem3A_190 : i32
      "tpu.region"() ({
        %run_scoped3A = tpu.sem_alloc : memref<!tpu.dma_semaphore, #tpu.memory_space<semaphore_mem>>
        %dma_start3A_315 = arith.constant 0 : i32
        %dma_start3A_316 = tpu.memref_slice %arg7[%add3A_191, %dma_start3A_315] : memref<16x125xi32, #tpu.memory_space<vmem>> -> memref<1x125xi32, #tpu.memory_space<vmem>>
        %dma_start3A_317 = tpu.memref_squeeze %dma_start3A_316 : memref<1x125xi32, #tpu.memory_space<vmem>> -> memref<125xi32, #tpu.memory_space<vmem>>
        %dma_start3A_318 = arith.constant 0 : i32
        %dma_start3A_319 = arith.constant 0 : i32
        %dma_start3A_320 = tpu.memref_slice %arg12[%dma_start3A_318, %dma_start3A_319] : memref<10000x128xf32, #tpu.memory_space<vmem_shared>> -> memref<10000x128xf32, #tpu.memory_space<vmem_shared>>
        tpu.enqueue_indirect_dma source(%arg8 : memref<125x128xf32, #tpu.memory_space<vmem>>) target(%dma_start3A_320 : memref<10000x128xf32, #tpu.memory_space<vmem_shared>>) offsets(%dma_start3A_317 : memref<125xi32, #tpu.memory_space<vmem>>) semaphore(%run_scoped3A : memref<!tpu.dma_semaphore, #tpu.memory_space<semaphore_mem>>) {add = true}
        %dma_wait3A_321 = arith.constant 0 : i32
        %dma_wait3A_322 = tpu.memref_slice %arg7[%add3A_191, %dma_wait3A_321] : memref<16x125xi32, #tpu.memory_space<vmem>> -> memref<1x125xi32, #tpu.memory_space<vmem>>
        %dma_wait3A_323 = tpu.memref_squeeze %dma_wait3A_322 : memref<1x125xi32, #tpu.memory_space<vmem>> -> memref<125xi32, #tpu.memory_space<vmem>>
        %dma_wait3A_324 = arith.constant 0 : i32
        %dma_wait3A_325 = arith.constant 0 : i32
        %dma_wait3A_326 = tpu.memref_slice %arg12[%dma_wait3A_324, %dma_wait3A_325] : memref<10000x128xf32, #tpu.memory_space<vmem_shared>> -> memref<10000x128xf32, #tpu.memory_space<vmem_shared>>
        tpu.wait_indirect_dma semaphore(%run_scoped3A : memref<!tpu.dma_semaphore, #tpu.memory_space<semaphore_mem>>) src(%arg8 : memref<125x128xf32, #tpu.memory_space<vmem>>) dst(%dma_wait3A_326 : memref<10000x128xf32, #tpu.memory_space<vmem_shared>>)
        tpu.yield
      }) : () -> ()
      %add3A_192 = arith.constant 2 : i32
      %add3A_193 = arith.addi %add3A_131, %add3A_192 : i32
      %rem3A_194 = arith.constant 8 : i32
      %rem3A_195 = arith.remsi %add3A_193, %rem3A_194 : i32
      %eq3A_196 = arith.constant 0 : i32
      %eq3A_197 = arith.cmpi eq, %rem3A_195, %eq3A_196 : i32
      %lt3A = arith.constant 80 : i32
      %lt3A_198 = arith.cmpi slt, %add3A_193, %lt3A : i32
      %and3A_199 = arith.andi %eq3A_197, %lt3A_198 : i1
      %convert_element_type3A_200 = arith.extui %and3A_199 : i1 to i32
      %cond3A_201 = arith.constant 0 : i32
      %cond3A_202 = arith.cmpi ne, %convert_element_type3A_200, %cond3A_201 : i32
      scf.if %cond3A_202 {
        %jit3A_315 = arith.constant 8 : i32
        %div3A_316 = arith.divsi %add3A_193, %jit3A_315 : i32
        %sign3A_317 = arith.constant 0 : i32
        %sign3A_318 = arith.cmpi sgt, %add3A_193, %sign3A_317 : i32
        %sign3A_319 = arith.extui %sign3A_318 : i1 to i32
        %sign3A_320 = arith.constant 0 : i32
        %sign3A_321 = arith.cmpi slt, %add3A_193, %sign3A_320 : i32
        %sign3A_322 = arith.extui %sign3A_321 : i1 to i32
        %sign3A_323 = arith.subi %sign3A_319, %sign3A_322 : i32
        %sign3A_324 = arith.constant 0 : i32
        %sign3A_325 = arith.cmpi sgt, %jit3A_315, %sign3A_324 : i32
        %sign3A_326 = arith.extui %sign3A_325 : i1 to i32
        %sign3A_327 = arith.constant 0 : i32
        %sign3A_328 = arith.cmpi slt, %jit3A_315, %sign3A_327 : i32
        %sign3A_329 = arith.extui %sign3A_328 : i1 to i32
        %sign3A_330 = arith.subi %sign3A_326, %sign3A_329 : i32
        %ne3A_331 = arith.cmpi ne, %sign3A_323, %sign3A_330 : i32
        %rem3A_332 = arith.remsi %add3A_193, %jit3A_315 : i32
        %ne3A_333 = arith.constant 0 : i32
        %ne3A_334 = arith.cmpi ne, %rem3A_332, %ne3A_333 : i32
        %and3A_335 = arith.andi %ne3A_331, %ne3A_334 : i1
        %sub3A_336 = arith.constant 1 : i32
        %sub3A_337 = arith.subi %div3A_316, %sub3A_336 : i32
        %select_n3A_338 = arith.select %and3A_335, %sub3A_337, %div3A_316 : i32
        %rem3A_339 = arith.constant 2 : i32
        %rem3A_340 = arith.remsi %select_n3A_338, %rem3A_339 : i32
        %mul3A_341 = arith.constant 80 : i32
        %mul3A_342 = arith.muli %add3A, %mul3A_341 : i32
        %mul3A_343 = arith.constant 8 : i32
        %mul3A_344 = arith.muli %select_n3A_338, %mul3A_343 : i32
        %add3A_345 = arith.addi %mul3A_342, %mul3A_344 : i32
        %multiple_of3A_346 = tpu.assume_multiple %add3A_345, 8 : i32
        %mul3A_347 = arith.constant 8 : i32
        %mul3A_348 = arith.muli %rem3A_340, %mul3A_347 : i32
        %mul3A_349 = arith.constant 8 : i32
        %mul3A_350 = arith.muli %rem3A_340, %mul3A_349 : i32
        %dma_wait3A_351 = arith.constant 0 : i32
        %dma_wait3A_352 = tpu.memref_slice %arg6[%mul3A_348, %dma_wait3A_351] : memref<16x125xi32, #tpu.memory_space<vmem>> -> memref<8x125xi32, #tpu.memory_space<vmem>>
        %dma_wait3A_353 = arith.constant 0 : i32
        %dma_wait3A_354 = tpu.memref_slice %arg3[%multiple_of3A_346, %dma_wait3A_353] : memref<2560x125xi32, #tpu.memory_space<hbm>> -> memref<8x125xi32, #tpu.memory_space<hbm>>
        %dma_wait3A_355 = arith.constant 0 : i32
        %dma_wait3A_356 = tpu.memref_slice %arg6[%mul3A_348, %dma_wait3A_355] : memref<16x125xi32, #tpu.memory_space<vmem>> -> memref<8x125xi32, #tpu.memory_space<vmem>>
        %dma_wait3A_357 = arith.constant 0 : i32
        %dma_wait3A_358 = tpu.memref_slice %arg3[%multiple_of3A_346, %dma_wait3A_357] : memref<2560x125xi32, #tpu.memory_space<hbm>> -> memref<8x125xi32, #tpu.memory_space<hbm>>
        tpu.wait_dma2 semaphore(%arg16 : memref<!tpu.dma_semaphore, #tpu.memory_space<semaphore_mem>>) src(%dma_wait3A_358 : memref<8x125xi32, #tpu.memory_space<hbm>>) dst(%dma_wait3A_356 : memref<8x125xi32, #tpu.memory_space<vmem>>)
        %dma_wait3A_359 = arith.constant 0 : i32
        %dma_wait3A_360 = tpu.memref_slice %arg7[%mul3A_350, %dma_wait3A_359] : memref<16x125xi32, #tpu.memory_space<vmem>> -> memref<8x125xi32, #tpu.memory_space<vmem>>
        %dma_wait3A_361 = arith.constant 0 : i32
        %dma_wait3A_362 = tpu.memref_slice %arg4[%multiple_of3A_346, %dma_wait3A_361] : memref<2560x125xi32, #tpu.memory_space<hbm>> -> memref<8x125xi32, #tpu.memory_space<hbm>>
        %dma_wait3A_363 = arith.constant 0 : i32
        %dma_wait3A_364 = tpu.memref_slice %arg7[%mul3A_350, %dma_wait3A_363] : memref<16x125xi32, #tpu.memory_space<vmem>> -> memref<8x125xi32, #tpu.memory_space<vmem>>
        %dma_wait3A_365 = arith.constant 0 : i32
        %dma_wait3A_366 = tpu.memref_slice %arg4[%multiple_of3A_346, %dma_wait3A_365] : memref<2560x125xi32, #tpu.memory_space<hbm>> -> memref<8x125xi32, #tpu.memory_space<hbm>>
        tpu.wait_dma2 semaphore(%arg16 : memref<!tpu.dma_semaphore, #tpu.memory_space<semaphore_mem>>) src(%dma_wait3A_366 : memref<8x125xi32, #tpu.memory_space<hbm>>) dst(%dma_wait3A_364 : memref<8x125xi32, #tpu.memory_space<vmem>>)
      } else {
      }
      %rem3A_203 = arith.constant 8 : i32
      %rem3A_204 = arith.remsi %add3A_193, %rem3A_203 : i32
      %eq3A_205 = arith.constant 1 : i32
      %eq3A_206 = arith.cmpi eq, %rem3A_204, %eq3A_205 : i32
      %lt3A_207 = arith.constant 80 : i32
      %lt3A_208 = arith.cmpi slt, %add3A_193, %lt3A_207 : i32
      %and3A_209 = arith.andi %eq3A_206, %lt3A_208 : i1
      %convert_element_type3A_210 = arith.extui %and3A_209 : i1 to i32
      %cond3A_211 = arith.constant 0 : i32
      %cond3A_212 = arith.cmpi ne, %convert_element_type3A_210, %cond3A_211 : i32
      scf.if %cond3A_212 {
        %jit3A_315 = arith.constant 8 : i32
        %div3A_316 = arith.divsi %add3A_193, %jit3A_315 : i32
        %sign3A_317 = arith.constant 0 : i32
        %sign3A_318 = arith.cmpi sgt, %add3A_193, %sign3A_317 : i32
        %sign3A_319 = arith.extui %sign3A_318 : i1 to i32
        %sign3A_320 = arith.constant 0 : i32
        %sign3A_321 = arith.cmpi slt, %add3A_193, %sign3A_320 : i32
        %sign3A_322 = arith.extui %sign3A_321 : i1 to i32
        %sign3A_323 = arith.subi %sign3A_319, %sign3A_322 : i32
        %sign3A_324 = arith.constant 0 : i32
        %sign3A_325 = arith.cmpi sgt, %jit3A_315, %sign3A_324 : i32
        %sign3A_326 = arith.extui %sign3A_325 : i1 to i32
        %sign3A_327 = arith.constant 0 : i32
        %sign3A_328 = arith.cmpi slt, %jit3A_315, %sign3A_327 : i32
        %sign3A_329 = arith.extui %sign3A_328 : i1 to i32
        %sign3A_330 = arith.subi %sign3A_326, %sign3A_329 : i32
        %ne3A_331 = arith.cmpi ne, %sign3A_323, %sign3A_330 : i32
        %rem3A_332 = arith.remsi %add3A_193, %jit3A_315 : i32
        %ne3A_333 = arith.constant 0 : i32
        %ne3A_334 = arith.cmpi ne, %rem3A_332, %ne3A_333 : i32
        %and3A_335 = arith.andi %ne3A_331, %ne3A_334 : i1
        %sub3A_336 = arith.constant 1 : i32
        %sub3A_337 = arith.subi %div3A_316, %sub3A_336 : i32
        %select_n3A_338 = arith.select %and3A_335, %sub3A_337, %div3A_316 : i32
        %add3A_339 = arith.constant 1 : i32
        %add3A_340 = arith.addi %select_n3A_338, %add3A_339 : i32
        %lt3A_341 = arith.constant 10 : i32
        %lt3A_342 = arith.cmpi slt, %add3A_340, %lt3A_341 : i32
        %convert_element_type3A_343 = arith.extui %lt3A_342 : i1 to i32
        %cond3A_344 = arith.constant 0 : i32
        %cond3A_345 = arith.cmpi ne, %convert_element_type3A_343, %cond3A_344 : i32
        scf.if %cond3A_345 {
          %rem3A_346 = arith.constant 2 : i32
          %rem3A_347 = arith.remsi %add3A_340, %rem3A_346 : i32
          %mul3A_348 = arith.constant 80 : i32
          %mul3A_349 = arith.muli %add3A, %mul3A_348 : i32
          %mul3A_350 = arith.constant 8 : i32
          %mul3A_351 = arith.muli %add3A_340, %mul3A_350 : i32
          %add3A_352 = arith.addi %mul3A_349, %mul3A_351 : i32
          %multiple_of3A_353 = tpu.assume_multiple %add3A_352, 8 : i32
          %mul3A_354 = arith.constant 8 : i32
          %mul3A_355 = arith.muli %rem3A_347, %mul3A_354 : i32
          %mul3A_356 = arith.constant 8 : i32
          %mul3A_357 = arith.muli %rem3A_347, %mul3A_356 : i32
          %dma_start3A_358 = arith.constant 0 : i32
          %dma_start3A_359 = tpu.memref_slice %arg6[%mul3A_355, %dma_start3A_358] : memref<16x125xi32, #tpu.memory_space<vmem>> -> memref<8x125xi32, #tpu.memory_space<vmem>>
          %dma_start3A_360 = arith.constant 0 : i32
          %dma_start3A_361 = tpu.memref_slice %arg3[%multiple_of3A_353, %dma_start3A_360] : memref<2560x125xi32, #tpu.memory_space<hbm>> -> memref<8x125xi32, #tpu.memory_space<hbm>>
          %dma_start3A_362 = arith.constant 0 : i32
          %dma_start3A_363 = tpu.memref_slice %arg6[%mul3A_355, %dma_start3A_362] : memref<16x125xi32, #tpu.memory_space<vmem>> -> memref<8x125xi32, #tpu.memory_space<vmem>>
          %dma_start3A_364 = arith.constant 0 : i32
          %dma_start3A_365 = tpu.memref_slice %arg3[%multiple_of3A_353, %dma_start3A_364] : memref<2560x125xi32, #tpu.memory_space<hbm>> -> memref<8x125xi32, #tpu.memory_space<hbm>>
          tpu.enqueue_dma source(%dma_start3A_365 : memref<8x125xi32, #tpu.memory_space<hbm>>) target(%dma_start3A_363 : memref<8x125xi32, #tpu.memory_space<vmem>>) target_semaphore(%arg16 : memref<!tpu.dma_semaphore, #tpu.memory_space<semaphore_mem>>)
          %dma_start3A_366 = arith.constant 0 : i32
          %dma_start3A_367 = tpu.memref_slice %arg7[%mul3A_357, %dma_start3A_366] : memref<16x125xi32, #tpu.memory_space<vmem>> -> memref<8x125xi32, #tpu.memory_space<vmem>>
          %dma_start3A_368 = arith.constant 0 : i32
          %dma_start3A_369 = tpu.memref_slice %arg4[%multiple_of3A_353, %dma_start3A_368] : memref<2560x125xi32, #tpu.memory_space<hbm>> -> memref<8x125xi32, #tpu.memory_space<hbm>>
          %dma_start3A_370 = arith.constant 0 : i32
          %dma_start3A_371 = tpu.memref_slice %arg7[%mul3A_357, %dma_start3A_370] : memref<16x125xi32, #tpu.memory_space<vmem>> -> memref<8x125xi32, #tpu.memory_space<vmem>>
          %dma_start3A_372 = arith.constant 0 : i32
          %dma_start3A_373 = tpu.memref_slice %arg4[%multiple_of3A_353, %dma_start3A_372] : memref<2560x125xi32, #tpu.memory_space<hbm>> -> memref<8x125xi32, #tpu.memory_space<hbm>>
          tpu.enqueue_dma source(%dma_start3A_373 : memref<8x125xi32, #tpu.memory_space<hbm>>) target(%dma_start3A_371 : memref<8x125xi32, #tpu.memory_space<vmem>>) target_semaphore(%arg16 : memref<!tpu.dma_semaphore, #tpu.memory_space<semaphore_mem>>)
        } else {
        }
      } else {
      }
      %lt3A_213 = arith.constant 80 : i32
      %lt3A_214 = arith.cmpi slt, %add3A_193, %lt3A_213 : i32
      %convert_element_type3A_215 = arith.extui %lt3A_214 : i1 to i32
      %cond3A_216 = arith.constant 0 : i32
      %cond3A_217 = arith.cmpi ne, %convert_element_type3A_215, %cond3A_216 : i32
      scf.if %cond3A_217 {
        %jit3A_315 = arith.constant 8 : i32
        %div3A_316 = arith.divsi %add3A_193, %jit3A_315 : i32
        %sign3A_317 = arith.constant 0 : i32
        %sign3A_318 = arith.cmpi sgt, %add3A_193, %sign3A_317 : i32
        %sign3A_319 = arith.extui %sign3A_318 : i1 to i32
        %sign3A_320 = arith.constant 0 : i32
        %sign3A_321 = arith.cmpi slt, %add3A_193, %sign3A_320 : i32
        %sign3A_322 = arith.extui %sign3A_321 : i1 to i32
        %sign3A_323 = arith.subi %sign3A_319, %sign3A_322 : i32
        %sign3A_324 = arith.constant 0 : i32
        %sign3A_325 = arith.cmpi sgt, %jit3A_315, %sign3A_324 : i32
        %sign3A_326 = arith.extui %sign3A_325 : i1 to i32
        %sign3A_327 = arith.constant 0 : i32
        %sign3A_328 = arith.cmpi slt, %jit3A_315, %sign3A_327 : i32
        %sign3A_329 = arith.extui %sign3A_328 : i1 to i32
        %sign3A_330 = arith.subi %sign3A_326, %sign3A_329 : i32
        %ne3A_331 = arith.cmpi ne, %sign3A_323, %sign3A_330 : i32
        %rem3A_332 = arith.remsi %add3A_193, %jit3A_315 : i32
        %ne3A_333 = arith.constant 0 : i32
        %ne3A_334 = arith.cmpi ne, %rem3A_332, %ne3A_333 : i32
        %and3A_335 = arith.andi %ne3A_331, %ne3A_334 : i1
        %sub3A_336 = arith.constant 1 : i32
        %sub3A_337 = arith.subi %div3A_316, %sub3A_336 : i32
        %select_n3A_338 = arith.select %and3A_335, %sub3A_337, %div3A_316 : i32
        %rem3A_339 = arith.constant 2 : i32
        %rem3A_340 = arith.remsi %select_n3A_338, %rem3A_339 : i32
        %mul3A_341 = arith.constant 8 : i32
        %mul3A_342 = arith.muli %rem3A_340, %mul3A_341 : i32
        %rem3A_343 = arith.constant 8 : i32
        %rem3A_344 = arith.remsi %add3A_193, %rem3A_343 : i32
        %add3A_345 = arith.addi %mul3A_342, %rem3A_344 : i32
        %dma_start3A_346 = arith.constant 0 : i32
        %dma_start3A_347 = tpu.memref_slice %arg6[%add3A_345, %dma_start3A_346] : memref<16x125xi32, #tpu.memory_space<vmem>> -> memref<1x125xi32, #tpu.memory_space<vmem>>
        %dma_start3A_348 = tpu.memref_squeeze %dma_start3A_347 : memref<1x125xi32, #tpu.memory_space<vmem>> -> memref<125xi32, #tpu.memory_space<vmem>>
        %dma_start3A_349 = arith.constant 0 : i32
        %dma_start3A_350 = arith.constant 0 : i32
        %dma_start3A_351 = tpu.memref_slice %arg2[%dma_start3A_349, %dma_start3A_350] : memref<10000x128xf32, #tpu.memory_space<hbm>> -> memref<10000x128xf32, #tpu.memory_space<hbm>>
        tpu.enqueue_indirect_dma source(%dma_start3A_351 : memref<10000x128xf32, #tpu.memory_space<hbm>>) target(%arg8 : memref<125x128xf32, #tpu.memory_space<vmem>>) offsets(%dma_start3A_348 : memref<125xi32, #tpu.memory_space<vmem>>) semaphore(%arg14 : memref<!tpu.dma_semaphore, #tpu.memory_space<semaphore_mem>>)
      } else {
      }
      %add3A_218 = arith.constant 1 : i32
      %add3A_219 = arith.addi %mul3A_129, %add3A_218 : i32
      %jit3A_220 = arith.constant 8 : i32
      %div3A_221 = arith.divsi %add3A_219, %jit3A_220 : i32
      %sign3A_222 = arith.constant 0 : i32
      %sign3A_223 = arith.cmpi sgt, %add3A_219, %sign3A_222 : i32
      %sign3A_224 = arith.extui %sign3A_223 : i1 to i32
      %sign3A_225 = arith.constant 0 : i32
      %sign3A_226 = arith.cmpi slt, %add3A_219, %sign3A_225 : i32
      %sign3A_227 = arith.extui %sign3A_226 : i1 to i32
      %sign3A_228 = arith.subi %sign3A_224, %sign3A_227 : i32
      %sign3A_229 = arith.constant 0 : i32
      %sign3A_230 = arith.cmpi sgt, %jit3A_220, %sign3A_229 : i32
      %sign3A_231 = arith.extui %sign3A_230 : i1 to i32
      %sign3A_232 = arith.constant 0 : i32
      %sign3A_233 = arith.cmpi slt, %jit3A_220, %sign3A_232 : i32
      %sign3A_234 = arith.extui %sign3A_233 : i1 to i32
      %sign3A_235 = arith.subi %sign3A_231, %sign3A_234 : i32
      %ne3A_236 = arith.cmpi ne, %sign3A_228, %sign3A_235 : i32
      %rem3A_237 = arith.remsi %add3A_219, %jit3A_220 : i32
      %ne3A_238 = arith.constant 0 : i32
      %ne3A_239 = arith.cmpi ne, %rem3A_237, %ne3A_238 : i32
      %and3A_240 = arith.andi %ne3A_236, %ne3A_239 : i1
      %sub3A_241 = arith.constant 1 : i32
      %sub3A_242 = arith.subi %div3A_221, %sub3A_241 : i32
      %select_n3A_243 = arith.select %and3A_240, %sub3A_242, %div3A_221 : i32
      %rem3A_244 = arith.constant 2 : i32
      %rem3A_245 = arith.remsi %select_n3A_243, %rem3A_244 : i32
      %mul3A_246 = arith.constant 8 : i32
      %mul3A_247 = arith.muli %rem3A_245, %mul3A_246 : i32
      %rem3A_248 = arith.constant 8 : i32
      %rem3A_249 = arith.remsi %add3A_219, %rem3A_248 : i32
      %add3A_250 = arith.addi %mul3A_247, %rem3A_249 : i32
      %dma_wait3A_251 = arith.constant 0 : i32
      %dma_wait3A_252 = tpu.memref_slice %arg6[%add3A_250, %dma_wait3A_251] : memref<16x125xi32, #tpu.memory_space<vmem>> -> memref<1x125xi32, #tpu.memory_space<vmem>>
      %dma_wait3A_253 = tpu.memref_squeeze %dma_wait3A_252 : memref<1x125xi32, #tpu.memory_space<vmem>> -> memref<125xi32, #tpu.memory_space<vmem>>
      %dma_wait3A_254 = arith.constant 0 : i32
      %dma_wait3A_255 = arith.constant 0 : i32
      %dma_wait3A_256 = tpu.memref_slice %arg2[%dma_wait3A_254, %dma_wait3A_255] : memref<10000x128xf32, #tpu.memory_space<hbm>> -> memref<10000x128xf32, #tpu.memory_space<hbm>>
      tpu.wait_indirect_dma semaphore(%arg15 : memref<!tpu.dma_semaphore, #tpu.memory_space<semaphore_mem>>) src(%dma_wait3A_256 : memref<10000x128xf32, #tpu.memory_space<hbm>>) dst(%arg9 : memref<125x128xf32, #tpu.memory_space<vmem>>)
      %jit3A_257 = arith.constant 8 : i32
      %div3A_258 = arith.divsi %add3A_219, %jit3A_257 : i32
      %sign3A_259 = arith.constant 0 : i32
      %sign3A_260 = arith.cmpi sgt, %add3A_219, %sign3A_259 : i32
      %sign3A_261 = arith.extui %sign3A_260 : i1 to i32
      %sign3A_262 = arith.constant 0 : i32
      %sign3A_263 = arith.cmpi slt, %add3A_219, %sign3A_262 : i32
      %sign3A_264 = arith.extui %sign3A_263 : i1 to i32
      %sign3A_265 = arith.subi %sign3A_261, %sign3A_264 : i32
      %sign3A_266 = arith.constant 0 : i32
      %sign3A_267 = arith.cmpi sgt, %jit3A_257, %sign3A_266 : i32
      %sign3A_268 = arith.extui %sign3A_267 : i1 to i32
      %sign3A_269 = arith.constant 0 : i32
      %sign3A_270 = arith.cmpi slt, %jit3A_257, %sign3A_269 : i32
      %sign3A_271 = arith.extui %sign3A_270 : i1 to i32
      %sign3A_272 = arith.subi %sign3A_268, %sign3A_271 : i32
      %ne3A_273 = arith.cmpi ne, %sign3A_265, %sign3A_272 : i32
      %rem3A_274 = arith.remsi %add3A_219, %jit3A_257 : i32
      %ne3A_275 = arith.constant 0 : i32
      %ne3A_276 = arith.cmpi ne, %rem3A_274, %ne3A_275 : i32
      %and3A_277 = arith.andi %ne3A_273, %ne3A_276 : i1
      %sub3A_278 = arith.constant 1 : i32
      %sub3A_279 = arith.subi %div3A_258, %sub3A_278 : i32
      %select_n3A_280 = arith.select %and3A_277, %sub3A_279, %div3A_258 : i32
      %rem3A_281 = arith.constant 2 : i32
      %rem3A_282 = arith.remsi %select_n3A_280, %rem3A_281 : i32
      %mul3A_283 = arith.constant 8 : i32
      %mul3A_284 = arith.muli %rem3A_282, %mul3A_283 : i32
      %rem3A_285 = arith.constant 8 : i32
      %rem3A_286 = arith.remsi %add3A_219, %rem3A_285 : i32
      %add3A_287 = arith.addi %mul3A_284, %rem3A_286 : i32
      "tpu.region"() ({
        %run_scoped3A = tpu.sem_alloc : memref<!tpu.dma_semaphore, #tpu.memory_space<semaphore_mem>>
        %dma_start3A_315 = arith.constant 0 : i32
        %dma_start3A_316 = tpu.memref_slice %arg7[%add3A_287, %dma_start3A_315] : memref<16x125xi32, #tpu.memory_space<vmem>> -> memref<1x125xi32, #tpu.memory_space<vmem>>
        %dma_start3A_317 = tpu.memref_squeeze %dma_start3A_316 : memref<1x125xi32, #tpu.memory_space<vmem>> -> memref<125xi32, #tpu.memory_space<vmem>>
        %dma_start3A_318 = arith.constant 0 : i32
        %dma_start3A_319 = arith.constant 0 : i32
        %dma_start3A_320 = tpu.memref_slice %arg12[%dma_start3A_318, %dma_start3A_319] : memref<10000x128xf32, #tpu.memory_space<vmem_shared>> -> memref<10000x128xf32, #tpu.memory_space<vmem_shared>>
        tpu.enqueue_indirect_dma source(%arg9 : memref<125x128xf32, #tpu.memory_space<vmem>>) target(%dma_start3A_320 : memref<10000x128xf32, #tpu.memory_space<vmem_shared>>) offsets(%dma_start3A_317 : memref<125xi32, #tpu.memory_space<vmem>>) semaphore(%run_scoped3A : memref<!tpu.dma_semaphore, #tpu.memory_space<semaphore_mem>>) {add = true}
        %dma_wait3A_321 = arith.constant 0 : i32
        %dma_wait3A_322 = tpu.memref_slice %arg7[%add3A_287, %dma_wait3A_321] : memref<16x125xi32, #tpu.memory_space<vmem>> -> memref<1x125xi32, #tpu.memory_space<vmem>>
        %dma_wait3A_323 = tpu.memref_squeeze %dma_wait3A_322 : memref<1x125xi32, #tpu.memory_space<vmem>> -> memref<125xi32, #tpu.memory_space<vmem>>
        %dma_wait3A_324 = arith.constant 0 : i32
        %dma_wait3A_325 = arith.constant 0 : i32
        %dma_wait3A_326 = tpu.memref_slice %arg12[%dma_wait3A_324, %dma_wait3A_325] : memref<10000x128xf32, #tpu.memory_space<vmem_shared>> -> memref<10000x128xf32, #tpu.memory_space<vmem_shared>>
        tpu.wait_indirect_dma semaphore(%run_scoped3A : memref<!tpu.dma_semaphore, #tpu.memory_space<semaphore_mem>>) src(%arg9 : memref<125x128xf32, #tpu.memory_space<vmem>>) dst(%dma_wait3A_326 : memref<10000x128xf32, #tpu.memory_space<vmem_shared>>)
        tpu.yield
      }) : () -> ()
      %add3A_288 = arith.constant 2 : i32
      %add3A_289 = arith.addi %add3A_219, %add3A_288 : i32
      %rem3A_290 = arith.constant 8 : i32
      %rem3A_291 = arith.remsi %add3A_289, %rem3A_290 : i32
      %eq3A_292 = arith.constant 0 : i32
      %eq3A_293 = arith.cmpi eq, %rem3A_291, %eq3A_292 : i32
      %lt3A_294 = arith.constant 80 : i32
      %lt3A_295 = arith.cmpi slt, %add3A_289, %lt3A_294 : i32
      %and3A_296 = arith.andi %eq3A_293, %lt3A_295 : i1
      %convert_element_type3A_297 = arith.extui %and3A_296 : i1 to i32
      %cond3A_298 = arith.constant 0 : i32
      %cond3A_299 = arith.cmpi ne, %convert_element_type3A_297, %cond3A_298 : i32
      scf.if %cond3A_299 {
        %jit3A_315 = arith.constant 8 : i32
        %div3A_316 = arith.divsi %add3A_289, %jit3A_315 : i32
        %sign3A_317 = arith.constant 0 : i32
        %sign3A_318 = arith.cmpi sgt, %add3A_289, %sign3A_317 : i32
        %sign3A_319 = arith.extui %sign3A_318 : i1 to i32
        %sign3A_320 = arith.constant 0 : i32
        %sign3A_321 = arith.cmpi slt, %add3A_289, %sign3A_320 : i32
        %sign3A_322 = arith.extui %sign3A_321 : i1 to i32
        %sign3A_323 = arith.subi %sign3A_319, %sign3A_322 : i32
        %sign3A_324 = arith.constant 0 : i32
        %sign3A_325 = arith.cmpi sgt, %jit3A_315, %sign3A_324 : i32
        %sign3A_326 = arith.extui %sign3A_325 : i1 to i32
        %sign3A_327 = arith.constant 0 : i32
        %sign3A_328 = arith.cmpi slt, %jit3A_315, %sign3A_327 : i32
        %sign3A_329 = arith.extui %sign3A_328 : i1 to i32
        %sign3A_330 = arith.subi %sign3A_326, %sign3A_329 : i32
        %ne3A_331 = arith.cmpi ne, %sign3A_323, %sign3A_330 : i32
        %rem3A_332 = arith.remsi %add3A_289, %jit3A_315 : i32
        %ne3A_333 = arith.constant 0 : i32
        %ne3A_334 = arith.cmpi ne, %rem3A_332, %ne3A_333 : i32
        %and3A_335 = arith.andi %ne3A_331, %ne3A_334 : i1
        %sub3A_336 = arith.constant 1 : i32
        %sub3A_337 = arith.subi %div3A_316, %sub3A_336 : i32
        %select_n3A_338 = arith.select %and3A_335, %sub3A_337, %div3A_316 : i32
        %rem3A_339 = arith.constant 2 : i32
        %rem3A_340 = arith.remsi %select_n3A_338, %rem3A_339 : i32
        %mul3A_341 = arith.constant 80 : i32
        %mul3A_342 = arith.muli %add3A, %mul3A_341 : i32
        %mul3A_343 = arith.constant 8 : i32
        %mul3A_344 = arith.muli %select_n3A_338, %mul3A_343 : i32
        %add3A_345 = arith.addi %mul3A_342, %mul3A_344 : i32
        %multiple_of3A_346 = tpu.assume_multiple %add3A_345, 8 : i32
        %mul3A_347 = arith.constant 8 : i32
        %mul3A_348 = arith.muli %rem3A_340, %mul3A_347 : i32
        %mul3A_349 = arith.constant 8 : i32
        %mul3A_350 = arith.muli %rem3A_340, %mul3A_349 : i32
        %dma_wait3A_351 = arith.constant 0 : i32
        %dma_wait3A_352 = tpu.memref_slice %arg6[%mul3A_348, %dma_wait3A_351] : memref<16x125xi32, #tpu.memory_space<vmem>> -> memref<8x125xi32, #tpu.memory_space<vmem>>
        %dma_wait3A_353 = arith.constant 0 : i32
        %dma_wait3A_354 = tpu.memref_slice %arg3[%multiple_of3A_346, %dma_wait3A_353] : memref<2560x125xi32, #tpu.memory_space<hbm>> -> memref<8x125xi32, #tpu.memory_space<hbm>>
        %dma_wait3A_355 = arith.constant 0 : i32
        %dma_wait3A_356 = tpu.memref_slice %arg6[%mul3A_348, %dma_wait3A_355] : memref<16x125xi32, #tpu.memory_space<vmem>> -> memref<8x125xi32, #tpu.memory_space<vmem>>
        %dma_wait3A_357 = arith.constant 0 : i32
        %dma_wait3A_358 = tpu.memref_slice %arg3[%multiple_of3A_346, %dma_wait3A_357] : memref<2560x125xi32, #tpu.memory_space<hbm>> -> memref<8x125xi32, #tpu.memory_space<hbm>>
        tpu.wait_dma2 semaphore(%arg16 : memref<!tpu.dma_semaphore, #tpu.memory_space<semaphore_mem>>) src(%dma_wait3A_358 : memref<8x125xi32, #tpu.memory_space<hbm>>) dst(%dma_wait3A_356 : memref<8x125xi32, #tpu.memory_space<vmem>>)
        %dma_wait3A_359 = arith.constant 0 : i32
        %dma_wait3A_360 = tpu.memref_slice %arg7[%mul3A_350, %dma_wait3A_359] : memref<16x125xi32, #tpu.memory_space<vmem>> -> memref<8x125xi32, #tpu.memory_space<vmem>>
        %dma_wait3A_361 = arith.constant 0 : i32
        %dma_wait3A_362 = tpu.memref_slice %arg4[%multiple_of3A_346, %dma_wait3A_361] : memref<2560x125xi32, #tpu.memory_space<hbm>> -> memref<8x125xi32, #tpu.memory_space<hbm>>
        %dma_wait3A_363 = arith.constant 0 : i32
        %dma_wait3A_364 = tpu.memref_slice %arg7[%mul3A_350, %dma_wait3A_363] : memref<16x125xi32, #tpu.memory_space<vmem>> -> memref<8x125xi32, #tpu.memory_space<vmem>>
        %dma_wait3A_365 = arith.constant 0 : i32
        %dma_wait3A_366 = tpu.memref_slice %arg4[%multiple_of3A_346, %dma_wait3A_365] : memref<2560x125xi32, #tpu.memory_space<hbm>> -> memref<8x125xi32, #tpu.memory_space<hbm>>
        tpu.wait_dma2 semaphore(%arg16 : memref<!tpu.dma_semaphore, #tpu.memory_space<semaphore_mem>>) src(%dma_wait3A_366 : memref<8x125xi32, #tpu.memory_space<hbm>>) dst(%dma_wait3A_364 : memref<8x125xi32, #tpu.memory_space<vmem>>)
      } else {
      }
      %rem3A_300 = arith.constant 8 : i32
      %rem3A_301 = arith.remsi %add3A_289, %rem3A_300 : i32
      %eq3A_302 = arith.constant 1 : i32
      %eq3A_303 = arith.cmpi eq, %rem3A_301, %eq3A_302 : i32
      %lt3A_304 = arith.constant 80 : i32
      %lt3A_305 = arith.cmpi slt, %add3A_289, %lt3A_304 : i32
      %and3A_306 = arith.andi %eq3A_303, %lt3A_305 : i1
      %convert_element_type3A_307 = arith.extui %and3A_306 : i1 to i32
      %cond3A_308 = arith.constant 0 : i32
      %cond3A_309 = arith.cmpi ne, %convert_element_type3A_307, %cond3A_308 : i32
      scf.if %cond3A_309 {
        %jit3A_315 = arith.constant 8 : i32
        %div3A_316 = arith.divsi %add3A_289, %jit3A_315 : i32
        %sign3A_317 = arith.constant 0 : i32
        %sign3A_318 = arith.cmpi sgt, %add3A_289, %sign3A_317 : i32
        %sign3A_319 = arith.extui %sign3A_318 : i1 to i32
        %sign3A_320 = arith.constant 0 : i32
        %sign3A_321 = arith.cmpi slt, %add3A_289, %sign3A_320 : i32
        %sign3A_322 = arith.extui %sign3A_321 : i1 to i32
        %sign3A_323 = arith.subi %sign3A_319, %sign3A_322 : i32
        %sign3A_324 = arith.constant 0 : i32
        %sign3A_325 = arith.cmpi sgt, %jit3A_315, %sign3A_324 : i32
        %sign3A_326 = arith.extui %sign3A_325 : i1 to i32
        %sign3A_327 = arith.constant 0 : i32
        %sign3A_328 = arith.cmpi slt, %jit3A_315, %sign3A_327 : i32
        %sign3A_329 = arith.extui %sign3A_328 : i1 to i32
        %sign3A_330 = arith.subi %sign3A_326, %sign3A_329 : i32
        %ne3A_331 = arith.cmpi ne, %sign3A_323, %sign3A_330 : i32
        %rem3A_332 = arith.remsi %add3A_289, %jit3A_315 : i32
        %ne3A_333 = arith.constant 0 : i32
        %ne3A_334 = arith.cmpi ne, %rem3A_332, %ne3A_333 : i32
        %and3A_335 = arith.andi %ne3A_331, %ne3A_334 : i1
        %sub3A_336 = arith.constant 1 : i32
        %sub3A_337 = arith.subi %div3A_316, %sub3A_336 : i32
        %select_n3A_338 = arith.select %and3A_335, %sub3A_337, %div3A_316 : i32
        %add3A_339 = arith.constant 1 : i32
        %add3A_340 = arith.addi %select_n3A_338, %add3A_339 : i32
        %lt3A_341 = arith.constant 10 : i32
        %lt3A_342 = arith.cmpi slt, %add3A_340, %lt3A_341 : i32
        %convert_element_type3A_343 = arith.extui %lt3A_342 : i1 to i32
        %cond3A_344 = arith.constant 0 : i32
        %cond3A_345 = arith.cmpi ne, %convert_element_type3A_343, %cond3A_344 : i32
        scf.if %cond3A_345 {
          %rem3A_346 = arith.constant 2 : i32
          %rem3A_347 = arith.remsi %add3A_340, %rem3A_346 : i32
          %mul3A_348 = arith.constant 80 : i32
          %mul3A_349 = arith.muli %add3A, %mul3A_348 : i32
          %mul3A_350 = arith.constant 8 : i32
          %mul3A_351 = arith.muli %add3A_340, %mul3A_350 : i32
          %add3A_352 = arith.addi %mul3A_349, %mul3A_351 : i32
          %multiple_of3A_353 = tpu.assume_multiple %add3A_352, 8 : i32
          %mul3A_354 = arith.constant 8 : i32
          %mul3A_355 = arith.muli %rem3A_347, %mul3A_354 : i32
          %mul3A_356 = arith.constant 8 : i32
          %mul3A_357 = arith.muli %rem3A_347, %mul3A_356 : i32
          %dma_start3A_358 = arith.constant 0 : i32
          %dma_start3A_359 = tpu.memref_slice %arg6[%mul3A_355, %dma_start3A_358] : memref<16x125xi32, #tpu.memory_space<vmem>> -> memref<8x125xi32, #tpu.memory_space<vmem>>
          %dma_start3A_360 = arith.constant 0 : i32
          %dma_start3A_361 = tpu.memref_slice %arg3[%multiple_of3A_353, %dma_start3A_360] : memref<2560x125xi32, #tpu.memory_space<hbm>> -> memref<8x125xi32, #tpu.memory_space<hbm>>
          %dma_start3A_362 = arith.constant 0 : i32
          %dma_start3A_363 = tpu.memref_slice %arg6[%mul3A_355, %dma_start3A_362] : memref<16x125xi32, #tpu.memory_space<vmem>> -> memref<8x125xi32, #tpu.memory_space<vmem>>
          %dma_start3A_364 = arith.constant 0 : i32
          %dma_start3A_365 = tpu.memref_slice %arg3[%multiple_of3A_353, %dma_start3A_364] : memref<2560x125xi32, #tpu.memory_space<hbm>> -> memref<8x125xi32, #tpu.memory_space<hbm>>
          tpu.enqueue_dma source(%dma_start3A_365 : memref<8x125xi32, #tpu.memory_space<hbm>>) target(%dma_start3A_363 : memref<8x125xi32, #tpu.memory_space<vmem>>) target_semaphore(%arg16 : memref<!tpu.dma_semaphore, #tpu.memory_space<semaphore_mem>>)
          %dma_start3A_366 = arith.constant 0 : i32
          %dma_start3A_367 = tpu.memref_slice %arg7[%mul3A_357, %dma_start3A_366] : memref<16x125xi32, #tpu.memory_space<vmem>> -> memref<8x125xi32, #tpu.memory_space<vmem>>
          %dma_start3A_368 = arith.constant 0 : i32
          %dma_start3A_369 = tpu.memref_slice %arg4[%multiple_of3A_353, %dma_start3A_368] : memref<2560x125xi32, #tpu.memory_space<hbm>> -> memref<8x125xi32, #tpu.memory_space<hbm>>
          %dma_start3A_370 = arith.constant 0 : i32
          %dma_start3A_371 = tpu.memref_slice %arg7[%mul3A_357, %dma_start3A_370] : memref<16x125xi32, #tpu.memory_space<vmem>> -> memref<8x125xi32, #tpu.memory_space<vmem>>
          %dma_start3A_372 = arith.constant 0 : i32
          %dma_start3A_373 = tpu.memref_slice %arg4[%multiple_of3A_353, %dma_start3A_372] : memref<2560x125xi32, #tpu.memory_space<hbm>> -> memref<8x125xi32, #tpu.memory_space<hbm>>
          tpu.enqueue_dma source(%dma_start3A_373 : memref<8x125xi32, #tpu.memory_space<hbm>>) target(%dma_start3A_371 : memref<8x125xi32, #tpu.memory_space<vmem>>) target_semaphore(%arg16 : memref<!tpu.dma_semaphore, #tpu.memory_space<semaphore_mem>>)
        } else {
        }
      } else {
      }
      %lt3A_310 = arith.constant 80 : i32
      %lt3A_311 = arith.cmpi slt, %add3A_289, %lt3A_310 : i32
      %convert_element_type3A_312 = arith.extui %lt3A_311 : i1 to i32
      %cond3A_313 = arith.constant 0 : i32
      %cond3A_314 = arith.cmpi ne, %convert_element_type3A_312, %cond3A_313 : i32
      scf.if %cond3A_314 {
        %jit3A_315 = arith.constant 8 : i32
        %div3A_316 = arith.divsi %add3A_289, %jit3A_315 : i32
        %sign3A_317 = arith.constant 0 : i32
        %sign3A_318 = arith.cmpi sgt, %add3A_289, %sign3A_317 : i32
        %sign3A_319 = arith.extui %sign3A_318 : i1 to i32
        %sign3A_320 = arith.constant 0 : i32
        %sign3A_321 = arith.cmpi slt, %add3A_289, %sign3A_320 : i32
        %sign3A_322 = arith.extui %sign3A_321 : i1 to i32
        %sign3A_323 = arith.subi %sign3A_319, %sign3A_322 : i32
        %sign3A_324 = arith.constant 0 : i32
        %sign3A_325 = arith.cmpi sgt, %jit3A_315, %sign3A_324 : i32
        %sign3A_326 = arith.extui %sign3A_325 : i1 to i32
        %sign3A_327 = arith.constant 0 : i32
        %sign3A_328 = arith.cmpi slt, %jit3A_315, %sign3A_327 : i32
        %sign3A_329 = arith.extui %sign3A_328 : i1 to i32
        %sign3A_330 = arith.subi %sign3A_326, %sign3A_329 : i32
        %ne3A_331 = arith.cmpi ne, %sign3A_323, %sign3A_330 : i32
        %rem3A_332 = arith.remsi %add3A_289, %jit3A_315 : i32
        %ne3A_333 = arith.constant 0 : i32
        %ne3A_334 = arith.cmpi ne, %rem3A_332, %ne3A_333 : i32
        %and3A_335 = arith.andi %ne3A_331, %ne3A_334 : i1
        %sub3A_336 = arith.constant 1 : i32
        %sub3A_337 = arith.subi %div3A_316, %sub3A_336 : i32
        %select_n3A_338 = arith.select %and3A_335, %sub3A_337, %div3A_316 : i32
        %rem3A_339 = arith.constant 2 : i32
        %rem3A_340 = arith.remsi %select_n3A_338, %rem3A_339 : i32
        %mul3A_341 = arith.constant 8 : i32
        %mul3A_342 = arith.muli %rem3A_340, %mul3A_341 : i32
        %rem3A_343 = arith.constant 8 : i32
        %rem3A_344 = arith.remsi %add3A_289, %rem3A_343 : i32
        %add3A_345 = arith.addi %mul3A_342, %rem3A_344 : i32
        %dma_start3A_346 = arith.constant 0 : i32
        %dma_start3A_347 = tpu.memref_slice %arg6[%add3A_345, %dma_start3A_346] : memref<16x125xi32, #tpu.memory_space<vmem>> -> memref<1x125xi32, #tpu.memory_space<vmem>>
        %dma_start3A_348 = tpu.memref_squeeze %dma_start3A_347 : memref<1x125xi32, #tpu.memory_space<vmem>> -> memref<125xi32, #tpu.memory_space<vmem>>
        %dma_start3A_349 = arith.constant 0 : i32
        %dma_start3A_350 = arith.constant 0 : i32
        %dma_start3A_351 = tpu.memref_slice %arg2[%dma_start3A_349, %dma_start3A_350] : memref<10000x128xf32, #tpu.memory_space<hbm>> -> memref<10000x128xf32, #tpu.memory_space<hbm>>
        tpu.enqueue_indirect_dma source(%dma_start3A_351 : memref<10000x128xf32, #tpu.memory_space<hbm>>) target(%arg9 : memref<125x128xf32, #tpu.memory_space<vmem>>) offsets(%dma_start3A_348 : memref<125xi32, #tpu.memory_space<vmem>>) semaphore(%arg15 : memref<!tpu.dma_semaphore, #tpu.memory_space<semaphore_mem>>)
      } else {
      }
    }
    %scan3A_120 = arith.constant 40 : i32
    %barrier3A_121 = arith.constant 0 : index
    tpu.barrier barrier_id(%barrier3A_121)
    %mul3A_122 = arith.constant 624 : i32
    %mul3A_123 = arith.muli %arg1, %mul3A_122 : i32
    %multiple_of3A_124 = tpu.assume_multiple %mul3A_123, 8 : i32
    "tpu.region"() ({
      %run_scoped3A = tpu.sem_alloc : memref<!tpu.dma_semaphore, #tpu.memory_space<semaphore_mem>>
      %dma_start3A_127 = arith.constant 0 : i32
      %dma_start3A_128 = tpu.memref_slice %arg5[%arg0, %multiple_of3A_124, %dma_start3A_127] : memref<2x10000x128xf32, #tpu.memory_space<hbm>> -> memref<1x624x128xf32, #tpu.memory_space<hbm>>
      %dma_start3A_129 = tpu.memref_squeeze %dma_start3A_128 : memref<1x624x128xf32, #tpu.memory_space<hbm>> -> memref<624x128xf32, #tpu.memory_space<hbm>>
      %dma_start3A_130 = arith.constant 0 : i32
      %dma_start3A_131 = tpu.memref_slice %arg12[%multiple_of3A_124, %dma_start3A_130] : memref<10000x128xf32, #tpu.memory_space<vmem_shared>> -> memref<624x128xf32, #tpu.memory_space<vmem_shared>>
      tpu.enqueue_dma source(%dma_start3A_131 : memref<624x128xf32, #tpu.memory_space<vmem_shared>>) target(%dma_start3A_129 : memref<624x128xf32, #tpu.memory_space<hbm>>) target_semaphore(%run_scoped3A : memref<!tpu.dma_semaphore, #tpu.memory_space<semaphore_mem>>)
      %dma_wait3A_132 = arith.constant 0 : i32
      %dma_wait3A_133 = tpu.memref_slice %arg5[%arg0, %multiple_of3A_124, %dma_wait3A_132] : memref<2x10000x128xf32, #tpu.memory_space<hbm>> -> memref<1x624x128xf32, #tpu.memory_space<hbm>>
      %dma_wait3A_134 = tpu.memref_squeeze %dma_wait3A_133 : memref<1x624x128xf32, #tpu.memory_space<hbm>> -> memref<624x128xf32, #tpu.memory_space<hbm>>
      %dma_wait3A_135 = arith.constant 0 : i32
      %dma_wait3A_136 = tpu.memref_slice %arg12[%multiple_of3A_124, %dma_wait3A_135] : memref<10000x128xf32, #tpu.memory_space<vmem_shared>> -> memref<624x128xf32, #tpu.memory_space<vmem_shared>>
      tpu.wait_dma2 semaphore(%run_scoped3A : memref<!tpu.dma_semaphore, #tpu.memory_space<semaphore_mem>>) src(%dma_wait3A_136 : memref<624x128xf32, #tpu.memory_space<vmem_shared>>) dst(%dma_wait3A_134 : memref<624x128xf32, #tpu.memory_space<hbm>>)
      tpu.yield
    }) : () -> ()
    %eq3A = arith.constant 15 : i32
    %eq3A_125 = arith.cmpi eq, %arg1, %eq3A : i32
    %convert_element_type3A = arith.extui %eq3A_125 : i1 to i32
    %cond3A = arith.constant 0 : i32
    %cond3A_126 = arith.cmpi ne, %convert_element_type3A, %cond3A : i32
    scf.if %cond3A_126 {
      "tpu.region"() ({
        %run_scoped3A = tpu.sem_alloc : memref<!tpu.dma_semaphore, #tpu.memory_space<semaphore_mem>>
        %dma_start3A_127 = arith.constant 9984 : i32
        %dma_start3A_128 = arith.constant 0 : i32
        %dma_start3A_129 = tpu.memref_slice %arg5[%arg0, %dma_start3A_127, %dma_start3A_128] : memref<2x10000x128xf32, #tpu.memory_space<hbm>> -> memref<1x16x128xf32, #tpu.memory_space<hbm>>
        %dma_start3A_130 = tpu.memref_squeeze %dma_start3A_129 : memref<1x16x128xf32, #tpu.memory_space<hbm>> -> memref<16x128xf32, #tpu.memory_space<hbm>>
        %dma_start3A_131 = arith.constant 9984 : i32
        %dma_start3A_132 = arith.constant 0 : i32
        %dma_start3A_133 = tpu.memref_slice %arg12[%dma_start3A_131, %dma_start3A_132] : memref<10000x128xf32, #tpu.memory_space<vmem_shared>> -> memref<16x128xf32, #tpu.memory_space<vmem_shared>>
        tpu.enqueue_dma source(%dma_start3A_133 : memref<16x128xf32, #tpu.memory_space<vmem_shared>>) target(%dma_start3A_130 : memref<16x128xf32, #tpu.memory_space<hbm>>) target_semaphore(%run_scoped3A : memref<!tpu.dma_semaphore, #tpu.memory_space<semaphore_mem>>)
        %dma_wait3A_134 = arith.constant 9984 : i32
        %dma_wait3A_135 = arith.constant 0 : i32
        %dma_wait3A_136 = tpu.memref_slice %arg5[%arg0, %dma_wait3A_134, %dma_wait3A_135] : memref<2x10000x128xf32, #tpu.memory_space<hbm>> -> memref<1x16x128xf32, #tpu.memory_space<hbm>>
        %dma_wait3A_137 = tpu.memref_squeeze %dma_wait3A_136 : memref<1x16x128xf32, #tpu.memory_space<hbm>> -> memref<16x128xf32, #tpu.memory_space<hbm>>
        %dma_wait3A_138 = arith.constant 9984 : i32
        %dma_wait3A_139 = arith.constant 0 : i32
        %dma_wait3A_140 = tpu.memref_slice %arg12[%dma_wait3A_138, %dma_wait3A_139] : memref<10000x128xf32, #tpu.memory_space<vmem_shared>> -> memref<16x128xf32, #tpu.memory_space<vmem_shared>>
        tpu.wait_dma2 semaphore(%run_scoped3A : memref<!tpu.dma_semaphore, #tpu.memory_space<semaphore_mem>>) src(%dma_wait3A_140 : memref<16x128xf32, #tpu.memory_space<vmem_shared>>) dst(%dma_wait3A_137 : memref<16x128xf32, #tpu.memory_space<hbm>>)
        tpu.yield
      }) : () -> ()
    } else {
    }
    return
  }
}

#map = affine_map<(d0, d1) -> (0, 0)>
#map1 = affine_map<(d0, d1) -> (0, 0, 0)>
module attributes {stable_mosaic.version = 14 : i64} {
  func.func @body(%arg0: i32, %arg1: i32, %arg2: memref<10000x128xf32, #tpu.memory_space<hbm>>, %arg3: memref<2560x125xi32, #tpu.memory_space<hbm>>, %arg4: memref<2560x125xi32, #tpu.memory_space<hbm>>, %arg5: memref<2x10000x128xf32, #tpu.memory_space<hbm>>, %arg6: memref<2x10240xf32, #tpu.memory_space<hbm>>, %arg7: memref<16x125xi32, #tpu.memory_space<vmem>>, %arg8: memref<16x125xi32, #tpu.memory_space<vmem>>, %arg9: memref<125x128xf32, #tpu.memory_space<vmem>>, %arg10: memref<125x128xf32, #tpu.memory_space<vmem>>, %arg11: memref<128xf32, #tpu.memory_space<vmem>>, %arg12: memref<640xf32, #tpu.memory_space<vmem>>, %arg13: memref<10000x128xf32, #tpu.memory_space<vmem_shared>>, %arg14: memref<10240xf32, #tpu.memory_space<vmem_shared>>, %arg15: memref<!tpu.dma_semaphore, #tpu.memory_space<semaphore_mem>>, %arg16: memref<!tpu.dma_semaphore, #tpu.memory_space<semaphore_mem>>, %arg17: memref<!tpu.dma_semaphore, #tpu.memory_space<semaphore_mem>>) attributes {dimension_semantics = [#tpu.dimension_semantics<core_parallel>, #tpu.dimension_semantics<subcore_parallel>], iteration_bounds = array<i64: 2, 16>, scalar_prefetch = 0 : i64, scratch_operands = 11 : i64, tpu.core_type = #tpu.core_type<sc_vector_subcore>, window_params = [{transform_indices = #map}, {transform_indices = #map}, {transform_indices = #map}, {transform_indices = #map1}, {transform_indices = #map}]} {
    %mul3A = arith.constant 16 : i32
    %mul3A_0 = arith.muli %arg0, %mul3A : i32
    %add3A = arith.addi %mul3A_0, %arg1 : i32
    %broadcast_in_dim3A = arith.constant 0.000000e+00 : f32
    %broadcast_in_dim3A_1 = vector.broadcast %broadcast_in_dim3A : f32 to vector<16xf32>
    %broadcast_in_dim3A_2 = arith.constant 1.000000e+00 : f32
    %broadcast_in_dim3A_3 = vector.broadcast %broadcast_in_dim3A_2 : f32 to vector<16xf32>
    %scan3A = arith.constant 0 : i32
    %scan3A_4 = arith.constant 0 : i32
    %scan3A_5 = arith.constant 125 : i32
    %scan3A_6 = arith.addi %scan3A_4, %scan3A_5 : i32
    %scan3A_7 = arith.constant 1 : i32
    scf.for %scan3A_325 = %scan3A_4 to %scan3A_6 step %scan3A_7  : i32 {
      %swap3A_326 = arith.index_cast %scan3A_325 : i32 to index
      %swap3A_327 = arith.constant 0 : index
      %swap3A_328 = tpu.vector_load %arg9[%swap3A_326, %swap3A_327] {strides = array<i32>} : memref<125x128xf32, #tpu.memory_space<vmem>>, vector<1x16xf32>,
      %swap3A_329 = vector.shape_cast %swap3A_328 : vector<1x16xf32> to vector<16xf32>
      %swap3A_330 = vector.shape_cast %broadcast_in_dim3A_1 : vector<16xf32> to vector<1x16xf32>
      tpu.vector_store %arg9[%swap3A_326, %swap3A_327], %swap3A_330 {strides = array<i32>} : memref<125x128xf32, #tpu.memory_space<vmem>>, vector<1x16xf32>,
      %swap3A_331 = arith.index_cast %scan3A_325 : i32 to index
      %swap3A_332 = arith.constant 16 : index
      %swap3A_333 = tpu.vector_load %arg9[%swap3A_331, %swap3A_332] {strides = array<i32>} : memref<125x128xf32, #tpu.memory_space<vmem>>, vector<1x16xf32>,
      %swap3A_334 = vector.shape_cast %swap3A_333 : vector<1x16xf32> to vector<16xf32>
      %swap3A_335 = vector.shape_cast %broadcast_in_dim3A_1 : vector<16xf32> to vector<1x16xf32>
      tpu.vector_store %arg9[%swap3A_331, %swap3A_332], %swap3A_335 {strides = array<i32>} : memref<125x128xf32, #tpu.memory_space<vmem>>, vector<1x16xf32>,
      %swap3A_336 = arith.index_cast %scan3A_325 : i32 to index
      %swap3A_337 = arith.constant 32 : index
      %swap3A_338 = tpu.vector_load %arg9[%swap3A_336, %swap3A_337] {strides = array<i32>} : memref<125x128xf32, #tpu.memory_space<vmem>>, vector<1x16xf32>,
      %swap3A_339 = vector.shape_cast %swap3A_338 : vector<1x16xf32> to vector<16xf32>
      %swap3A_340 = vector.shape_cast %broadcast_in_dim3A_1 : vector<16xf32> to vector<1x16xf32>
      tpu.vector_store %arg9[%swap3A_336, %swap3A_337], %swap3A_340 {strides = array<i32>} : memref<125x128xf32, #tpu.memory_space<vmem>>, vector<1x16xf32>,
      %swap3A_341 = arith.index_cast %scan3A_325 : i32 to index
      %swap3A_342 = arith.constant 48 : index
      %swap3A_343 = tpu.vector_load %arg9[%swap3A_341, %swap3A_342] {strides = array<i32>} : memref<125x128xf32, #tpu.memory_space<vmem>>, vector<1x16xf32>,
      %swap3A_344 = vector.shape_cast %swap3A_343 : vector<1x16xf32> to vector<16xf32>
      %swap3A_345 = vector.shape_cast %broadcast_in_dim3A_1 : vector<16xf32> to vector<1x16xf32>
      tpu.vector_store %arg9[%swap3A_341, %swap3A_342], %swap3A_345 {strides = array<i32>} : memref<125x128xf32, #tpu.memory_space<vmem>>, vector<1x16xf32>,
      %swap3A_346 = arith.index_cast %scan3A_325 : i32 to index
      %swap3A_347 = arith.constant 64 : index
      %swap3A_348 = tpu.vector_load %arg9[%swap3A_346, %swap3A_347] {strides = array<i32>} : memref<125x128xf32, #tpu.memory_space<vmem>>, vector<1x16xf32>,
      %swap3A_349 = vector.shape_cast %swap3A_348 : vector<1x16xf32> to vector<16xf32>
      %swap3A_350 = vector.shape_cast %broadcast_in_dim3A_1 : vector<16xf32> to vector<1x16xf32>
      tpu.vector_store %arg9[%swap3A_346, %swap3A_347], %swap3A_350 {strides = array<i32>} : memref<125x128xf32, #tpu.memory_space<vmem>>, vector<1x16xf32>,
      %swap3A_351 = arith.index_cast %scan3A_325 : i32 to index
      %swap3A_352 = arith.constant 80 : index
      %swap3A_353 = tpu.vector_load %arg9[%swap3A_351, %swap3A_352] {strides = array<i32>} : memref<125x128xf32, #tpu.memory_space<vmem>>, vector<1x16xf32>,
      %swap3A_354 = vector.shape_cast %swap3A_353 : vector<1x16xf32> to vector<16xf32>
      %swap3A_355 = vector.shape_cast %broadcast_in_dim3A_1 : vector<16xf32> to vector<1x16xf32>
      tpu.vector_store %arg9[%swap3A_351, %swap3A_352], %swap3A_355 {strides = array<i32>} : memref<125x128xf32, #tpu.memory_space<vmem>>, vector<1x16xf32>,
      %swap3A_356 = arith.index_cast %scan3A_325 : i32 to index
      %swap3A_357 = arith.constant 96 : index
      %swap3A_358 = tpu.vector_load %arg9[%swap3A_356, %swap3A_357] {strides = array<i32>} : memref<125x128xf32, #tpu.memory_space<vmem>>, vector<1x16xf32>,
      %swap3A_359 = vector.shape_cast %swap3A_358 : vector<1x16xf32> to vector<16xf32>
      %swap3A_360 = vector.shape_cast %broadcast_in_dim3A_1 : vector<16xf32> to vector<1x16xf32>
      tpu.vector_store %arg9[%swap3A_356, %swap3A_357], %swap3A_360 {strides = array<i32>} : memref<125x128xf32, #tpu.memory_space<vmem>>, vector<1x16xf32>,
      %swap3A_361 = arith.index_cast %scan3A_325 : i32 to index
      %swap3A_362 = arith.constant 112 : index
      %swap3A_363 = tpu.vector_load %arg9[%swap3A_361, %swap3A_362] {strides = array<i32>} : memref<125x128xf32, #tpu.memory_space<vmem>>, vector<1x16xf32>,
      %swap3A_364 = vector.shape_cast %swap3A_363 : vector<1x16xf32> to vector<16xf32>
      %swap3A_365 = vector.shape_cast %broadcast_in_dim3A_1 : vector<16xf32> to vector<1x16xf32>
      tpu.vector_store %arg9[%swap3A_361, %swap3A_362], %swap3A_365 {strides = array<i32>} : memref<125x128xf32, #tpu.memory_space<vmem>>, vector<1x16xf32>,
    }
    %scan3A_8 = arith.constant 125 : i32
    %swap3A = arith.constant 0 : index
    %swap3A_9 = tpu.vector_load %arg11[%swap3A] {strides = array<i32>} : memref<128xf32, #tpu.memory_space<vmem>>, vector<16xf32>,
    %swap3A_10 = vector.shape_cast %swap3A_9 : vector<16xf32> to vector<16xf32>
    %swap3A_11 = vector.shape_cast %broadcast_in_dim3A_3 : vector<16xf32> to vector<16xf32>
    tpu.vector_store %arg11[%swap3A], %swap3A_11 {strides = array<i32>} : memref<128xf32, #tpu.memory_space<vmem>>, vector<16xf32>,
    %swap3A_12 = arith.constant 16 : index
    %swap3A_13 = tpu.vector_load %arg11[%swap3A_12] {strides = array<i32>} : memref<128xf32, #tpu.memory_space<vmem>>, vector<16xf32>,
    %swap3A_14 = vector.shape_cast %swap3A_13 : vector<16xf32> to vector<16xf32>
    %swap3A_15 = vector.shape_cast %broadcast_in_dim3A_3 : vector<16xf32> to vector<16xf32>
    tpu.vector_store %arg11[%swap3A_12], %swap3A_15 {strides = array<i32>} : memref<128xf32, #tpu.memory_space<vmem>>, vector<16xf32>,
    %swap3A_16 = arith.constant 32 : index
    %swap3A_17 = tpu.vector_load %arg11[%swap3A_16] {strides = array<i32>} : memref<128xf32, #tpu.memory_space<vmem>>, vector<16xf32>,
    %swap3A_18 = vector.shape_cast %swap3A_17 : vector<16xf32> to vector<16xf32>
    %swap3A_19 = vector.shape_cast %broadcast_in_dim3A_3 : vector<16xf32> to vector<16xf32>
    tpu.vector_store %arg11[%swap3A_16], %swap3A_19 {strides = array<i32>} : memref<128xf32, #tpu.memory_space<vmem>>, vector<16xf32>,
    %swap3A_20 = arith.constant 48 : index
    %swap3A_21 = tpu.vector_load %arg11[%swap3A_20] {strides = array<i32>} : memref<128xf32, #tpu.memory_space<vmem>>, vector<16xf32>,
    %swap3A_22 = vector.shape_cast %swap3A_21 : vector<16xf32> to vector<16xf32>
    %swap3A_23 = vector.shape_cast %broadcast_in_dim3A_3 : vector<16xf32> to vector<16xf32>
    tpu.vector_store %arg11[%swap3A_20], %swap3A_23 {strides = array<i32>} : memref<128xf32, #tpu.memory_space<vmem>>, vector<16xf32>,
    %swap3A_24 = arith.constant 64 : index
    %swap3A_25 = tpu.vector_load %arg11[%swap3A_24] {strides = array<i32>} : memref<128xf32, #tpu.memory_space<vmem>>, vector<16xf32>,
    %swap3A_26 = vector.shape_cast %swap3A_25 : vector<16xf32> to vector<16xf32>
    %swap3A_27 = vector.shape_cast %broadcast_in_dim3A_3 : vector<16xf32> to vector<16xf32>
    tpu.vector_store %arg11[%swap3A_24], %swap3A_27 {strides = array<i32>} : memref<128xf32, #tpu.memory_space<vmem>>, vector<16xf32>,
    %swap3A_28 = arith.constant 80 : index
    %swap3A_29 = tpu.vector_load %arg11[%swap3A_28] {strides = array<i32>} : memref<128xf32, #tpu.memory_space<vmem>>, vector<16xf32>,
    %swap3A_30 = vector.shape_cast %swap3A_29 : vector<16xf32> to vector<16xf32>
    %swap3A_31 = vector.shape_cast %broadcast_in_dim3A_3 : vector<16xf32> to vector<16xf32>
    tpu.vector_store %arg11[%swap3A_28], %swap3A_31 {strides = array<i32>} : memref<128xf32, #tpu.memory_space<vmem>>, vector<16xf32>,
    %swap3A_32 = arith.constant 96 : index
    %swap3A_33 = tpu.vector_load %arg11[%swap3A_32] {strides = array<i32>} : memref<128xf32, #tpu.memory_space<vmem>>, vector<16xf32>,
    %swap3A_34 = vector.shape_cast %swap3A_33 : vector<16xf32> to vector<16xf32>
    %swap3A_35 = vector.shape_cast %broadcast_in_dim3A_3 : vector<16xf32> to vector<16xf32>
    tpu.vector_store %arg11[%swap3A_32], %swap3A_35 {strides = array<i32>} : memref<128xf32, #tpu.memory_space<vmem>>, vector<16xf32>,
    %swap3A_36 = arith.constant 112 : index
    %swap3A_37 = tpu.vector_load %arg11[%swap3A_36] {strides = array<i32>} : memref<128xf32, #tpu.memory_space<vmem>>, vector<16xf32>,
    %swap3A_38 = vector.shape_cast %swap3A_37 : vector<16xf32> to vector<16xf32>
    %swap3A_39 = vector.shape_cast %broadcast_in_dim3A_3 : vector<16xf32> to vector<16xf32>
    tpu.vector_store %arg11[%swap3A_36], %swap3A_39 {strides = array<i32>} : memref<128xf32, #tpu.memory_space<vmem>>, vector<16xf32>,
    %swap3A_40 = arith.constant 0 : index
    %swap3A_41 = tpu.vector_load %arg12[%swap3A_40] {strides = array<i32>} : memref<640xf32, #tpu.memory_space<vmem>>, vector<16xf32>,
    %swap3A_42 = vector.shape_cast %swap3A_41 : vector<16xf32> to vector<16xf32>
    %swap3A_43 = vector.shape_cast %broadcast_in_dim3A_1 : vector<16xf32> to vector<16xf32>
    tpu.vector_store %arg12[%swap3A_40], %swap3A_43 {strides = array<i32>} : memref<640xf32, #tpu.memory_space<vmem>>, vector<16xf32>,
    %swap3A_44 = arith.constant 16 : index
    %swap3A_45 = tpu.vector_load %arg12[%swap3A_44] {strides = array<i32>} : memref<640xf32, #tpu.memory_space<vmem>>, vector<16xf32>,
    %swap3A_46 = vector.shape_cast %swap3A_45 : vector<16xf32> to vector<16xf32>
    %swap3A_47 = vector.shape_cast %broadcast_in_dim3A_1 : vector<16xf32> to vector<16xf32>
    tpu.vector_store %arg12[%swap3A_44], %swap3A_47 {strides = array<i32>} : memref<640xf32, #tpu.memory_space<vmem>>, vector<16xf32>,
    %swap3A_48 = arith.constant 32 : index
    %swap3A_49 = tpu.vector_load %arg12[%swap3A_48] {strides = array<i32>} : memref<640xf32, #tpu.memory_space<vmem>>, vector<16xf32>,
    %swap3A_50 = vector.shape_cast %swap3A_49 : vector<16xf32> to vector<16xf32>
    %swap3A_51 = vector.shape_cast %broadcast_in_dim3A_1 : vector<16xf32> to vector<16xf32>
    tpu.vector_store %arg12[%swap3A_48], %swap3A_51 {strides = array<i32>} : memref<640xf32, #tpu.memory_space<vmem>>, vector<16xf32>,
    %swap3A_52 = arith.constant 48 : index
    %swap3A_53 = tpu.vector_load %arg12[%swap3A_52] {strides = array<i32>} : memref<640xf32, #tpu.memory_space<vmem>>, vector<16xf32>,
    %swap3A_54 = vector.shape_cast %swap3A_53 : vector<16xf32> to vector<16xf32>
    %swap3A_55 = vector.shape_cast %broadcast_in_dim3A_1 : vector<16xf32> to vector<16xf32>
    tpu.vector_store %arg12[%swap3A_52], %swap3A_55 {strides = array<i32>} : memref<640xf32, #tpu.memory_space<vmem>>, vector<16xf32>,
    %swap3A_56 = arith.constant 64 : index
    %swap3A_57 = tpu.vector_load %arg12[%swap3A_56] {strides = array<i32>} : memref<640xf32, #tpu.memory_space<vmem>>, vector<16xf32>,
    %swap3A_58 = vector.shape_cast %swap3A_57 : vector<16xf32> to vector<16xf32>
    %swap3A_59 = vector.shape_cast %broadcast_in_dim3A_1 : vector<16xf32> to vector<16xf32>
    tpu.vector_store %arg12[%swap3A_56], %swap3A_59 {strides = array<i32>} : memref<640xf32, #tpu.memory_space<vmem>>, vector<16xf32>,
    %swap3A_60 = arith.constant 80 : index
    %swap3A_61 = tpu.vector_load %arg12[%swap3A_60] {strides = array<i32>} : memref<640xf32, #tpu.memory_space<vmem>>, vector<16xf32>,
    %swap3A_62 = vector.shape_cast %swap3A_61 : vector<16xf32> to vector<16xf32>
    %swap3A_63 = vector.shape_cast %broadcast_in_dim3A_1 : vector<16xf32> to vector<16xf32>
    tpu.vector_store %arg12[%swap3A_60], %swap3A_63 {strides = array<i32>} : memref<640xf32, #tpu.memory_space<vmem>>, vector<16xf32>,
    %swap3A_64 = arith.constant 96 : index
    %swap3A_65 = tpu.vector_load %arg12[%swap3A_64] {strides = array<i32>} : memref<640xf32, #tpu.memory_space<vmem>>, vector<16xf32>,
    %swap3A_66 = vector.shape_cast %swap3A_65 : vector<16xf32> to vector<16xf32>
    %swap3A_67 = vector.shape_cast %broadcast_in_dim3A_1 : vector<16xf32> to vector<16xf32>
    tpu.vector_store %arg12[%swap3A_64], %swap3A_67 {strides = array<i32>} : memref<640xf32, #tpu.memory_space<vmem>>, vector<16xf32>,
    %swap3A_68 = arith.constant 112 : index
    %swap3A_69 = tpu.vector_load %arg12[%swap3A_68] {strides = array<i32>} : memref<640xf32, #tpu.memory_space<vmem>>, vector<16xf32>,
    %swap3A_70 = vector.shape_cast %swap3A_69 : vector<16xf32> to vector<16xf32>
    %swap3A_71 = vector.shape_cast %broadcast_in_dim3A_1 : vector<16xf32> to vector<16xf32>
    tpu.vector_store %arg12[%swap3A_68], %swap3A_71 {strides = array<i32>} : memref<640xf32, #tpu.memory_space<vmem>>, vector<16xf32>,
    %swap3A_72 = arith.constant 128 : index
    %swap3A_73 = tpu.vector_load %arg12[%swap3A_72] {strides = array<i32>} : memref<640xf32, #tpu.memory_space<vmem>>, vector<16xf32>,
    %swap3A_74 = vector.shape_cast %swap3A_73 : vector<16xf32> to vector<16xf32>
    %swap3A_75 = vector.shape_cast %broadcast_in_dim3A_1 : vector<16xf32> to vector<16xf32>
    tpu.vector_store %arg12[%swap3A_72], %swap3A_75 {strides = array<i32>} : memref<640xf32, #tpu.memory_space<vmem>>, vector<16xf32>,
    %swap3A_76 = arith.constant 144 : index
    %swap3A_77 = tpu.vector_load %arg12[%swap3A_76] {strides = array<i32>} : memref<640xf32, #tpu.memory_space<vmem>>, vector<16xf32>,
    %swap3A_78 = vector.shape_cast %swap3A_77 : vector<16xf32> to vector<16xf32>
    %swap3A_79 = vector.shape_cast %broadcast_in_dim3A_1 : vector<16xf32> to vector<16xf32>
    tpu.vector_store %arg12[%swap3A_76], %swap3A_79 {strides = array<i32>} : memref<640xf32, #tpu.memory_space<vmem>>, vector<16xf32>,
    %swap3A_80 = arith.constant 160 : index
    %swap3A_81 = tpu.vector_load %arg12[%swap3A_80] {strides = array<i32>} : memref<640xf32, #tpu.memory_space<vmem>>, vector<16xf32>,
    %swap3A_82 = vector.shape_cast %swap3A_81 : vector<16xf32> to vector<16xf32>
    %swap3A_83 = vector.shape_cast %broadcast_in_dim3A_1 : vector<16xf32> to vector<16xf32>
    tpu.vector_store %arg12[%swap3A_80], %swap3A_83 {strides = array<i32>} : memref<640xf32, #tpu.memory_space<vmem>>, vector<16xf32>,
    %swap3A_84 = arith.constant 176 : index
    %swap3A_85 = tpu.vector_load %arg12[%swap3A_84] {strides = array<i32>} : memref<640xf32, #tpu.memory_space<vmem>>, vector<16xf32>,
    %swap3A_86 = vector.shape_cast %swap3A_85 : vector<16xf32> to vector<16xf32>
    %swap3A_87 = vector.shape_cast %broadcast_in_dim3A_1 : vector<16xf32> to vector<16xf32>
    tpu.vector_store %arg12[%swap3A_84], %swap3A_87 {strides = array<i32>} : memref<640xf32, #tpu.memory_space<vmem>>, vector<16xf32>,
    %swap3A_88 = arith.constant 192 : index
    %swap3A_89 = tpu.vector_load %arg12[%swap3A_88] {strides = array<i32>} : memref<640xf32, #tpu.memory_space<vmem>>, vector<16xf32>,
    %swap3A_90 = vector.shape_cast %swap3A_89 : vector<16xf32> to vector<16xf32>
    %swap3A_91 = vector.shape_cast %broadcast_in_dim3A_1 : vector<16xf32> to vector<16xf32>
    tpu.vector_store %arg12[%swap3A_88], %swap3A_91 {strides = array<i32>} : memref<640xf32, #tpu.memory_space<vmem>>, vector<16xf32>,
    %swap3A_92 = arith.constant 208 : index
    %swap3A_93 = tpu.vector_load %arg12[%swap3A_92] {strides = array<i32>} : memref<640xf32, #tpu.memory_space<vmem>>, vector<16xf32>,
    %swap3A_94 = vector.shape_cast %swap3A_93 : vector<16xf32> to vector<16xf32>
    %swap3A_95 = vector.shape_cast %broadcast_in_dim3A_1 : vector<16xf32> to vector<16xf32>
    tpu.vector_store %arg12[%swap3A_92], %swap3A_95 {strides = array<i32>} : memref<640xf32, #tpu.memory_space<vmem>>, vector<16xf32>,
    %swap3A_96 = arith.constant 224 : index
    %swap3A_97 = tpu.vector_load %arg12[%swap3A_96] {strides = array<i32>} : memref<640xf32, #tpu.memory_space<vmem>>, vector<16xf32>,
    %swap3A_98 = vector.shape_cast %swap3A_97 : vector<16xf32> to vector<16xf32>
    %swap3A_99 = vector.shape_cast %broadcast_in_dim3A_1 : vector<16xf32> to vector<16xf32>
    tpu.vector_store %arg12[%swap3A_96], %swap3A_99 {strides = array<i32>} : memref<640xf32, #tpu.memory_space<vmem>>, vector<16xf32>,
    %swap3A_100 = arith.constant 240 : index
    %swap3A_101 = tpu.vector_load %arg12[%swap3A_100] {strides = array<i32>} : memref<640xf32, #tpu.memory_space<vmem>>, vector<16xf32>,
    %swap3A_102 = vector.shape_cast %swap3A_101 : vector<16xf32> to vector<16xf32>
    %swap3A_103 = vector.shape_cast %broadcast_in_dim3A_1 : vector<16xf32> to vector<16xf32>
    tpu.vector_store %arg12[%swap3A_100], %swap3A_103 {strides = array<i32>} : memref<640xf32, #tpu.memory_space<vmem>>, vector<16xf32>,
    %swap3A_104 = arith.constant 256 : index
    %swap3A_105 = tpu.vector_load %arg12[%swap3A_104] {strides = array<i32>} : memref<640xf32, #tpu.memory_space<vmem>>, vector<16xf32>,
    %swap3A_106 = vector.shape_cast %swap3A_105 : vector<16xf32> to vector<16xf32>
    %swap3A_107 = vector.shape_cast %broadcast_in_dim3A_1 : vector<16xf32> to vector<16xf32>
    tpu.vector_store %arg12[%swap3A_104], %swap3A_107 {strides = array<i32>} : memref<640xf32, #tpu.memory_space<vmem>>, vector<16xf32>,
    %swap3A_108 = arith.constant 272 : index
    %swap3A_109 = tpu.vector_load %arg12[%swap3A_108] {strides = array<i32>} : memref<640xf32, #tpu.memory_space<vmem>>, vector<16xf32>,
    %swap3A_110 = vector.shape_cast %swap3A_109 : vector<16xf32> to vector<16xf32>
    %swap3A_111 = vector.shape_cast %broadcast_in_dim3A_1 : vector<16xf32> to vector<16xf32>
    tpu.vector_store %arg12[%swap3A_108], %swap3A_111 {strides = array<i32>} : memref<640xf32, #tpu.memory_space<vmem>>, vector<16xf32>,
    %swap3A_112 = arith.constant 288 : index
    %swap3A_113 = tpu.vector_load %arg12[%swap3A_112] {strides = array<i32>} : memref<640xf32, #tpu.memory_space<vmem>>, vector<16xf32>,
    %swap3A_114 = vector.shape_cast %swap3A_113 : vector<16xf32> to vector<16xf32>
    %swap3A_115 = vector.shape_cast %broadcast_in_dim3A_1 : vector<16xf32> to vector<16xf32>
    tpu.vector_store %arg12[%swap3A_112], %swap3A_115 {strides = array<i32>} : memref<640xf32, #tpu.memory_space<vmem>>, vector<16xf32>,
    %swap3A_116 = arith.constant 304 : index
    %swap3A_117 = tpu.vector_load %arg12[%swap3A_116] {strides = array<i32>} : memref<640xf32, #tpu.memory_space<vmem>>, vector<16xf32>,
    %swap3A_118 = vector.shape_cast %swap3A_117 : vector<16xf32> to vector<16xf32>
    %swap3A_119 = vector.shape_cast %broadcast_in_dim3A_1 : vector<16xf32> to vector<16xf32>
    tpu.vector_store %arg12[%swap3A_116], %swap3A_119 {strides = array<i32>} : memref<640xf32, #tpu.memory_space<vmem>>, vector<16xf32>,
    %swap3A_120 = arith.constant 320 : index
    %swap3A_121 = tpu.vector_load %arg12[%swap3A_120] {strides = array<i32>} : memref<640xf32, #tpu.memory_space<vmem>>, vector<16xf32>,
    %swap3A_122 = vector.shape_cast %swap3A_121 : vector<16xf32> to vector<16xf32>
    %swap3A_123 = vector.shape_cast %broadcast_in_dim3A_1 : vector<16xf32> to vector<16xf32>
    tpu.vector_store %arg12[%swap3A_120], %swap3A_123 {strides = array<i32>} : memref<640xf32, #tpu.memory_space<vmem>>, vector<16xf32>,
    %swap3A_124 = arith.constant 336 : index
    %swap3A_125 = tpu.vector_load %arg12[%swap3A_124] {strides = array<i32>} : memref<640xf32, #tpu.memory_space<vmem>>, vector<16xf32>,
    %swap3A_126 = vector.shape_cast %swap3A_125 : vector<16xf32> to vector<16xf32>
    %swap3A_127 = vector.shape_cast %broadcast_in_dim3A_1 : vector<16xf32> to vector<16xf32>
    tpu.vector_store %arg12[%swap3A_124], %swap3A_127 {strides = array<i32>} : memref<640xf32, #tpu.memory_space<vmem>>, vector<16xf32>,
    %swap3A_128 = arith.constant 352 : index
    %swap3A_129 = tpu.vector_load %arg12[%swap3A_128] {strides = array<i32>} : memref<640xf32, #tpu.memory_space<vmem>>, vector<16xf32>,
    %swap3A_130 = vector.shape_cast %swap3A_129 : vector<16xf32> to vector<16xf32>
    %swap3A_131 = vector.shape_cast %broadcast_in_dim3A_1 : vector<16xf32> to vector<16xf32>
    tpu.vector_store %arg12[%swap3A_128], %swap3A_131 {strides = array<i32>} : memref<640xf32, #tpu.memory_space<vmem>>, vector<16xf32>,
    %swap3A_132 = arith.constant 368 : index
    %swap3A_133 = tpu.vector_load %arg12[%swap3A_132] {strides = array<i32>} : memref<640xf32, #tpu.memory_space<vmem>>, vector<16xf32>,
    %swap3A_134 = vector.shape_cast %swap3A_133 : vector<16xf32> to vector<16xf32>
    %swap3A_135 = vector.shape_cast %broadcast_in_dim3A_1 : vector<16xf32> to vector<16xf32>
    tpu.vector_store %arg12[%swap3A_132], %swap3A_135 {strides = array<i32>} : memref<640xf32, #tpu.memory_space<vmem>>, vector<16xf32>,
    %swap3A_136 = arith.constant 384 : index
    %swap3A_137 = tpu.vector_load %arg12[%swap3A_136] {strides = array<i32>} : memref<640xf32, #tpu.memory_space<vmem>>, vector<16xf32>,
    %swap3A_138 = vector.shape_cast %swap3A_137 : vector<16xf32> to vector<16xf32>
    %swap3A_139 = vector.shape_cast %broadcast_in_dim3A_1 : vector<16xf32> to vector<16xf32>
    tpu.vector_store %arg12[%swap3A_136], %swap3A_139 {strides = array<i32>} : memref<640xf32, #tpu.memory_space<vmem>>, vector<16xf32>,
    %swap3A_140 = arith.constant 400 : index
    %swap3A_141 = tpu.vector_load %arg12[%swap3A_140] {strides = array<i32>} : memref<640xf32, #tpu.memory_space<vmem>>, vector<16xf32>,
    %swap3A_142 = vector.shape_cast %swap3A_141 : vector<16xf32> to vector<16xf32>
    %swap3A_143 = vector.shape_cast %broadcast_in_dim3A_1 : vector<16xf32> to vector<16xf32>
    tpu.vector_store %arg12[%swap3A_140], %swap3A_143 {strides = array<i32>} : memref<640xf32, #tpu.memory_space<vmem>>, vector<16xf32>,
    %swap3A_144 = arith.constant 416 : index
    %swap3A_145 = tpu.vector_load %arg12[%swap3A_144] {strides = array<i32>} : memref<640xf32, #tpu.memory_space<vmem>>, vector<16xf32>,
    %swap3A_146 = vector.shape_cast %swap3A_145 : vector<16xf32> to vector<16xf32>
    %swap3A_147 = vector.shape_cast %broadcast_in_dim3A_1 : vector<16xf32> to vector<16xf32>
    tpu.vector_store %arg12[%swap3A_144], %swap3A_147 {strides = array<i32>} : memref<640xf32, #tpu.memory_space<vmem>>, vector<16xf32>,
    %swap3A_148 = arith.constant 432 : index
    %swap3A_149 = tpu.vector_load %arg12[%swap3A_148] {strides = array<i32>} : memref<640xf32, #tpu.memory_space<vmem>>, vector<16xf32>,
    %swap3A_150 = vector.shape_cast %swap3A_149 : vector<16xf32> to vector<16xf32>
    %swap3A_151 = vector.shape_cast %broadcast_in_dim3A_1 : vector<16xf32> to vector<16xf32>
    tpu.vector_store %arg12[%swap3A_148], %swap3A_151 {strides = array<i32>} : memref<640xf32, #tpu.memory_space<vmem>>, vector<16xf32>,
    %swap3A_152 = arith.constant 448 : index
    %swap3A_153 = tpu.vector_load %arg12[%swap3A_152] {strides = array<i32>} : memref<640xf32, #tpu.memory_space<vmem>>, vector<16xf32>,
    %swap3A_154 = vector.shape_cast %swap3A_153 : vector<16xf32> to vector<16xf32>
    %swap3A_155 = vector.shape_cast %broadcast_in_dim3A_1 : vector<16xf32> to vector<16xf32>
    tpu.vector_store %arg12[%swap3A_152], %swap3A_155 {strides = array<i32>} : memref<640xf32, #tpu.memory_space<vmem>>, vector<16xf32>,
    %swap3A_156 = arith.constant 464 : index
    %swap3A_157 = tpu.vector_load %arg12[%swap3A_156] {strides = array<i32>} : memref<640xf32, #tpu.memory_space<vmem>>, vector<16xf32>,
    %swap3A_158 = vector.shape_cast %swap3A_157 : vector<16xf32> to vector<16xf32>
    %swap3A_159 = vector.shape_cast %broadcast_in_dim3A_1 : vector<16xf32> to vector<16xf32>
    tpu.vector_store %arg12[%swap3A_156], %swap3A_159 {strides = array<i32>} : memref<640xf32, #tpu.memory_space<vmem>>, vector<16xf32>,
    %swap3A_160 = arith.constant 480 : index
    %swap3A_161 = tpu.vector_load %arg12[%swap3A_160] {strides = array<i32>} : memref<640xf32, #tpu.memory_space<vmem>>, vector<16xf32>,
    %swap3A_162 = vector.shape_cast %swap3A_161 : vector<16xf32> to vector<16xf32>
    %swap3A_163 = vector.shape_cast %broadcast_in_dim3A_1 : vector<16xf32> to vector<16xf32>
    tpu.vector_store %arg12[%swap3A_160], %swap3A_163 {strides = array<i32>} : memref<640xf32, #tpu.memory_space<vmem>>, vector<16xf32>,
    %swap3A_164 = arith.constant 496 : index
    %swap3A_165 = tpu.vector_load %arg12[%swap3A_164] {strides = array<i32>} : memref<640xf32, #tpu.memory_space<vmem>>, vector<16xf32>,
    %swap3A_166 = vector.shape_cast %swap3A_165 : vector<16xf32> to vector<16xf32>
    %swap3A_167 = vector.shape_cast %broadcast_in_dim3A_1 : vector<16xf32> to vector<16xf32>
    tpu.vector_store %arg12[%swap3A_164], %swap3A_167 {strides = array<i32>} : memref<640xf32, #tpu.memory_space<vmem>>, vector<16xf32>,
    %swap3A_168 = arith.constant 512 : index
    %swap3A_169 = tpu.vector_load %arg12[%swap3A_168] {strides = array<i32>} : memref<640xf32, #tpu.memory_space<vmem>>, vector<16xf32>,
    %swap3A_170 = vector.shape_cast %swap3A_169 : vector<16xf32> to vector<16xf32>
    %swap3A_171 = vector.shape_cast %broadcast_in_dim3A_1 : vector<16xf32> to vector<16xf32>
    tpu.vector_store %arg12[%swap3A_168], %swap3A_171 {strides = array<i32>} : memref<640xf32, #tpu.memory_space<vmem>>, vector<16xf32>,
    %swap3A_172 = arith.constant 528 : index
    %swap3A_173 = tpu.vector_load %arg12[%swap3A_172] {strides = array<i32>} : memref<640xf32, #tpu.memory_space<vmem>>, vector<16xf32>,
    %swap3A_174 = vector.shape_cast %swap3A_173 : vector<16xf32> to vector<16xf32>
    %swap3A_175 = vector.shape_cast %broadcast_in_dim3A_1 : vector<16xf32> to vector<16xf32>
    tpu.vector_store %arg12[%swap3A_172], %swap3A_175 {strides = array<i32>} : memref<640xf32, #tpu.memory_space<vmem>>, vector<16xf32>,
    %swap3A_176 = arith.constant 544 : index
    %swap3A_177 = tpu.vector_load %arg12[%swap3A_176] {strides = array<i32>} : memref<640xf32, #tpu.memory_space<vmem>>, vector<16xf32>,
    %swap3A_178 = vector.shape_cast %swap3A_177 : vector<16xf32> to vector<16xf32>
    %swap3A_179 = vector.shape_cast %broadcast_in_dim3A_1 : vector<16xf32> to vector<16xf32>
    tpu.vector_store %arg12[%swap3A_176], %swap3A_179 {strides = array<i32>} : memref<640xf32, #tpu.memory_space<vmem>>, vector<16xf32>,
    %swap3A_180 = arith.constant 560 : index
    %swap3A_181 = tpu.vector_load %arg12[%swap3A_180] {strides = array<i32>} : memref<640xf32, #tpu.memory_space<vmem>>, vector<16xf32>,
    %swap3A_182 = vector.shape_cast %swap3A_181 : vector<16xf32> to vector<16xf32>
    %swap3A_183 = vector.shape_cast %broadcast_in_dim3A_1 : vector<16xf32> to vector<16xf32>
    tpu.vector_store %arg12[%swap3A_180], %swap3A_183 {strides = array<i32>} : memref<640xf32, #tpu.memory_space<vmem>>, vector<16xf32>,
    %swap3A_184 = arith.constant 576 : index
    %swap3A_185 = tpu.vector_load %arg12[%swap3A_184] {strides = array<i32>} : memref<640xf32, #tpu.memory_space<vmem>>, vector<16xf32>,
    %swap3A_186 = vector.shape_cast %swap3A_185 : vector<16xf32> to vector<16xf32>
    %swap3A_187 = vector.shape_cast %broadcast_in_dim3A_1 : vector<16xf32> to vector<16xf32>
    tpu.vector_store %arg12[%swap3A_184], %swap3A_187 {strides = array<i32>} : memref<640xf32, #tpu.memory_space<vmem>>, vector<16xf32>,
    %swap3A_188 = arith.constant 592 : index
    %swap3A_189 = tpu.vector_load %arg12[%swap3A_188] {strides = array<i32>} : memref<640xf32, #tpu.memory_space<vmem>>, vector<16xf32>,
    %swap3A_190 = vector.shape_cast %swap3A_189 : vector<16xf32> to vector<16xf32>
    %swap3A_191 = vector.shape_cast %broadcast_in_dim3A_1 : vector<16xf32> to vector<16xf32>
    tpu.vector_store %arg12[%swap3A_188], %swap3A_191 {strides = array<i32>} : memref<640xf32, #tpu.memory_space<vmem>>, vector<16xf32>,
    %swap3A_192 = arith.constant 608 : index
    %swap3A_193 = tpu.vector_load %arg12[%swap3A_192] {strides = array<i32>} : memref<640xf32, #tpu.memory_space<vmem>>, vector<16xf32>,
    %swap3A_194 = vector.shape_cast %swap3A_193 : vector<16xf32> to vector<16xf32>
    %swap3A_195 = vector.shape_cast %broadcast_in_dim3A_1 : vector<16xf32> to vector<16xf32>
    tpu.vector_store %arg12[%swap3A_192], %swap3A_195 {strides = array<i32>} : memref<640xf32, #tpu.memory_space<vmem>>, vector<16xf32>,
    %swap3A_196 = arith.constant 624 : index
    %swap3A_197 = tpu.vector_load %arg12[%swap3A_196] {strides = array<i32>} : memref<640xf32, #tpu.memory_space<vmem>>, vector<16xf32>,
    %swap3A_198 = vector.shape_cast %swap3A_197 : vector<16xf32> to vector<16xf32>
    %swap3A_199 = vector.shape_cast %broadcast_in_dim3A_1 : vector<16xf32> to vector<16xf32>
    tpu.vector_store %arg12[%swap3A_196], %swap3A_199 {strides = array<i32>} : memref<640xf32, #tpu.memory_space<vmem>>, vector<16xf32>,
    %mul3A_200 = arith.constant 625 : i32
    %mul3A_201 = arith.muli %arg1, %mul3A_200 : i32
    %add3A_202 = arith.constant 0 : i32
    %add3A_203 = arith.addi %mul3A_201, %add3A_202 : i32
    "tpu.region"() ({
      %run_scoped3A = tpu.sem_alloc : memref<!tpu.dma_semaphore, #tpu.memory_space<semaphore_mem>>
      %dma_start3A_325 = arith.constant 0 : i32
      %dma_start3A_326 = tpu.memref_slice %arg13[%add3A_203, %dma_start3A_325] : memref<10000x128xf32, #tpu.memory_space<vmem_shared>> -> memref<125x128xf32, #tpu.memory_space<vmem_shared>>
      %dma_start3A_327 = arith.constant 0 : i32
      %dma_start3A_328 = tpu.memref_slice %arg13[%add3A_203, %dma_start3A_327] : memref<10000x128xf32, #tpu.memory_space<vmem_shared>> -> memref<125x128xf32, #tpu.memory_space<vmem_shared>>
      tpu.enqueue_dma source(%arg9 : memref<125x128xf32, #tpu.memory_space<vmem>>) target(%dma_start3A_328 : memref<125x128xf32, #tpu.memory_space<vmem_shared>>) target_semaphore(%run_scoped3A : memref<!tpu.dma_semaphore, #tpu.memory_space<semaphore_mem>>)
      %dma_wait3A_329 = arith.constant 0 : i32
      %dma_wait3A_330 = tpu.memref_slice %arg13[%add3A_203, %dma_wait3A_329] : memref<10000x128xf32, #tpu.memory_space<vmem_shared>> -> memref<125x128xf32, #tpu.memory_space<vmem_shared>>
      %dma_wait3A_331 = arith.constant 0 : i32
      %dma_wait3A_332 = tpu.memref_slice %arg13[%add3A_203, %dma_wait3A_331] : memref<10000x128xf32, #tpu.memory_space<vmem_shared>> -> memref<125x128xf32, #tpu.memory_space<vmem_shared>>
      tpu.wait_dma2 semaphore(%run_scoped3A : memref<!tpu.dma_semaphore, #tpu.memory_space<semaphore_mem>>) src(%arg9 : memref<125x128xf32, #tpu.memory_space<vmem>>) dst(%dma_wait3A_332 : memref<125x128xf32, #tpu.memory_space<vmem_shared>>)
      tpu.yield
    }) : () -> ()
    %mul3A_204 = arith.constant 625 : i32
    %mul3A_205 = arith.muli %arg1, %mul3A_204 : i32
    %add3A_206 = arith.constant 125 : i32
    %add3A_207 = arith.addi %mul3A_205, %add3A_206 : i32
    "tpu.region"() ({
      %run_scoped3A = tpu.sem_alloc : memref<!tpu.dma_semaphore, #tpu.memory_space<semaphore_mem>>
      %dma_start3A_325 = arith.constant 0 : i32
      %dma_start3A_326 = tpu.memref_slice %arg13[%add3A_207, %dma_start3A_325] : memref<10000x128xf32, #tpu.memory_space<vmem_shared>> -> memref<125x128xf32, #tpu.memory_space<vmem_shared>>
      %dma_start3A_327 = arith.constant 0 : i32
      %dma_start3A_328 = tpu.memref_slice %arg13[%add3A_207, %dma_start3A_327] : memref<10000x128xf32, #tpu.memory_space<vmem_shared>> -> memref<125x128xf32, #tpu.memory_space<vmem_shared>>
      tpu.enqueue_dma source(%arg9 : memref<125x128xf32, #tpu.memory_space<vmem>>) target(%dma_start3A_328 : memref<125x128xf32, #tpu.memory_space<vmem_shared>>) target_semaphore(%run_scoped3A : memref<!tpu.dma_semaphore, #tpu.memory_space<semaphore_mem>>)
      %dma_wait3A_329 = arith.constant 0 : i32
      %dma_wait3A_330 = tpu.memref_slice %arg13[%add3A_207, %dma_wait3A_329] : memref<10000x128xf32, #tpu.memory_space<vmem_shared>> -> memref<125x128xf32, #tpu.memory_space<vmem_shared>>
      %dma_wait3A_331 = arith.constant 0 : i32
      %dma_wait3A_332 = tpu.memref_slice %arg13[%add3A_207, %dma_wait3A_331] : memref<10000x128xf32, #tpu.memory_space<vmem_shared>> -> memref<125x128xf32, #tpu.memory_space<vmem_shared>>
      tpu.wait_dma2 semaphore(%run_scoped3A : memref<!tpu.dma_semaphore, #tpu.memory_space<semaphore_mem>>) src(%arg9 : memref<125x128xf32, #tpu.memory_space<vmem>>) dst(%dma_wait3A_332 : memref<125x128xf32, #tpu.memory_space<vmem_shared>>)
      tpu.yield
    }) : () -> ()
    %mul3A_208 = arith.constant 625 : i32
    %mul3A_209 = arith.muli %arg1, %mul3A_208 : i32
    %add3A_210 = arith.constant 250 : i32
    %add3A_211 = arith.addi %mul3A_209, %add3A_210 : i32
    "tpu.region"() ({
      %run_scoped3A = tpu.sem_alloc : memref<!tpu.dma_semaphore, #tpu.memory_space<semaphore_mem>>
      %dma_start3A_325 = arith.constant 0 : i32
      %dma_start3A_326 = tpu.memref_slice %arg13[%add3A_211, %dma_start3A_325] : memref<10000x128xf32, #tpu.memory_space<vmem_shared>> -> memref<125x128xf32, #tpu.memory_space<vmem_shared>>
      %dma_start3A_327 = arith.constant 0 : i32
      %dma_start3A_328 = tpu.memref_slice %arg13[%add3A_211, %dma_start3A_327] : memref<10000x128xf32, #tpu.memory_space<vmem_shared>> -> memref<125x128xf32, #tpu.memory_space<vmem_shared>>
      tpu.enqueue_dma source(%arg9 : memref<125x128xf32, #tpu.memory_space<vmem>>) target(%dma_start3A_328 : memref<125x128xf32, #tpu.memory_space<vmem_shared>>) target_semaphore(%run_scoped3A : memref<!tpu.dma_semaphore, #tpu.memory_space<semaphore_mem>>)
      %dma_wait3A_329 = arith.constant 0 : i32
      %dma_wait3A_330 = tpu.memref_slice %arg13[%add3A_211, %dma_wait3A_329] : memref<10000x128xf32, #tpu.memory_space<vmem_shared>> -> memref<125x128xf32, #tpu.memory_space<vmem_shared>>
      %dma_wait3A_331 = arith.constant 0 : i32
      %dma_wait3A_332 = tpu.memref_slice %arg13[%add3A_211, %dma_wait3A_331] : memref<10000x128xf32, #tpu.memory_space<vmem_shared>> -> memref<125x128xf32, #tpu.memory_space<vmem_shared>>
      tpu.wait_dma2 semaphore(%run_scoped3A : memref<!tpu.dma_semaphore, #tpu.memory_space<semaphore_mem>>) src(%arg9 : memref<125x128xf32, #tpu.memory_space<vmem>>) dst(%dma_wait3A_332 : memref<125x128xf32, #tpu.memory_space<vmem_shared>>)
      tpu.yield
    }) : () -> ()
    %mul3A_212 = arith.constant 625 : i32
    %mul3A_213 = arith.muli %arg1, %mul3A_212 : i32
    %add3A_214 = arith.constant 375 : i32
    %add3A_215 = arith.addi %mul3A_213, %add3A_214 : i32
    "tpu.region"() ({
      %run_scoped3A = tpu.sem_alloc : memref<!tpu.dma_semaphore, #tpu.memory_space<semaphore_mem>>
      %dma_start3A_325 = arith.constant 0 : i32
      %dma_start3A_326 = tpu.memref_slice %arg13[%add3A_215, %dma_start3A_325] : memref<10000x128xf32, #tpu.memory_space<vmem_shared>> -> memref<125x128xf32, #tpu.memory_space<vmem_shared>>
      %dma_start3A_327 = arith.constant 0 : i32
      %dma_start3A_328 = tpu.memref_slice %arg13[%add3A_215, %dma_start3A_327] : memref<10000x128xf32, #tpu.memory_space<vmem_shared>> -> memref<125x128xf32, #tpu.memory_space<vmem_shared>>
      tpu.enqueue_dma source(%arg9 : memref<125x128xf32, #tpu.memory_space<vmem>>) target(%dma_start3A_328 : memref<125x128xf32, #tpu.memory_space<vmem_shared>>) target_semaphore(%run_scoped3A : memref<!tpu.dma_semaphore, #tpu.memory_space<semaphore_mem>>)
      %dma_wait3A_329 = arith.constant 0 : i32
      %dma_wait3A_330 = tpu.memref_slice %arg13[%add3A_215, %dma_wait3A_329] : memref<10000x128xf32, #tpu.memory_space<vmem_shared>> -> memref<125x128xf32, #tpu.memory_space<vmem_shared>>
      %dma_wait3A_331 = arith.constant 0 : i32
      %dma_wait3A_332 = tpu.memref_slice %arg13[%add3A_215, %dma_wait3A_331] : memref<10000x128xf32, #tpu.memory_space<vmem_shared>> -> memref<125x128xf32, #tpu.memory_space<vmem_shared>>
      tpu.wait_dma2 semaphore(%run_scoped3A : memref<!tpu.dma_semaphore, #tpu.memory_space<semaphore_mem>>) src(%arg9 : memref<125x128xf32, #tpu.memory_space<vmem>>) dst(%dma_wait3A_332 : memref<125x128xf32, #tpu.memory_space<vmem_shared>>)
      tpu.yield
    }) : () -> ()
    %mul3A_216 = arith.constant 625 : i32
    %mul3A_217 = arith.muli %arg1, %mul3A_216 : i32
    %add3A_218 = arith.constant 500 : i32
    %add3A_219 = arith.addi %mul3A_217, %add3A_218 : i32
    "tpu.region"() ({
      %run_scoped3A = tpu.sem_alloc : memref<!tpu.dma_semaphore, #tpu.memory_space<semaphore_mem>>
      %dma_start3A_325 = arith.constant 0 : i32
      %dma_start3A_326 = tpu.memref_slice %arg13[%add3A_219, %dma_start3A_325] : memref<10000x128xf32, #tpu.memory_space<vmem_shared>> -> memref<125x128xf32, #tpu.memory_space<vmem_shared>>
      %dma_start3A_327 = arith.constant 0 : i32
      %dma_start3A_328 = tpu.memref_slice %arg13[%add3A_219, %dma_start3A_327] : memref<10000x128xf32, #tpu.memory_space<vmem_shared>> -> memref<125x128xf32, #tpu.memory_space<vmem_shared>>
      tpu.enqueue_dma source(%arg9 : memref<125x128xf32, #tpu.memory_space<vmem>>) target(%dma_start3A_328 : memref<125x128xf32, #tpu.memory_space<vmem_shared>>) target_semaphore(%run_scoped3A : memref<!tpu.dma_semaphore, #tpu.memory_space<semaphore_mem>>)
      %dma_wait3A_329 = arith.constant 0 : i32
      %dma_wait3A_330 = tpu.memref_slice %arg13[%add3A_219, %dma_wait3A_329] : memref<10000x128xf32, #tpu.memory_space<vmem_shared>> -> memref<125x128xf32, #tpu.memory_space<vmem_shared>>
      %dma_wait3A_331 = arith.constant 0 : i32
      %dma_wait3A_332 = tpu.memref_slice %arg13[%add3A_219, %dma_wait3A_331] : memref<10000x128xf32, #tpu.memory_space<vmem_shared>> -> memref<125x128xf32, #tpu.memory_space<vmem_shared>>
      tpu.wait_dma2 semaphore(%run_scoped3A : memref<!tpu.dma_semaphore, #tpu.memory_space<semaphore_mem>>) src(%arg9 : memref<125x128xf32, #tpu.memory_space<vmem>>) dst(%dma_wait3A_332 : memref<125x128xf32, #tpu.memory_space<vmem_shared>>)
      tpu.yield
    }) : () -> ()
    %mul3A_220 = arith.constant 640 : i32
    %mul3A_221 = arith.muli %arg1, %mul3A_220 : i32
    "tpu.region"() ({
      %run_scoped3A = tpu.sem_alloc : memref<!tpu.dma_semaphore, #tpu.memory_space<semaphore_mem>>
      %dma_start3A_325 = tpu.memref_slice %arg14[%mul3A_221] : memref<10240xf32, #tpu.memory_space<vmem_shared>> -> memref<640xf32, #tpu.memory_space<vmem_shared>>
      %dma_start3A_326 = tpu.memref_slice %arg14[%mul3A_221] : memref<10240xf32, #tpu.memory_space<vmem_shared>> -> memref<640xf32, #tpu.memory_space<vmem_shared>>
      tpu.enqueue_dma source(%arg12 : memref<640xf32, #tpu.memory_space<vmem>>) target(%dma_start3A_326 : memref<640xf32, #tpu.memory_space<vmem_shared>>) target_semaphore(%run_scoped3A : memref<!tpu.dma_semaphore, #tpu.memory_space<semaphore_mem>>)
      %dma_wait3A_327 = tpu.memref_slice %arg14[%mul3A_221] : memref<10240xf32, #tpu.memory_space<vmem_shared>> -> memref<640xf32, #tpu.memory_space<vmem_shared>>
      %dma_wait3A_328 = tpu.memref_slice %arg14[%mul3A_221] : memref<10240xf32, #tpu.memory_space<vmem_shared>> -> memref<640xf32, #tpu.memory_space<vmem_shared>>
      tpu.wait_dma2 semaphore(%run_scoped3A : memref<!tpu.dma_semaphore, #tpu.memory_space<semaphore_mem>>) src(%arg12 : memref<640xf32, #tpu.memory_space<vmem>>) dst(%dma_wait3A_328 : memref<640xf32, #tpu.memory_space<vmem_shared>>)
      tpu.yield
    }) : () -> ()
    %barrier3A = arith.constant 0 : index
    tpu.barrier barrier_id(%barrier3A)
    %mul3A_222 = arith.constant 80 : i32
    %mul3A_223 = arith.muli %add3A, %mul3A_222 : i32
    %add3A_224 = arith.constant 0 : i32
    %add3A_225 = arith.addi %mul3A_223, %add3A_224 : i32
    %multiple_of3A = tpu.assume_multiple %add3A_225, 8 : i32
    %dma_start3A = arith.constant 0 : i32
    %dma_start3A_226 = arith.constant 0 : i32
    %dma_start3A_227 = tpu.memref_slice %arg7[%dma_start3A, %dma_start3A_226] : memref<16x125xi32, #tpu.memory_space<vmem>> -> memref<8x125xi32, #tpu.memory_space<vmem>>
    %dma_start3A_228 = arith.constant 0 : i32
    %dma_start3A_229 = tpu.memref_slice %arg3[%multiple_of3A, %dma_start3A_228] : memref<2560x125xi32, #tpu.memory_space<hbm>> -> memref<8x125xi32, #tpu.memory_space<hbm>>
    %dma_start3A_230 = arith.constant 0 : i32
    %dma_start3A_231 = arith.constant 0 : i32
    %dma_start3A_232 = tpu.memref_slice %arg7[%dma_start3A_230, %dma_start3A_231] : memref<16x125xi32, #tpu.memory_space<vmem>> -> memref<8x125xi32, #tpu.memory_space<vmem>>
    %dma_start3A_233 = arith.constant 0 : i32
    %dma_start3A_234 = tpu.memref_slice %arg3[%multiple_of3A, %dma_start3A_233] : memref<2560x125xi32, #tpu.memory_space<hbm>> -> memref<8x125xi32, #tpu.memory_space<hbm>>
    tpu.enqueue_dma source(%dma_start3A_234 : memref<8x125xi32, #tpu.memory_space<hbm>>) target(%dma_start3A_232 : memref<8x125xi32, #tpu.memory_space<vmem>>) target_semaphore(%arg17 : memref<!tpu.dma_semaphore, #tpu.memory_space<semaphore_mem>>)
    %dma_start3A_235 = arith.constant 0 : i32
    %dma_start3A_236 = arith.constant 0 : i32
    %dma_start3A_237 = tpu.memref_slice %arg8[%dma_start3A_235, %dma_start3A_236] : memref<16x125xi32, #tpu.memory_space<vmem>> -> memref<8x125xi32, #tpu.memory_space<vmem>>
    %dma_start3A_238 = arith.constant 0 : i32
    %dma_start3A_239 = tpu.memref_slice %arg4[%multiple_of3A, %dma_start3A_238] : memref<2560x125xi32, #tpu.memory_space<hbm>> -> memref<8x125xi32, #tpu.memory_space<hbm>>
    %dma_start3A_240 = arith.constant 0 : i32
    %dma_start3A_241 = arith.constant 0 : i32
    %dma_start3A_242 = tpu.memref_slice %arg8[%dma_start3A_240, %dma_start3A_241] : memref<16x125xi32, #tpu.memory_space<vmem>> -> memref<8x125xi32, #tpu.memory_space<vmem>>
    %dma_start3A_243 = arith.constant 0 : i32
    %dma_start3A_244 = tpu.memref_slice %arg4[%multiple_of3A, %dma_start3A_243] : memref<2560x125xi32, #tpu.memory_space<hbm>> -> memref<8x125xi32, #tpu.memory_space<hbm>>
    tpu.enqueue_dma source(%dma_start3A_244 : memref<8x125xi32, #tpu.memory_space<hbm>>) target(%dma_start3A_242 : memref<8x125xi32, #tpu.memory_space<vmem>>) target_semaphore(%arg17 : memref<!tpu.dma_semaphore, #tpu.memory_space<semaphore_mem>>)
    %mul3A_245 = arith.constant 80 : i32
    %mul3A_246 = arith.muli %add3A, %mul3A_245 : i32
    %add3A_247 = arith.constant 0 : i32
    %add3A_248 = arith.addi %mul3A_246, %add3A_247 : i32
    %multiple_of3A_249 = tpu.assume_multiple %add3A_248, 8 : i32
    %dma_wait3A = arith.constant 0 : i32
    %dma_wait3A_250 = arith.constant 0 : i32
    %dma_wait3A_251 = tpu.memref_slice %arg7[%dma_wait3A, %dma_wait3A_250] : memref<16x125xi32, #tpu.memory_space<vmem>> -> memref<8x125xi32, #tpu.memory_space<vmem>>
    %dma_wait3A_252 = arith.constant 0 : i32
    %dma_wait3A_253 = tpu.memref_slice %arg3[%multiple_of3A_249, %dma_wait3A_252] : memref<2560x125xi32, #tpu.memory_space<hbm>> -> memref<8x125xi32, #tpu.memory_space<hbm>>
    %dma_wait3A_254 = arith.constant 0 : i32
    %dma_wait3A_255 = arith.constant 0 : i32
    %dma_wait3A_256 = tpu.memref_slice %arg7[%dma_wait3A_254, %dma_wait3A_255] : memref<16x125xi32, #tpu.memory_space<vmem>> -> memref<8x125xi32, #tpu.memory_space<vmem>>
    %dma_wait3A_257 = arith.constant 0 : i32
    %dma_wait3A_258 = tpu.memref_slice %arg3[%multiple_of3A_249, %dma_wait3A_257] : memref<2560x125xi32, #tpu.memory_space<hbm>> -> memref<8x125xi32, #tpu.memory_space<hbm>>
    tpu.wait_dma2 semaphore(%arg17 : memref<!tpu.dma_semaphore, #tpu.memory_space<semaphore_mem>>) src(%dma_wait3A_258 : memref<8x125xi32, #tpu.memory_space<hbm>>) dst(%dma_wait3A_256 : memref<8x125xi32, #tpu.memory_space<vmem>>)
    %dma_wait3A_259 = arith.constant 0 : i32
    %dma_wait3A_260 = arith.constant 0 : i32
    %dma_wait3A_261 = tpu.memref_slice %arg8[%dma_wait3A_259, %dma_wait3A_260] : memref<16x125xi32, #tpu.memory_space<vmem>> -> memref<8x125xi32, #tpu.memory_space<vmem>>
    %dma_wait3A_262 = arith.constant 0 : i32
    %dma_wait3A_263 = tpu.memref_slice %arg4[%multiple_of3A_249, %dma_wait3A_262] : memref<2560x125xi32, #tpu.memory_space<hbm>> -> memref<8x125xi32, #tpu.memory_space<hbm>>
    %dma_wait3A_264 = arith.constant 0 : i32
    %dma_wait3A_265 = arith.constant 0 : i32
    %dma_wait3A_266 = tpu.memref_slice %arg8[%dma_wait3A_264, %dma_wait3A_265] : memref<16x125xi32, #tpu.memory_space<vmem>> -> memref<8x125xi32, #tpu.memory_space<vmem>>
    %dma_wait3A_267 = arith.constant 0 : i32
    %dma_wait3A_268 = tpu.memref_slice %arg4[%multiple_of3A_249, %dma_wait3A_267] : memref<2560x125xi32, #tpu.memory_space<hbm>> -> memref<8x125xi32, #tpu.memory_space<hbm>>
    tpu.wait_dma2 semaphore(%arg17 : memref<!tpu.dma_semaphore, #tpu.memory_space<semaphore_mem>>) src(%dma_wait3A_268 : memref<8x125xi32, #tpu.memory_space<hbm>>) dst(%dma_wait3A_266 : memref<8x125xi32, #tpu.memory_space<vmem>>)
    %mul3A_269 = arith.constant 80 : i32
    %mul3A_270 = arith.muli %add3A, %mul3A_269 : i32
    %add3A_271 = arith.constant 8 : i32
    %add3A_272 = arith.addi %mul3A_270, %add3A_271 : i32
    %multiple_of3A_273 = tpu.assume_multiple %add3A_272, 8 : i32
    %dma_start3A_274 = arith.constant 8 : i32
    %dma_start3A_275 = arith.constant 0 : i32
    %dma_start3A_276 = tpu.memref_slice %arg7[%dma_start3A_274, %dma_start3A_275] : memref<16x125xi32, #tpu.memory_space<vmem>> -> memref<8x125xi32, #tpu.memory_space<vmem>>
    %dma_start3A_277 = arith.constant 0 : i32
    %dma_start3A_278 = tpu.memref_slice %arg3[%multiple_of3A_273, %dma_start3A_277] : memref<2560x125xi32, #tpu.memory_space<hbm>> -> memref<8x125xi32, #tpu.memory_space<hbm>>
    %dma_start3A_279 = arith.constant 8 : i32
    %dma_start3A_280 = arith.constant 0 : i32
    %dma_start3A_281 = tpu.memref_slice %arg7[%dma_start3A_279, %dma_start3A_280] : memref<16x125xi32, #tpu.memory_space<vmem>> -> memref<8x125xi32, #tpu.memory_space<vmem>>
    %dma_start3A_282 = arith.constant 0 : i32
    %dma_start3A_283 = tpu.memref_slice %arg3[%multiple_of3A_273, %dma_start3A_282] : memref<2560x125xi32, #tpu.memory_space<hbm>> -> memref<8x125xi32, #tpu.memory_space<hbm>>
    tpu.enqueue_dma source(%dma_start3A_283 : memref<8x125xi32, #tpu.memory_space<hbm>>) target(%dma_start3A_281 : memref<8x125xi32, #tpu.memory_space<vmem>>) target_semaphore(%arg17 : memref<!tpu.dma_semaphore, #tpu.memory_space<semaphore_mem>>)
    %dma_start3A_284 = arith.constant 8 : i32
    %dma_start3A_285 = arith.constant 0 : i32
    %dma_start3A_286 = tpu.memref_slice %arg8[%dma_start3A_284, %dma_start3A_285] : memref<16x125xi32, #tpu.memory_space<vmem>> -> memref<8x125xi32, #tpu.memory_space<vmem>>
    %dma_start3A_287 = arith.constant 0 : i32
    %dma_start3A_288 = tpu.memref_slice %arg4[%multiple_of3A_273, %dma_start3A_287] : memref<2560x125xi32, #tpu.memory_space<hbm>> -> memref<8x125xi32, #tpu.memory_space<hbm>>
    %dma_start3A_289 = arith.constant 8 : i32
    %dma_start3A_290 = arith.constant 0 : i32
    %dma_start3A_291 = tpu.memref_slice %arg8[%dma_start3A_289, %dma_start3A_290] : memref<16x125xi32, #tpu.memory_space<vmem>> -> memref<8x125xi32, #tpu.memory_space<vmem>>
    %dma_start3A_292 = arith.constant 0 : i32
    %dma_start3A_293 = tpu.memref_slice %arg4[%multiple_of3A_273, %dma_start3A_292] : memref<2560x125xi32, #tpu.memory_space<hbm>> -> memref<8x125xi32, #tpu.memory_space<hbm>>
    tpu.enqueue_dma source(%dma_start3A_293 : memref<8x125xi32, #tpu.memory_space<hbm>>) target(%dma_start3A_291 : memref<8x125xi32, #tpu.memory_space<vmem>>) target_semaphore(%arg17 : memref<!tpu.dma_semaphore, #tpu.memory_space<semaphore_mem>>)
    %dma_start3A_294 = arith.constant 0 : i32
    %dma_start3A_295 = arith.constant 0 : i32
    %dma_start3A_296 = tpu.memref_slice %arg7[%dma_start3A_294, %dma_start3A_295] : memref<16x125xi32, #tpu.memory_space<vmem>> -> memref<1x125xi32, #tpu.memory_space<vmem>>
    %dma_start3A_297 = tpu.memref_squeeze %dma_start3A_296 : memref<1x125xi32, #tpu.memory_space<vmem>> -> memref<125xi32, #tpu.memory_space<vmem>>
    %dma_start3A_298 = arith.constant 0 : i32
    %dma_start3A_299 = arith.constant 0 : i32
    %dma_start3A_300 = tpu.memref_slice %arg2[%dma_start3A_298, %dma_start3A_299] : memref<10000x128xf32, #tpu.memory_space<hbm>> -> memref<10000x128xf32, #tpu.memory_space<hbm>>
    tpu.enqueue_indirect_dma source(%dma_start3A_300 : memref<10000x128xf32, #tpu.memory_space<hbm>>) target(%arg9 : memref<125x128xf32, #tpu.memory_space<vmem>>) offsets(%dma_start3A_297 : memref<125xi32, #tpu.memory_space<vmem>>) semaphore(%arg15 : memref<!tpu.dma_semaphore, #tpu.memory_space<semaphore_mem>>)
    %dma_start3A_301 = arith.constant 1 : i32
    %dma_start3A_302 = arith.constant 0 : i32
    %dma_start3A_303 = tpu.memref_slice %arg7[%dma_start3A_301, %dma_start3A_302] : memref<16x125xi32, #tpu.memory_space<vmem>> -> memref<1x125xi32, #tpu.memory_space<vmem>>
    %dma_start3A_304 = tpu.memref_squeeze %dma_start3A_303 : memref<1x125xi32, #tpu.memory_space<vmem>> -> memref<125xi32, #tpu.memory_space<vmem>>
    %dma_start3A_305 = arith.constant 0 : i32
    %dma_start3A_306 = arith.constant 0 : i32
    %dma_start3A_307 = tpu.memref_slice %arg2[%dma_start3A_305, %dma_start3A_306] : memref<10000x128xf32, #tpu.memory_space<hbm>> -> memref<10000x128xf32, #tpu.memory_space<hbm>>
    tpu.enqueue_indirect_dma source(%dma_start3A_307 : memref<10000x128xf32, #tpu.memory_space<hbm>>) target(%arg10 : memref<125x128xf32, #tpu.memory_space<vmem>>) offsets(%dma_start3A_304 : memref<125xi32, #tpu.memory_space<vmem>>) semaphore(%arg16 : memref<!tpu.dma_semaphore, #tpu.memory_space<semaphore_mem>>)
    %scan3A_308 = arith.constant 0 : i32
    %scan3A_309 = arith.constant 0 : i32
    %scan3A_310 = arith.constant 40 : i32
    %scan3A_311 = arith.addi %scan3A_309, %scan3A_310 : i32
    %scan3A_312 = arith.constant 1 : i32
    scf.for %scan3A_325 = %scan3A_309 to %scan3A_311 step %scan3A_312  : i32 {
      %mul3A_326 = arith.constant 2 : i32
      %mul3A_327 = arith.muli %scan3A_325, %mul3A_326 : i32
      %add3A_328 = arith.constant 0 : i32
      %add3A_329 = arith.addi %mul3A_327, %add3A_328 : i32
      %jit3A = arith.constant 8 : i32
      %div3A = arith.divsi %add3A_329, %jit3A : i32
      %sign3A = arith.constant 0 : i32
      %sign3A_330 = arith.cmpi sgt, %add3A_329, %sign3A : i32
      %sign3A_331 = arith.extui %sign3A_330 : i1 to i32
      %sign3A_332 = arith.constant 0 : i32
      %sign3A_333 = arith.cmpi slt, %add3A_329, %sign3A_332 : i32
      %sign3A_334 = arith.extui %sign3A_333 : i1 to i32
      %sign3A_335 = arith.subi %sign3A_331, %sign3A_334 : i32
      %sign3A_336 = arith.constant 0 : i32
      %sign3A_337 = arith.cmpi sgt, %jit3A, %sign3A_336 : i32
      %sign3A_338 = arith.extui %sign3A_337 : i1 to i32
      %sign3A_339 = arith.constant 0 : i32
      %sign3A_340 = arith.cmpi slt, %jit3A, %sign3A_339 : i32
      %sign3A_341 = arith.extui %sign3A_340 : i1 to i32
      %sign3A_342 = arith.subi %sign3A_338, %sign3A_341 : i32
      %ne3A = arith.cmpi ne, %sign3A_335, %sign3A_342 : i32
      %rem3A = arith.remsi %add3A_329, %jit3A : i32
      %ne3A_343 = arith.constant 0 : i32
      %ne3A_344 = arith.cmpi ne, %rem3A, %ne3A_343 : i32
      %and3A = arith.andi %ne3A, %ne3A_344 : i1
      %sub3A = arith.constant 1 : i32
      %sub3A_345 = arith.subi %div3A, %sub3A : i32
      %select_n3A = arith.select %and3A, %sub3A_345, %div3A : i32
      %rem3A_346 = arith.constant 2 : i32
      %rem3A_347 = arith.remsi %select_n3A, %rem3A_346 : i32
      %mul3A_348 = arith.constant 8 : i32
      %mul3A_349 = arith.muli %rem3A_347, %mul3A_348 : i32
      %rem3A_350 = arith.constant 8 : i32
      %rem3A_351 = arith.remsi %add3A_329, %rem3A_350 : i32
      %add3A_352 = arith.addi %mul3A_349, %rem3A_351 : i32
      %dma_wait3A_353 = arith.constant 0 : i32
      %dma_wait3A_354 = tpu.memref_slice %arg7[%add3A_352, %dma_wait3A_353] : memref<16x125xi32, #tpu.memory_space<vmem>> -> memref<1x125xi32, #tpu.memory_space<vmem>>
      %dma_wait3A_355 = tpu.memref_squeeze %dma_wait3A_354 : memref<1x125xi32, #tpu.memory_space<vmem>> -> memref<125xi32, #tpu.memory_space<vmem>>
      %dma_wait3A_356 = arith.constant 0 : i32
      %dma_wait3A_357 = arith.constant 0 : i32
      %dma_wait3A_358 = tpu.memref_slice %arg2[%dma_wait3A_356, %dma_wait3A_357] : memref<10000x128xf32, #tpu.memory_space<hbm>> -> memref<10000x128xf32, #tpu.memory_space<hbm>>
      tpu.wait_indirect_dma semaphore(%arg15 : memref<!tpu.dma_semaphore, #tpu.memory_space<semaphore_mem>>) src(%dma_wait3A_358 : memref<10000x128xf32, #tpu.memory_space<hbm>>) dst(%arg9 : memref<125x128xf32, #tpu.memory_space<vmem>>)
      %jit3A_359 = arith.constant 8 : i32
      %div3A_360 = arith.divsi %add3A_329, %jit3A_359 : i32
      %sign3A_361 = arith.constant 0 : i32
      %sign3A_362 = arith.cmpi sgt, %add3A_329, %sign3A_361 : i32
      %sign3A_363 = arith.extui %sign3A_362 : i1 to i32
      %sign3A_364 = arith.constant 0 : i32
      %sign3A_365 = arith.cmpi slt, %add3A_329, %sign3A_364 : i32
      %sign3A_366 = arith.extui %sign3A_365 : i1 to i32
      %sign3A_367 = arith.subi %sign3A_363, %sign3A_366 : i32
      %sign3A_368 = arith.constant 0 : i32
      %sign3A_369 = arith.cmpi sgt, %jit3A_359, %sign3A_368 : i32
      %sign3A_370 = arith.extui %sign3A_369 : i1 to i32
      %sign3A_371 = arith.constant 0 : i32
      %sign3A_372 = arith.cmpi slt, %jit3A_359, %sign3A_371 : i32
      %sign3A_373 = arith.extui %sign3A_372 : i1 to i32
      %sign3A_374 = arith.subi %sign3A_370, %sign3A_373 : i32
      %ne3A_375 = arith.cmpi ne, %sign3A_367, %sign3A_374 : i32
      %rem3A_376 = arith.remsi %add3A_329, %jit3A_359 : i32
      %ne3A_377 = arith.constant 0 : i32
      %ne3A_378 = arith.cmpi ne, %rem3A_376, %ne3A_377 : i32
      %and3A_379 = arith.andi %ne3A_375, %ne3A_378 : i1
      %sub3A_380 = arith.constant 1 : i32
      %sub3A_381 = arith.subi %div3A_360, %sub3A_380 : i32
      %select_n3A_382 = arith.select %and3A_379, %sub3A_381, %div3A_360 : i32
      %rem3A_383 = arith.constant 2 : i32
      %rem3A_384 = arith.remsi %select_n3A_382, %rem3A_383 : i32
      %mul3A_385 = arith.constant 8 : i32
      %mul3A_386 = arith.muli %rem3A_384, %mul3A_385 : i32
      %rem3A_387 = arith.constant 8 : i32
      %rem3A_388 = arith.remsi %add3A_329, %rem3A_387 : i32
      %add3A_389 = arith.addi %mul3A_386, %rem3A_388 : i32
      "tpu.region"() ({
        %run_scoped3A = tpu.sem_alloc : memref<!tpu.dma_semaphore, #tpu.memory_space<semaphore_mem>>
        %dma_start3A_575 = arith.constant 0 : i32
        %dma_start3A_576 = tpu.memref_slice %arg8[%add3A_389, %dma_start3A_575] : memref<16x125xi32, #tpu.memory_space<vmem>> -> memref<1x125xi32, #tpu.memory_space<vmem>>
        %dma_start3A_577 = tpu.memref_squeeze %dma_start3A_576 : memref<1x125xi32, #tpu.memory_space<vmem>> -> memref<125xi32, #tpu.memory_space<vmem>>
        %dma_start3A_578 = arith.constant 0 : i32
        %dma_start3A_579 = arith.constant 0 : i32
        %dma_start3A_580 = tpu.memref_slice %arg13[%dma_start3A_578, %dma_start3A_579] : memref<10000x128xf32, #tpu.memory_space<vmem_shared>> -> memref<10000x128xf32, #tpu.memory_space<vmem_shared>>
        tpu.enqueue_indirect_dma source(%arg9 : memref<125x128xf32, #tpu.memory_space<vmem>>) target(%dma_start3A_580 : memref<10000x128xf32, #tpu.memory_space<vmem_shared>>) offsets(%dma_start3A_577 : memref<125xi32, #tpu.memory_space<vmem>>) semaphore(%run_scoped3A : memref<!tpu.dma_semaphore, #tpu.memory_space<semaphore_mem>>) {add = true}
        %dma_wait3A_581 = arith.constant 0 : i32
        %dma_wait3A_582 = tpu.memref_slice %arg8[%add3A_389, %dma_wait3A_581] : memref<16x125xi32, #tpu.memory_space<vmem>> -> memref<1x125xi32, #tpu.memory_space<vmem>>
        %dma_wait3A_583 = tpu.memref_squeeze %dma_wait3A_582 : memref<1x125xi32, #tpu.memory_space<vmem>> -> memref<125xi32, #tpu.memory_space<vmem>>
        %dma_wait3A_584 = arith.constant 0 : i32
        %dma_wait3A_585 = arith.constant 0 : i32
        %dma_wait3A_586 = tpu.memref_slice %arg13[%dma_wait3A_584, %dma_wait3A_585] : memref<10000x128xf32, #tpu.memory_space<vmem_shared>> -> memref<10000x128xf32, #tpu.memory_space<vmem_shared>>
        tpu.wait_indirect_dma semaphore(%run_scoped3A : memref<!tpu.dma_semaphore, #tpu.memory_space<semaphore_mem>>) src(%arg9 : memref<125x128xf32, #tpu.memory_space<vmem>>) dst(%dma_wait3A_586 : memref<10000x128xf32, #tpu.memory_space<vmem_shared>>)
        tpu.yield
      }) : () -> ()
      %jit3A_390 = arith.constant 8 : i32
      %div3A_391 = arith.divsi %add3A_329, %jit3A_390 : i32
      %sign3A_392 = arith.constant 0 : i32
      %sign3A_393 = arith.cmpi sgt, %add3A_329, %sign3A_392 : i32
      %sign3A_394 = arith.extui %sign3A_393 : i1 to i32
      %sign3A_395 = arith.constant 0 : i32
      %sign3A_396 = arith.cmpi slt, %add3A_329, %sign3A_395 : i32
      %sign3A_397 = arith.extui %sign3A_396 : i1 to i32
      %sign3A_398 = arith.subi %sign3A_394, %sign3A_397 : i32
      %sign3A_399 = arith.constant 0 : i32
      %sign3A_400 = arith.cmpi sgt, %jit3A_390, %sign3A_399 : i32
      %sign3A_401 = arith.extui %sign3A_400 : i1 to i32
      %sign3A_402 = arith.constant 0 : i32
      %sign3A_403 = arith.cmpi slt, %jit3A_390, %sign3A_402 : i32
      %sign3A_404 = arith.extui %sign3A_403 : i1 to i32
      %sign3A_405 = arith.subi %sign3A_401, %sign3A_404 : i32
      %ne3A_406 = arith.cmpi ne, %sign3A_398, %sign3A_405 : i32
      %rem3A_407 = arith.remsi %add3A_329, %jit3A_390 : i32
      %ne3A_408 = arith.constant 0 : i32
      %ne3A_409 = arith.cmpi ne, %rem3A_407, %ne3A_408 : i32
      %and3A_410 = arith.andi %ne3A_406, %ne3A_409 : i1
      %sub3A_411 = arith.constant 1 : i32
      %sub3A_412 = arith.subi %div3A_391, %sub3A_411 : i32
      %select_n3A_413 = arith.select %and3A_410, %sub3A_412, %div3A_391 : i32
      %rem3A_414 = arith.constant 2 : i32
      %rem3A_415 = arith.remsi %select_n3A_413, %rem3A_414 : i32
      %mul3A_416 = arith.constant 8 : i32
      %mul3A_417 = arith.muli %rem3A_415, %mul3A_416 : i32
      %rem3A_418 = arith.constant 8 : i32
      %rem3A_419 = arith.remsi %add3A_329, %rem3A_418 : i32
      %add3A_420 = arith.addi %mul3A_417, %rem3A_419 : i32
      "tpu.region"() ({
        %run_scoped3A = tpu.sem_alloc : memref<!tpu.dma_semaphore, #tpu.memory_space<semaphore_mem>>
        %dma_start3A_575 = arith.constant 0 : i32
        %dma_start3A_576 = tpu.memref_slice %arg11[%dma_start3A_575] : memref<128xf32, #tpu.memory_space<vmem>> -> memref<125xf32, #tpu.memory_space<vmem>>
        %dma_start3A_577 = arith.constant 0 : i32
        %dma_start3A_578 = tpu.memref_slice %arg8[%add3A_420, %dma_start3A_577] : memref<16x125xi32, #tpu.memory_space<vmem>> -> memref<1x125xi32, #tpu.memory_space<vmem>>
        %dma_start3A_579 = tpu.memref_squeeze %dma_start3A_578 : memref<1x125xi32, #tpu.memory_space<vmem>> -> memref<125xi32, #tpu.memory_space<vmem>>
        %dma_start3A_580 = arith.constant 0 : i32
        %dma_start3A_581 = tpu.memref_slice %arg14[%dma_start3A_580] : memref<10240xf32, #tpu.memory_space<vmem_shared>> -> memref<10240xf32, #tpu.memory_space<vmem_shared>>
        tpu.enqueue_indirect_dma source(%dma_start3A_576 : memref<125xf32, #tpu.memory_space<vmem>>) target(%dma_start3A_581 : memref<10240xf32, #tpu.memory_space<vmem_shared>>) offsets(%dma_start3A_579 : memref<125xi32, #tpu.memory_space<vmem>>) semaphore(%run_scoped3A : memref<!tpu.dma_semaphore, #tpu.memory_space<semaphore_mem>>) {add = true}
        %dma_wait3A_582 = arith.constant 0 : i32
        %dma_wait3A_583 = tpu.memref_slice %arg11[%dma_wait3A_582] : memref<128xf32, #tpu.memory_space<vmem>> -> memref<125xf32, #tpu.memory_space<vmem>>
        %dma_wait3A_584 = arith.constant 0 : i32
        %dma_wait3A_585 = tpu.memref_slice %arg8[%add3A_420, %dma_wait3A_584] : memref<16x125xi32, #tpu.memory_space<vmem>> -> memref<1x125xi32, #tpu.memory_space<vmem>>
        %dma_wait3A_586 = tpu.memref_squeeze %dma_wait3A_585 : memref<1x125xi32, #tpu.memory_space<vmem>> -> memref<125xi32, #tpu.memory_space<vmem>>
        %dma_wait3A_587 = arith.constant 0 : i32
        %dma_wait3A_588 = tpu.memref_slice %arg14[%dma_wait3A_587] : memref<10240xf32, #tpu.memory_space<vmem_shared>> -> memref<10240xf32, #tpu.memory_space<vmem_shared>>
        tpu.wait_indirect_dma semaphore(%run_scoped3A : memref<!tpu.dma_semaphore, #tpu.memory_space<semaphore_mem>>) src(%dma_wait3A_583 : memref<125xf32, #tpu.memory_space<vmem>>) dst(%dma_wait3A_588 : memref<10240xf32, #tpu.memory_space<vmem_shared>>)
        tpu.yield
      }) : () -> ()
      %add3A_421 = arith.constant 2 : i32
      %add3A_422 = arith.addi %add3A_329, %add3A_421 : i32
      %rem3A_423 = arith.constant 8 : i32
      %rem3A_424 = arith.remsi %add3A_422, %rem3A_423 : i32
      %eq3A_425 = arith.constant 0 : i32
      %eq3A_426 = arith.cmpi eq, %rem3A_424, %eq3A_425 : i32
      %lt3A = arith.constant 80 : i32
      %lt3A_427 = arith.cmpi slt, %add3A_422, %lt3A : i32
      %and3A_428 = arith.andi %eq3A_426, %lt3A_427 : i1
      %convert_element_type3A_429 = arith.extui %and3A_428 : i1 to i32
      %cond3A_430 = arith.constant 0 : i32
      %cond3A_431 = arith.cmpi ne, %convert_element_type3A_429, %cond3A_430 : i32
      scf.if %cond3A_431 {
        %jit3A_575 = arith.constant 8 : i32
        %div3A_576 = arith.divsi %add3A_422, %jit3A_575 : i32
        %sign3A_577 = arith.constant 0 : i32
        %sign3A_578 = arith.cmpi sgt, %add3A_422, %sign3A_577 : i32
        %sign3A_579 = arith.extui %sign3A_578 : i1 to i32
        %sign3A_580 = arith.constant 0 : i32
        %sign3A_581 = arith.cmpi slt, %add3A_422, %sign3A_580 : i32
        %sign3A_582 = arith.extui %sign3A_581 : i1 to i32
        %sign3A_583 = arith.subi %sign3A_579, %sign3A_582 : i32
        %sign3A_584 = arith.constant 0 : i32
        %sign3A_585 = arith.cmpi sgt, %jit3A_575, %sign3A_584 : i32
        %sign3A_586 = arith.extui %sign3A_585 : i1 to i32
        %sign3A_587 = arith.constant 0 : i32
        %sign3A_588 = arith.cmpi slt, %jit3A_575, %sign3A_587 : i32
        %sign3A_589 = arith.extui %sign3A_588 : i1 to i32
        %sign3A_590 = arith.subi %sign3A_586, %sign3A_589 : i32
        %ne3A_591 = arith.cmpi ne, %sign3A_583, %sign3A_590 : i32
        %rem3A_592 = arith.remsi %add3A_422, %jit3A_575 : i32
        %ne3A_593 = arith.constant 0 : i32
        %ne3A_594 = arith.cmpi ne, %rem3A_592, %ne3A_593 : i32
        %and3A_595 = arith.andi %ne3A_591, %ne3A_594 : i1
        %sub3A_596 = arith.constant 1 : i32
        %sub3A_597 = arith.subi %div3A_576, %sub3A_596 : i32
        %select_n3A_598 = arith.select %and3A_595, %sub3A_597, %div3A_576 : i32
        %rem3A_599 = arith.constant 2 : i32
        %rem3A_600 = arith.remsi %select_n3A_598, %rem3A_599 : i32
        %mul3A_601 = arith.constant 80 : i32
        %mul3A_602 = arith.muli %add3A, %mul3A_601 : i32
        %mul3A_603 = arith.constant 8 : i32
        %mul3A_604 = arith.muli %select_n3A_598, %mul3A_603 : i32
        %add3A_605 = arith.addi %mul3A_602, %mul3A_604 : i32
        %multiple_of3A_606 = tpu.assume_multiple %add3A_605, 8 : i32
        %mul3A_607 = arith.constant 8 : i32
        %mul3A_608 = arith.muli %rem3A_600, %mul3A_607 : i32
        %mul3A_609 = arith.constant 8 : i32
        %mul3A_610 = arith.muli %rem3A_600, %mul3A_609 : i32
        %dma_wait3A_611 = arith.constant 0 : i32
        %dma_wait3A_612 = tpu.memref_slice %arg7[%mul3A_608, %dma_wait3A_611] : memref<16x125xi32, #tpu.memory_space<vmem>> -> memref<8x125xi32, #tpu.memory_space<vmem>>
        %dma_wait3A_613 = arith.constant 0 : i32
        %dma_wait3A_614 = tpu.memref_slice %arg3[%multiple_of3A_606, %dma_wait3A_613] : memref<2560x125xi32, #tpu.memory_space<hbm>> -> memref<8x125xi32, #tpu.memory_space<hbm>>
        %dma_wait3A_615 = arith.constant 0 : i32
        %dma_wait3A_616 = tpu.memref_slice %arg7[%mul3A_608, %dma_wait3A_615] : memref<16x125xi32, #tpu.memory_space<vmem>> -> memref<8x125xi32, #tpu.memory_space<vmem>>
        %dma_wait3A_617 = arith.constant 0 : i32
        %dma_wait3A_618 = tpu.memref_slice %arg3[%multiple_of3A_606, %dma_wait3A_617] : memref<2560x125xi32, #tpu.memory_space<hbm>> -> memref<8x125xi32, #tpu.memory_space<hbm>>
        tpu.wait_dma2 semaphore(%arg17 : memref<!tpu.dma_semaphore, #tpu.memory_space<semaphore_mem>>) src(%dma_wait3A_618 : memref<8x125xi32, #tpu.memory_space<hbm>>) dst(%dma_wait3A_616 : memref<8x125xi32, #tpu.memory_space<vmem>>)
        %dma_wait3A_619 = arith.constant 0 : i32
        %dma_wait3A_620 = tpu.memref_slice %arg8[%mul3A_610, %dma_wait3A_619] : memref<16x125xi32, #tpu.memory_space<vmem>> -> memref<8x125xi32, #tpu.memory_space<vmem>>
        %dma_wait3A_621 = arith.constant 0 : i32
        %dma_wait3A_622 = tpu.memref_slice %arg4[%multiple_of3A_606, %dma_wait3A_621] : memref<2560x125xi32, #tpu.memory_space<hbm>> -> memref<8x125xi32, #tpu.memory_space<hbm>>
        %dma_wait3A_623 = arith.constant 0 : i32
        %dma_wait3A_624 = tpu.memref_slice %arg8[%mul3A_610, %dma_wait3A_623] : memref<16x125xi32, #tpu.memory_space<vmem>> -> memref<8x125xi32, #tpu.memory_space<vmem>>
        %dma_wait3A_625 = arith.constant 0 : i32
        %dma_wait3A_626 = tpu.memref_slice %arg4[%multiple_of3A_606, %dma_wait3A_625] : memref<2560x125xi32, #tpu.memory_space<hbm>> -> memref<8x125xi32, #tpu.memory_space<hbm>>
        tpu.wait_dma2 semaphore(%arg17 : memref<!tpu.dma_semaphore, #tpu.memory_space<semaphore_mem>>) src(%dma_wait3A_626 : memref<8x125xi32, #tpu.memory_space<hbm>>) dst(%dma_wait3A_624 : memref<8x125xi32, #tpu.memory_space<vmem>>)
      } else {
      }
      %rem3A_432 = arith.constant 8 : i32
      %rem3A_433 = arith.remsi %add3A_422, %rem3A_432 : i32
      %eq3A_434 = arith.constant 1 : i32
      %eq3A_435 = arith.cmpi eq, %rem3A_433, %eq3A_434 : i32
      %lt3A_436 = arith.constant 80 : i32
      %lt3A_437 = arith.cmpi slt, %add3A_422, %lt3A_436 : i32
      %and3A_438 = arith.andi %eq3A_435, %lt3A_437 : i1
      %convert_element_type3A_439 = arith.extui %and3A_438 : i1 to i32
      %cond3A_440 = arith.constant 0 : i32
      %cond3A_441 = arith.cmpi ne, %convert_element_type3A_439, %cond3A_440 : i32
      scf.if %cond3A_441 {
        %jit3A_575 = arith.constant 8 : i32
        %div3A_576 = arith.divsi %add3A_422, %jit3A_575 : i32
        %sign3A_577 = arith.constant 0 : i32
        %sign3A_578 = arith.cmpi sgt, %add3A_422, %sign3A_577 : i32
        %sign3A_579 = arith.extui %sign3A_578 : i1 to i32
        %sign3A_580 = arith.constant 0 : i32
        %sign3A_581 = arith.cmpi slt, %add3A_422, %sign3A_580 : i32
        %sign3A_582 = arith.extui %sign3A_581 : i1 to i32
        %sign3A_583 = arith.subi %sign3A_579, %sign3A_582 : i32
        %sign3A_584 = arith.constant 0 : i32
        %sign3A_585 = arith.cmpi sgt, %jit3A_575, %sign3A_584 : i32
        %sign3A_586 = arith.extui %sign3A_585 : i1 to i32
        %sign3A_587 = arith.constant 0 : i32
        %sign3A_588 = arith.cmpi slt, %jit3A_575, %sign3A_587 : i32
        %sign3A_589 = arith.extui %sign3A_588 : i1 to i32
        %sign3A_590 = arith.subi %sign3A_586, %sign3A_589 : i32
        %ne3A_591 = arith.cmpi ne, %sign3A_583, %sign3A_590 : i32
        %rem3A_592 = arith.remsi %add3A_422, %jit3A_575 : i32
        %ne3A_593 = arith.constant 0 : i32
        %ne3A_594 = arith.cmpi ne, %rem3A_592, %ne3A_593 : i32
        %and3A_595 = arith.andi %ne3A_591, %ne3A_594 : i1
        %sub3A_596 = arith.constant 1 : i32
        %sub3A_597 = arith.subi %div3A_576, %sub3A_596 : i32
        %select_n3A_598 = arith.select %and3A_595, %sub3A_597, %div3A_576 : i32
        %add3A_599 = arith.constant 1 : i32
        %add3A_600 = arith.addi %select_n3A_598, %add3A_599 : i32
        %lt3A_601 = arith.constant 10 : i32
        %lt3A_602 = arith.cmpi slt, %add3A_600, %lt3A_601 : i32
        %convert_element_type3A_603 = arith.extui %lt3A_602 : i1 to i32
        %cond3A_604 = arith.constant 0 : i32
        %cond3A_605 = arith.cmpi ne, %convert_element_type3A_603, %cond3A_604 : i32
        scf.if %cond3A_605 {
          %rem3A_606 = arith.constant 2 : i32
          %rem3A_607 = arith.remsi %add3A_600, %rem3A_606 : i32
          %mul3A_608 = arith.constant 80 : i32
          %mul3A_609 = arith.muli %add3A, %mul3A_608 : i32
          %mul3A_610 = arith.constant 8 : i32
          %mul3A_611 = arith.muli %add3A_600, %mul3A_610 : i32
          %add3A_612 = arith.addi %mul3A_609, %mul3A_611 : i32
          %multiple_of3A_613 = tpu.assume_multiple %add3A_612, 8 : i32
          %mul3A_614 = arith.constant 8 : i32
          %mul3A_615 = arith.muli %rem3A_607, %mul3A_614 : i32
          %mul3A_616 = arith.constant 8 : i32
          %mul3A_617 = arith.muli %rem3A_607, %mul3A_616 : i32
          %dma_start3A_618 = arith.constant 0 : i32
          %dma_start3A_619 = tpu.memref_slice %arg7[%mul3A_615, %dma_start3A_618] : memref<16x125xi32, #tpu.memory_space<vmem>> -> memref<8x125xi32, #tpu.memory_space<vmem>>
          %dma_start3A_620 = arith.constant 0 : i32
          %dma_start3A_621 = tpu.memref_slice %arg3[%multiple_of3A_613, %dma_start3A_620] : memref<2560x125xi32, #tpu.memory_space<hbm>> -> memref<8x125xi32, #tpu.memory_space<hbm>>
          %dma_start3A_622 = arith.constant 0 : i32
          %dma_start3A_623 = tpu.memref_slice %arg7[%mul3A_615, %dma_start3A_622] : memref<16x125xi32, #tpu.memory_space<vmem>> -> memref<8x125xi32, #tpu.memory_space<vmem>>
          %dma_start3A_624 = arith.constant 0 : i32
          %dma_start3A_625 = tpu.memref_slice %arg3[%multiple_of3A_613, %dma_start3A_624] : memref<2560x125xi32, #tpu.memory_space<hbm>> -> memref<8x125xi32, #tpu.memory_space<hbm>>
          tpu.enqueue_dma source(%dma_start3A_625 : memref<8x125xi32, #tpu.memory_space<hbm>>) target(%dma_start3A_623 : memref<8x125xi32, #tpu.memory_space<vmem>>) target_semaphore(%arg17 : memref<!tpu.dma_semaphore, #tpu.memory_space<semaphore_mem>>)
          %dma_start3A_626 = arith.constant 0 : i32
          %dma_start3A_627 = tpu.memref_slice %arg8[%mul3A_617, %dma_start3A_626] : memref<16x125xi32, #tpu.memory_space<vmem>> -> memref<8x125xi32, #tpu.memory_space<vmem>>
          %dma_start3A_628 = arith.constant 0 : i32
          %dma_start3A_629 = tpu.memref_slice %arg4[%multiple_of3A_613, %dma_start3A_628] : memref<2560x125xi32, #tpu.memory_space<hbm>> -> memref<8x125xi32, #tpu.memory_space<hbm>>
          %dma_start3A_630 = arith.constant 0 : i32
          %dma_start3A_631 = tpu.memref_slice %arg8[%mul3A_617, %dma_start3A_630] : memref<16x125xi32, #tpu.memory_space<vmem>> -> memref<8x125xi32, #tpu.memory_space<vmem>>
          %dma_start3A_632 = arith.constant 0 : i32
          %dma_start3A_633 = tpu.memref_slice %arg4[%multiple_of3A_613, %dma_start3A_632] : memref<2560x125xi32, #tpu.memory_space<hbm>> -> memref<8x125xi32, #tpu.memory_space<hbm>>
          tpu.enqueue_dma source(%dma_start3A_633 : memref<8x125xi32, #tpu.memory_space<hbm>>) target(%dma_start3A_631 : memref<8x125xi32, #tpu.memory_space<vmem>>) target_semaphore(%arg17 : memref<!tpu.dma_semaphore, #tpu.memory_space<semaphore_mem>>)
        } else {
        }
      } else {
      }
      %lt3A_442 = arith.constant 80 : i32
      %lt3A_443 = arith.cmpi slt, %add3A_422, %lt3A_442 : i32
      %convert_element_type3A_444 = arith.extui %lt3A_443 : i1 to i32
      %cond3A_445 = arith.constant 0 : i32
      %cond3A_446 = arith.cmpi ne, %convert_element_type3A_444, %cond3A_445 : i32
      scf.if %cond3A_446 {
        %jit3A_575 = arith.constant 8 : i32
        %div3A_576 = arith.divsi %add3A_422, %jit3A_575 : i32
        %sign3A_577 = arith.constant 0 : i32
        %sign3A_578 = arith.cmpi sgt, %add3A_422, %sign3A_577 : i32
        %sign3A_579 = arith.extui %sign3A_578 : i1 to i32
        %sign3A_580 = arith.constant 0 : i32
        %sign3A_581 = arith.cmpi slt, %add3A_422, %sign3A_580 : i32
        %sign3A_582 = arith.extui %sign3A_581 : i1 to i32
        %sign3A_583 = arith.subi %sign3A_579, %sign3A_582 : i32
        %sign3A_584 = arith.constant 0 : i32
        %sign3A_585 = arith.cmpi sgt, %jit3A_575, %sign3A_584 : i32
        %sign3A_586 = arith.extui %sign3A_585 : i1 to i32
        %sign3A_587 = arith.constant 0 : i32
        %sign3A_588 = arith.cmpi slt, %jit3A_575, %sign3A_587 : i32
        %sign3A_589 = arith.extui %sign3A_588 : i1 to i32
        %sign3A_590 = arith.subi %sign3A_586, %sign3A_589 : i32
        %ne3A_591 = arith.cmpi ne, %sign3A_583, %sign3A_590 : i32
        %rem3A_592 = arith.remsi %add3A_422, %jit3A_575 : i32
        %ne3A_593 = arith.constant 0 : i32
        %ne3A_594 = arith.cmpi ne, %rem3A_592, %ne3A_593 : i32
        %and3A_595 = arith.andi %ne3A_591, %ne3A_594 : i1
        %sub3A_596 = arith.constant 1 : i32
        %sub3A_597 = arith.subi %div3A_576, %sub3A_596 : i32
        %select_n3A_598 = arith.select %and3A_595, %sub3A_597, %div3A_576 : i32
        %rem3A_599 = arith.constant 2 : i32
        %rem3A_600 = arith.remsi %select_n3A_598, %rem3A_599 : i32
        %mul3A_601 = arith.constant 8 : i32
        %mul3A_602 = arith.muli %rem3A_600, %mul3A_601 : i32
        %rem3A_603 = arith.constant 8 : i32
        %rem3A_604 = arith.remsi %add3A_422, %rem3A_603 : i32
        %add3A_605 = arith.addi %mul3A_602, %rem3A_604 : i32
        %dma_start3A_606 = arith.constant 0 : i32
        %dma_start3A_607 = tpu.memref_slice %arg7[%add3A_605, %dma_start3A_606] : memref<16x125xi32, #tpu.memory_space<vmem>> -> memref<1x125xi32, #tpu.memory_space<vmem>>
        %dma_start3A_608 = tpu.memref_squeeze %dma_start3A_607 : memref<1x125xi32, #tpu.memory_space<vmem>> -> memref<125xi32, #tpu.memory_space<vmem>>
        %dma_start3A_609 = arith.constant 0 : i32
        %dma_start3A_610 = arith.constant 0 : i32
        %dma_start3A_611 = tpu.memref_slice %arg2[%dma_start3A_609, %dma_start3A_610] : memref<10000x128xf32, #tpu.memory_space<hbm>> -> memref<10000x128xf32, #tpu.memory_space<hbm>>
        tpu.enqueue_indirect_dma source(%dma_start3A_611 : memref<10000x128xf32, #tpu.memory_space<hbm>>) target(%arg9 : memref<125x128xf32, #tpu.memory_space<vmem>>) offsets(%dma_start3A_608 : memref<125xi32, #tpu.memory_space<vmem>>) semaphore(%arg15 : memref<!tpu.dma_semaphore, #tpu.memory_space<semaphore_mem>>)
      } else {
      }
      %add3A_447 = arith.constant 1 : i32
      %add3A_448 = arith.addi %mul3A_327, %add3A_447 : i32
      %jit3A_449 = arith.constant 8 : i32
      %div3A_450 = arith.divsi %add3A_448, %jit3A_449 : i32
      %sign3A_451 = arith.constant 0 : i32
      %sign3A_452 = arith.cmpi sgt, %add3A_448, %sign3A_451 : i32
      %sign3A_453 = arith.extui %sign3A_452 : i1 to i32
      %sign3A_454 = arith.constant 0 : i32
      %sign3A_455 = arith.cmpi slt, %add3A_448, %sign3A_454 : i32
      %sign3A_456 = arith.extui %sign3A_455 : i1 to i32
      %sign3A_457 = arith.subi %sign3A_453, %sign3A_456 : i32
      %sign3A_458 = arith.constant 0 : i32
      %sign3A_459 = arith.cmpi sgt, %jit3A_449, %sign3A_458 : i32
      %sign3A_460 = arith.extui %sign3A_459 : i1 to i32
      %sign3A_461 = arith.constant 0 : i32
      %sign3A_462 = arith.cmpi slt, %jit3A_449, %sign3A_461 : i32
      %sign3A_463 = arith.extui %sign3A_462 : i1 to i32
      %sign3A_464 = arith.subi %sign3A_460, %sign3A_463 : i32
      %ne3A_465 = arith.cmpi ne, %sign3A_457, %sign3A_464 : i32
      %rem3A_466 = arith.remsi %add3A_448, %jit3A_449 : i32
      %ne3A_467 = arith.constant 0 : i32
      %ne3A_468 = arith.cmpi ne, %rem3A_466, %ne3A_467 : i32
      %and3A_469 = arith.andi %ne3A_465, %ne3A_468 : i1
      %sub3A_470 = arith.constant 1 : i32
      %sub3A_471 = arith.subi %div3A_450, %sub3A_470 : i32
      %select_n3A_472 = arith.select %and3A_469, %sub3A_471, %div3A_450 : i32
      %rem3A_473 = arith.constant 2 : i32
      %rem3A_474 = arith.remsi %select_n3A_472, %rem3A_473 : i32
      %mul3A_475 = arith.constant 8 : i32
      %mul3A_476 = arith.muli %rem3A_474, %mul3A_475 : i32
      %rem3A_477 = arith.constant 8 : i32
      %rem3A_478 = arith.remsi %add3A_448, %rem3A_477 : i32
      %add3A_479 = arith.addi %mul3A_476, %rem3A_478 : i32
      %dma_wait3A_480 = arith.constant 0 : i32
      %dma_wait3A_481 = tpu.memref_slice %arg7[%add3A_479, %dma_wait3A_480] : memref<16x125xi32, #tpu.memory_space<vmem>> -> memref<1x125xi32, #tpu.memory_space<vmem>>
      %dma_wait3A_482 = tpu.memref_squeeze %dma_wait3A_481 : memref<1x125xi32, #tpu.memory_space<vmem>> -> memref<125xi32, #tpu.memory_space<vmem>>
      %dma_wait3A_483 = arith.constant 0 : i32
      %dma_wait3A_484 = arith.constant 0 : i32
      %dma_wait3A_485 = tpu.memref_slice %arg2[%dma_wait3A_483, %dma_wait3A_484] : memref<10000x128xf32, #tpu.memory_space<hbm>> -> memref<10000x128xf32, #tpu.memory_space<hbm>>
      tpu.wait_indirect_dma semaphore(%arg16 : memref<!tpu.dma_semaphore, #tpu.memory_space<semaphore_mem>>) src(%dma_wait3A_485 : memref<10000x128xf32, #tpu.memory_space<hbm>>) dst(%arg10 : memref<125x128xf32, #tpu.memory_space<vmem>>)
      %jit3A_486 = arith.constant 8 : i32
      %div3A_487 = arith.divsi %add3A_448, %jit3A_486 : i32
      %sign3A_488 = arith.constant 0 : i32
      %sign3A_489 = arith.cmpi sgt, %add3A_448, %sign3A_488 : i32
      %sign3A_490 = arith.extui %sign3A_489 : i1 to i32
      %sign3A_491 = arith.constant 0 : i32
      %sign3A_492 = arith.cmpi slt, %add3A_448, %sign3A_491 : i32
      %sign3A_493 = arith.extui %sign3A_492 : i1 to i32
      %sign3A_494 = arith.subi %sign3A_490, %sign3A_493 : i32
      %sign3A_495 = arith.constant 0 : i32
      %sign3A_496 = arith.cmpi sgt, %jit3A_486, %sign3A_495 : i32
      %sign3A_497 = arith.extui %sign3A_496 : i1 to i32
      %sign3A_498 = arith.constant 0 : i32
      %sign3A_499 = arith.cmpi slt, %jit3A_486, %sign3A_498 : i32
      %sign3A_500 = arith.extui %sign3A_499 : i1 to i32
      %sign3A_501 = arith.subi %sign3A_497, %sign3A_500 : i32
      %ne3A_502 = arith.cmpi ne, %sign3A_494, %sign3A_501 : i32
      %rem3A_503 = arith.remsi %add3A_448, %jit3A_486 : i32
      %ne3A_504 = arith.constant 0 : i32
      %ne3A_505 = arith.cmpi ne, %rem3A_503, %ne3A_504 : i32
      %and3A_506 = arith.andi %ne3A_502, %ne3A_505 : i1
      %sub3A_507 = arith.constant 1 : i32
      %sub3A_508 = arith.subi %div3A_487, %sub3A_507 : i32
      %select_n3A_509 = arith.select %and3A_506, %sub3A_508, %div3A_487 : i32
      %rem3A_510 = arith.constant 2 : i32
      %rem3A_511 = arith.remsi %select_n3A_509, %rem3A_510 : i32
      %mul3A_512 = arith.constant 8 : i32
      %mul3A_513 = arith.muli %rem3A_511, %mul3A_512 : i32
      %rem3A_514 = arith.constant 8 : i32
      %rem3A_515 = arith.remsi %add3A_448, %rem3A_514 : i32
      %add3A_516 = arith.addi %mul3A_513, %rem3A_515 : i32
      "tpu.region"() ({
        %run_scoped3A = tpu.sem_alloc : memref<!tpu.dma_semaphore, #tpu.memory_space<semaphore_mem>>
        %dma_start3A_575 = arith.constant 0 : i32
        %dma_start3A_576 = tpu.memref_slice %arg8[%add3A_516, %dma_start3A_575] : memref<16x125xi32, #tpu.memory_space<vmem>> -> memref<1x125xi32, #tpu.memory_space<vmem>>
        %dma_start3A_577 = tpu.memref_squeeze %dma_start3A_576 : memref<1x125xi32, #tpu.memory_space<vmem>> -> memref<125xi32, #tpu.memory_space<vmem>>
        %dma_start3A_578 = arith.constant 0 : i32
        %dma_start3A_579 = arith.constant 0 : i32
        %dma_start3A_580 = tpu.memref_slice %arg13[%dma_start3A_578, %dma_start3A_579] : memref<10000x128xf32, #tpu.memory_space<vmem_shared>> -> memref<10000x128xf32, #tpu.memory_space<vmem_shared>>
        tpu.enqueue_indirect_dma source(%arg10 : memref<125x128xf32, #tpu.memory_space<vmem>>) target(%dma_start3A_580 : memref<10000x128xf32, #tpu.memory_space<vmem_shared>>) offsets(%dma_start3A_577 : memref<125xi32, #tpu.memory_space<vmem>>) semaphore(%run_scoped3A : memref<!tpu.dma_semaphore, #tpu.memory_space<semaphore_mem>>) {add = true}
        %dma_wait3A_581 = arith.constant 0 : i32
        %dma_wait3A_582 = tpu.memref_slice %arg8[%add3A_516, %dma_wait3A_581] : memref<16x125xi32, #tpu.memory_space<vmem>> -> memref<1x125xi32, #tpu.memory_space<vmem>>
        %dma_wait3A_583 = tpu.memref_squeeze %dma_wait3A_582 : memref<1x125xi32, #tpu.memory_space<vmem>> -> memref<125xi32, #tpu.memory_space<vmem>>
        %dma_wait3A_584 = arith.constant 0 : i32
        %dma_wait3A_585 = arith.constant 0 : i32
        %dma_wait3A_586 = tpu.memref_slice %arg13[%dma_wait3A_584, %dma_wait3A_585] : memref<10000x128xf32, #tpu.memory_space<vmem_shared>> -> memref<10000x128xf32, #tpu.memory_space<vmem_shared>>
        tpu.wait_indirect_dma semaphore(%run_scoped3A : memref<!tpu.dma_semaphore, #tpu.memory_space<semaphore_mem>>) src(%arg10 : memref<125x128xf32, #tpu.memory_space<vmem>>) dst(%dma_wait3A_586 : memref<10000x128xf32, #tpu.memory_space<vmem_shared>>)
        tpu.yield
      }) : () -> ()
      %jit3A_517 = arith.constant 8 : i32
      %div3A_518 = arith.divsi %add3A_448, %jit3A_517 : i32
      %sign3A_519 = arith.constant 0 : i32
      %sign3A_520 = arith.cmpi sgt, %add3A_448, %sign3A_519 : i32
      %sign3A_521 = arith.extui %sign3A_520 : i1 to i32
      %sign3A_522 = arith.constant 0 : i32
      %sign3A_523 = arith.cmpi slt, %add3A_448, %sign3A_522 : i32
      %sign3A_524 = arith.extui %sign3A_523 : i1 to i32
      %sign3A_525 = arith.subi %sign3A_521, %sign3A_524 : i32
      %sign3A_526 = arith.constant 0 : i32
      %sign3A_527 = arith.cmpi sgt, %jit3A_517, %sign3A_526 : i32
      %sign3A_528 = arith.extui %sign3A_527 : i1 to i32
      %sign3A_529 = arith.constant 0 : i32
      %sign3A_530 = arith.cmpi slt, %jit3A_517, %sign3A_529 : i32
      %sign3A_531 = arith.extui %sign3A_530 : i1 to i32
      %sign3A_532 = arith.subi %sign3A_528, %sign3A_531 : i32
      %ne3A_533 = arith.cmpi ne, %sign3A_525, %sign3A_532 : i32
      %rem3A_534 = arith.remsi %add3A_448, %jit3A_517 : i32
      %ne3A_535 = arith.constant 0 : i32
      %ne3A_536 = arith.cmpi ne, %rem3A_534, %ne3A_535 : i32
      %and3A_537 = arith.andi %ne3A_533, %ne3A_536 : i1
      %sub3A_538 = arith.constant 1 : i32
      %sub3A_539 = arith.subi %div3A_518, %sub3A_538 : i32
      %select_n3A_540 = arith.select %and3A_537, %sub3A_539, %div3A_518 : i32
      %rem3A_541 = arith.constant 2 : i32
      %rem3A_542 = arith.remsi %select_n3A_540, %rem3A_541 : i32
      %mul3A_543 = arith.constant 8 : i32
      %mul3A_544 = arith.muli %rem3A_542, %mul3A_543 : i32
      %rem3A_545 = arith.constant 8 : i32
      %rem3A_546 = arith.remsi %add3A_448, %rem3A_545 : i32
      %add3A_547 = arith.addi %mul3A_544, %rem3A_546 : i32
      "tpu.region"() ({
        %run_scoped3A = tpu.sem_alloc : memref<!tpu.dma_semaphore, #tpu.memory_space<semaphore_mem>>
        %dma_start3A_575 = arith.constant 0 : i32
        %dma_start3A_576 = tpu.memref_slice %arg11[%dma_start3A_575] : memref<128xf32, #tpu.memory_space<vmem>> -> memref<125xf32, #tpu.memory_space<vmem>>
        %dma_start3A_577 = arith.constant 0 : i32
        %dma_start3A_578 = tpu.memref_slice %arg8[%add3A_547, %dma_start3A_577] : memref<16x125xi32, #tpu.memory_space<vmem>> -> memref<1x125xi32, #tpu.memory_space<vmem>>
        %dma_start3A_579 = tpu.memref_squeeze %dma_start3A_578 : memref<1x125xi32, #tpu.memory_space<vmem>> -> memref<125xi32, #tpu.memory_space<vmem>>
        %dma_start3A_580 = arith.constant 0 : i32
        %dma_start3A_581 = tpu.memref_slice %arg14[%dma_start3A_580] : memref<10240xf32, #tpu.memory_space<vmem_shared>> -> memref<10240xf32, #tpu.memory_space<vmem_shared>>
        tpu.enqueue_indirect_dma source(%dma_start3A_576 : memref<125xf32, #tpu.memory_space<vmem>>) target(%dma_start3A_581 : memref<10240xf32, #tpu.memory_space<vmem_shared>>) offsets(%dma_start3A_579 : memref<125xi32, #tpu.memory_space<vmem>>) semaphore(%run_scoped3A : memref<!tpu.dma_semaphore, #tpu.memory_space<semaphore_mem>>) {add = true}
        %dma_wait3A_582 = arith.constant 0 : i32
        %dma_wait3A_583 = tpu.memref_slice %arg11[%dma_wait3A_582] : memref<128xf32, #tpu.memory_space<vmem>> -> memref<125xf32, #tpu.memory_space<vmem>>
        %dma_wait3A_584 = arith.constant 0 : i32
        %dma_wait3A_585 = tpu.memref_slice %arg8[%add3A_547, %dma_wait3A_584] : memref<16x125xi32, #tpu.memory_space<vmem>> -> memref<1x125xi32, #tpu.memory_space<vmem>>
        %dma_wait3A_586 = tpu.memref_squeeze %dma_wait3A_585 : memref<1x125xi32, #tpu.memory_space<vmem>> -> memref<125xi32, #tpu.memory_space<vmem>>
        %dma_wait3A_587 = arith.constant 0 : i32
        %dma_wait3A_588 = tpu.memref_slice %arg14[%dma_wait3A_587] : memref<10240xf32, #tpu.memory_space<vmem_shared>> -> memref<10240xf32, #tpu.memory_space<vmem_shared>>
        tpu.wait_indirect_dma semaphore(%run_scoped3A : memref<!tpu.dma_semaphore, #tpu.memory_space<semaphore_mem>>) src(%dma_wait3A_583 : memref<125xf32, #tpu.memory_space<vmem>>) dst(%dma_wait3A_588 : memref<10240xf32, #tpu.memory_space<vmem_shared>>)
        tpu.yield
      }) : () -> ()
      %add3A_548 = arith.constant 2 : i32
      %add3A_549 = arith.addi %add3A_448, %add3A_548 : i32
      %rem3A_550 = arith.constant 8 : i32
      %rem3A_551 = arith.remsi %add3A_549, %rem3A_550 : i32
      %eq3A_552 = arith.constant 0 : i32
      %eq3A_553 = arith.cmpi eq, %rem3A_551, %eq3A_552 : i32
      %lt3A_554 = arith.constant 80 : i32
      %lt3A_555 = arith.cmpi slt, %add3A_549, %lt3A_554 : i32
      %and3A_556 = arith.andi %eq3A_553, %lt3A_555 : i1
      %convert_element_type3A_557 = arith.extui %and3A_556 : i1 to i32
      %cond3A_558 = arith.constant 0 : i32
      %cond3A_559 = arith.cmpi ne, %convert_element_type3A_557, %cond3A_558 : i32
      scf.if %cond3A_559 {
        %jit3A_575 = arith.constant 8 : i32
        %div3A_576 = arith.divsi %add3A_549, %jit3A_575 : i32
        %sign3A_577 = arith.constant 0 : i32
        %sign3A_578 = arith.cmpi sgt, %add3A_549, %sign3A_577 : i32
        %sign3A_579 = arith.extui %sign3A_578 : i1 to i32
        %sign3A_580 = arith.constant 0 : i32
        %sign3A_581 = arith.cmpi slt, %add3A_549, %sign3A_580 : i32
        %sign3A_582 = arith.extui %sign3A_581 : i1 to i32
        %sign3A_583 = arith.subi %sign3A_579, %sign3A_582 : i32
        %sign3A_584 = arith.constant 0 : i32
        %sign3A_585 = arith.cmpi sgt, %jit3A_575, %sign3A_584 : i32
        %sign3A_586 = arith.extui %sign3A_585 : i1 to i32
        %sign3A_587 = arith.constant 0 : i32
        %sign3A_588 = arith.cmpi slt, %jit3A_575, %sign3A_587 : i32
        %sign3A_589 = arith.extui %sign3A_588 : i1 to i32
        %sign3A_590 = arith.subi %sign3A_586, %sign3A_589 : i32
        %ne3A_591 = arith.cmpi ne, %sign3A_583, %sign3A_590 : i32
        %rem3A_592 = arith.remsi %add3A_549, %jit3A_575 : i32
        %ne3A_593 = arith.constant 0 : i32
        %ne3A_594 = arith.cmpi ne, %rem3A_592, %ne3A_593 : i32
        %and3A_595 = arith.andi %ne3A_591, %ne3A_594 : i1
        %sub3A_596 = arith.constant 1 : i32
        %sub3A_597 = arith.subi %div3A_576, %sub3A_596 : i32
        %select_n3A_598 = arith.select %and3A_595, %sub3A_597, %div3A_576 : i32
        %rem3A_599 = arith.constant 2 : i32
        %rem3A_600 = arith.remsi %select_n3A_598, %rem3A_599 : i32
        %mul3A_601 = arith.constant 80 : i32
        %mul3A_602 = arith.muli %add3A, %mul3A_601 : i32
        %mul3A_603 = arith.constant 8 : i32
        %mul3A_604 = arith.muli %select_n3A_598, %mul3A_603 : i32
        %add3A_605 = arith.addi %mul3A_602, %mul3A_604 : i32
        %multiple_of3A_606 = tpu.assume_multiple %add3A_605, 8 : i32
        %mul3A_607 = arith.constant 8 : i32
        %mul3A_608 = arith.muli %rem3A_600, %mul3A_607 : i32
        %mul3A_609 = arith.constant 8 : i32
        %mul3A_610 = arith.muli %rem3A_600, %mul3A_609 : i32
        %dma_wait3A_611 = arith.constant 0 : i32
        %dma_wait3A_612 = tpu.memref_slice %arg7[%mul3A_608, %dma_wait3A_611] : memref<16x125xi32, #tpu.memory_space<vmem>> -> memref<8x125xi32, #tpu.memory_space<vmem>>
        %dma_wait3A_613 = arith.constant 0 : i32
        %dma_wait3A_614 = tpu.memref_slice %arg3[%multiple_of3A_606, %dma_wait3A_613] : memref<2560x125xi32, #tpu.memory_space<hbm>> -> memref<8x125xi32, #tpu.memory_space<hbm>>
        %dma_wait3A_615 = arith.constant 0 : i32
        %dma_wait3A_616 = tpu.memref_slice %arg7[%mul3A_608, %dma_wait3A_615] : memref<16x125xi32, #tpu.memory_space<vmem>> -> memref<8x125xi32, #tpu.memory_space<vmem>>
        %dma_wait3A_617 = arith.constant 0 : i32
        %dma_wait3A_618 = tpu.memref_slice %arg3[%multiple_of3A_606, %dma_wait3A_617] : memref<2560x125xi32, #tpu.memory_space<hbm>> -> memref<8x125xi32, #tpu.memory_space<hbm>>
        tpu.wait_dma2 semaphore(%arg17 : memref<!tpu.dma_semaphore, #tpu.memory_space<semaphore_mem>>) src(%dma_wait3A_618 : memref<8x125xi32, #tpu.memory_space<hbm>>) dst(%dma_wait3A_616 : memref<8x125xi32, #tpu.memory_space<vmem>>)
        %dma_wait3A_619 = arith.constant 0 : i32
        %dma_wait3A_620 = tpu.memref_slice %arg8[%mul3A_610, %dma_wait3A_619] : memref<16x125xi32, #tpu.memory_space<vmem>> -> memref<8x125xi32, #tpu.memory_space<vmem>>
        %dma_wait3A_621 = arith.constant 0 : i32
        %dma_wait3A_622 = tpu.memref_slice %arg4[%multiple_of3A_606, %dma_wait3A_621] : memref<2560x125xi32, #tpu.memory_space<hbm>> -> memref<8x125xi32, #tpu.memory_space<hbm>>
        %dma_wait3A_623 = arith.constant 0 : i32
        %dma_wait3A_624 = tpu.memref_slice %arg8[%mul3A_610, %dma_wait3A_623] : memref<16x125xi32, #tpu.memory_space<vmem>> -> memref<8x125xi32, #tpu.memory_space<vmem>>
        %dma_wait3A_625 = arith.constant 0 : i32
        %dma_wait3A_626 = tpu.memref_slice %arg4[%multiple_of3A_606, %dma_wait3A_625] : memref<2560x125xi32, #tpu.memory_space<hbm>> -> memref<8x125xi32, #tpu.memory_space<hbm>>
        tpu.wait_dma2 semaphore(%arg17 : memref<!tpu.dma_semaphore, #tpu.memory_space<semaphore_mem>>) src(%dma_wait3A_626 : memref<8x125xi32, #tpu.memory_space<hbm>>) dst(%dma_wait3A_624 : memref<8x125xi32, #tpu.memory_space<vmem>>)
      } else {
      }
      %rem3A_560 = arith.constant 8 : i32
      %rem3A_561 = arith.remsi %add3A_549, %rem3A_560 : i32
      %eq3A_562 = arith.constant 1 : i32
      %eq3A_563 = arith.cmpi eq, %rem3A_561, %eq3A_562 : i32
      %lt3A_564 = arith.constant 80 : i32
      %lt3A_565 = arith.cmpi slt, %add3A_549, %lt3A_564 : i32
      %and3A_566 = arith.andi %eq3A_563, %lt3A_565 : i1
      %convert_element_type3A_567 = arith.extui %and3A_566 : i1 to i32
      %cond3A_568 = arith.constant 0 : i32
      %cond3A_569 = arith.cmpi ne, %convert_element_type3A_567, %cond3A_568 : i32
      scf.if %cond3A_569 {
        %jit3A_575 = arith.constant 8 : i32
        %div3A_576 = arith.divsi %add3A_549, %jit3A_575 : i32
        %sign3A_577 = arith.constant 0 : i32
        %sign3A_578 = arith.cmpi sgt, %add3A_549, %sign3A_577 : i32
        %sign3A_579 = arith.extui %sign3A_578 : i1 to i32
        %sign3A_580 = arith.constant 0 : i32
        %sign3A_581 = arith.cmpi slt, %add3A_549, %sign3A_580 : i32
        %sign3A_582 = arith.extui %sign3A_581 : i1 to i32
        %sign3A_583 = arith.subi %sign3A_579, %sign3A_582 : i32
        %sign3A_584 = arith.constant 0 : i32
        %sign3A_585 = arith.cmpi sgt, %jit3A_575, %sign3A_584 : i32
        %sign3A_586 = arith.extui %sign3A_585 : i1 to i32
        %sign3A_587 = arith.constant 0 : i32
        %sign3A_588 = arith.cmpi slt, %jit3A_575, %sign3A_587 : i32
        %sign3A_589 = arith.extui %sign3A_588 : i1 to i32
        %sign3A_590 = arith.subi %sign3A_586, %sign3A_589 : i32
        %ne3A_591 = arith.cmpi ne, %sign3A_583, %sign3A_590 : i32
        %rem3A_592 = arith.remsi %add3A_549, %jit3A_575 : i32
        %ne3A_593 = arith.constant 0 : i32
        %ne3A_594 = arith.cmpi ne, %rem3A_592, %ne3A_593 : i32
        %and3A_595 = arith.andi %ne3A_591, %ne3A_594 : i1
        %sub3A_596 = arith.constant 1 : i32
        %sub3A_597 = arith.subi %div3A_576, %sub3A_596 : i32
        %select_n3A_598 = arith.select %and3A_595, %sub3A_597, %div3A_576 : i32
        %add3A_599 = arith.constant 1 : i32
        %add3A_600 = arith.addi %select_n3A_598, %add3A_599 : i32
        %lt3A_601 = arith.constant 10 : i32
        %lt3A_602 = arith.cmpi slt, %add3A_600, %lt3A_601 : i32
        %convert_element_type3A_603 = arith.extui %lt3A_602 : i1 to i32
        %cond3A_604 = arith.constant 0 : i32
        %cond3A_605 = arith.cmpi ne, %convert_element_type3A_603, %cond3A_604 : i32
        scf.if %cond3A_605 {
          %rem3A_606 = arith.constant 2 : i32
          %rem3A_607 = arith.remsi %add3A_600, %rem3A_606 : i32
          %mul3A_608 = arith.constant 80 : i32
          %mul3A_609 = arith.muli %add3A, %mul3A_608 : i32
          %mul3A_610 = arith.constant 8 : i32
          %mul3A_611 = arith.muli %add3A_600, %mul3A_610 : i32
          %add3A_612 = arith.addi %mul3A_609, %mul3A_611 : i32
          %multiple_of3A_613 = tpu.assume_multiple %add3A_612, 8 : i32
          %mul3A_614 = arith.constant 8 : i32
          %mul3A_615 = arith.muli %rem3A_607, %mul3A_614 : i32
          %mul3A_616 = arith.constant 8 : i32
          %mul3A_617 = arith.muli %rem3A_607, %mul3A_616 : i32
          %dma_start3A_618 = arith.constant 0 : i32
          %dma_start3A_619 = tpu.memref_slice %arg7[%mul3A_615, %dma_start3A_618] : memref<16x125xi32, #tpu.memory_space<vmem>> -> memref<8x125xi32, #tpu.memory_space<vmem>>
          %dma_start3A_620 = arith.constant 0 : i32
          %dma_start3A_621 = tpu.memref_slice %arg3[%multiple_of3A_613, %dma_start3A_620] : memref<2560x125xi32, #tpu.memory_space<hbm>> -> memref<8x125xi32, #tpu.memory_space<hbm>>
          %dma_start3A_622 = arith.constant 0 : i32
          %dma_start3A_623 = tpu.memref_slice %arg7[%mul3A_615, %dma_start3A_622] : memref<16x125xi32, #tpu.memory_space<vmem>> -> memref<8x125xi32, #tpu.memory_space<vmem>>
          %dma_start3A_624 = arith.constant 0 : i32
          %dma_start3A_625 = tpu.memref_slice %arg3[%multiple_of3A_613, %dma_start3A_624] : memref<2560x125xi32, #tpu.memory_space<hbm>> -> memref<8x125xi32, #tpu.memory_space<hbm>>
          tpu.enqueue_dma source(%dma_start3A_625 : memref<8x125xi32, #tpu.memory_space<hbm>>) target(%dma_start3A_623 : memref<8x125xi32, #tpu.memory_space<vmem>>) target_semaphore(%arg17 : memref<!tpu.dma_semaphore, #tpu.memory_space<semaphore_mem>>)
          %dma_start3A_626 = arith.constant 0 : i32
          %dma_start3A_627 = tpu.memref_slice %arg8[%mul3A_617, %dma_start3A_626] : memref<16x125xi32, #tpu.memory_space<vmem>> -> memref<8x125xi32, #tpu.memory_space<vmem>>
          %dma_start3A_628 = arith.constant 0 : i32
          %dma_start3A_629 = tpu.memref_slice %arg4[%multiple_of3A_613, %dma_start3A_628] : memref<2560x125xi32, #tpu.memory_space<hbm>> -> memref<8x125xi32, #tpu.memory_space<hbm>>
          %dma_start3A_630 = arith.constant 0 : i32
          %dma_start3A_631 = tpu.memref_slice %arg8[%mul3A_617, %dma_start3A_630] : memref<16x125xi32, #tpu.memory_space<vmem>> -> memref<8x125xi32, #tpu.memory_space<vmem>>
          %dma_start3A_632 = arith.constant 0 : i32
          %dma_start3A_633 = tpu.memref_slice %arg4[%multiple_of3A_613, %dma_start3A_632] : memref<2560x125xi32, #tpu.memory_space<hbm>> -> memref<8x125xi32, #tpu.memory_space<hbm>>
          tpu.enqueue_dma source(%dma_start3A_633 : memref<8x125xi32, #tpu.memory_space<hbm>>) target(%dma_start3A_631 : memref<8x125xi32, #tpu.memory_space<vmem>>) target_semaphore(%arg17 : memref<!tpu.dma_semaphore, #tpu.memory_space<semaphore_mem>>)
        } else {
        }
      } else {
      }
      %lt3A_570 = arith.constant 80 : i32
      %lt3A_571 = arith.cmpi slt, %add3A_549, %lt3A_570 : i32
      %convert_element_type3A_572 = arith.extui %lt3A_571 : i1 to i32
      %cond3A_573 = arith.constant 0 : i32
      %cond3A_574 = arith.cmpi ne, %convert_element_type3A_572, %cond3A_573 : i32
      scf.if %cond3A_574 {
        %jit3A_575 = arith.constant 8 : i32
        %div3A_576 = arith.divsi %add3A_549, %jit3A_575 : i32
        %sign3A_577 = arith.constant 0 : i32
        %sign3A_578 = arith.cmpi sgt, %add3A_549, %sign3A_577 : i32
        %sign3A_579 = arith.extui %sign3A_578 : i1 to i32
        %sign3A_580 = arith.constant 0 : i32
        %sign3A_581 = arith.cmpi slt, %add3A_549, %sign3A_580 : i32
        %sign3A_582 = arith.extui %sign3A_581 : i1 to i32
        %sign3A_583 = arith.subi %sign3A_579, %sign3A_582 : i32
        %sign3A_584 = arith.constant 0 : i32
        %sign3A_585 = arith.cmpi sgt, %jit3A_575, %sign3A_584 : i32
        %sign3A_586 = arith.extui %sign3A_585 : i1 to i32
        %sign3A_587 = arith.constant 0 : i32
        %sign3A_588 = arith.cmpi slt, %jit3A_575, %sign3A_587 : i32
        %sign3A_589 = arith.extui %sign3A_588 : i1 to i32
        %sign3A_590 = arith.subi %sign3A_586, %sign3A_589 : i32
        %ne3A_591 = arith.cmpi ne, %sign3A_583, %sign3A_590 : i32
        %rem3A_592 = arith.remsi %add3A_549, %jit3A_575 : i32
        %ne3A_593 = arith.constant 0 : i32
        %ne3A_594 = arith.cmpi ne, %rem3A_592, %ne3A_593 : i32
        %and3A_595 = arith.andi %ne3A_591, %ne3A_594 : i1
        %sub3A_596 = arith.constant 1 : i32
        %sub3A_597 = arith.subi %div3A_576, %sub3A_596 : i32
        %select_n3A_598 = arith.select %and3A_595, %sub3A_597, %div3A_576 : i32
        %rem3A_599 = arith.constant 2 : i32
        %rem3A_600 = arith.remsi %select_n3A_598, %rem3A_599 : i32
        %mul3A_601 = arith.constant 8 : i32
        %mul3A_602 = arith.muli %rem3A_600, %mul3A_601 : i32
        %rem3A_603 = arith.constant 8 : i32
        %rem3A_604 = arith.remsi %add3A_549, %rem3A_603 : i32
        %add3A_605 = arith.addi %mul3A_602, %rem3A_604 : i32
        %dma_start3A_606 = arith.constant 0 : i32
        %dma_start3A_607 = tpu.memref_slice %arg7[%add3A_605, %dma_start3A_606] : memref<16x125xi32, #tpu.memory_space<vmem>> -> memref<1x125xi32, #tpu.memory_space<vmem>>
        %dma_start3A_608 = tpu.memref_squeeze %dma_start3A_607 : memref<1x125xi32, #tpu.memory_space<vmem>> -> memref<125xi32, #tpu.memory_space<vmem>>
        %dma_start3A_609 = arith.constant 0 : i32
        %dma_start3A_610 = arith.constant 0 : i32
        %dma_start3A_611 = tpu.memref_slice %arg2[%dma_start3A_609, %dma_start3A_610] : memref<10000x128xf32, #tpu.memory_space<hbm>> -> memref<10000x128xf32, #tpu.memory_space<hbm>>
        tpu.enqueue_indirect_dma source(%dma_start3A_611 : memref<10000x128xf32, #tpu.memory_space<hbm>>) target(%arg10 : memref<125x128xf32, #tpu.memory_space<vmem>>) offsets(%dma_start3A_608 : memref<125xi32, #tpu.memory_space<vmem>>) semaphore(%arg16 : memref<!tpu.dma_semaphore, #tpu.memory_space<semaphore_mem>>)
      } else {
      }
    }
    %scan3A_313 = arith.constant 40 : i32
    %barrier3A_314 = arith.constant 0 : index
    tpu.barrier barrier_id(%barrier3A_314)
    %mul3A_315 = arith.constant 624 : i32
    %mul3A_316 = arith.muli %arg1, %mul3A_315 : i32
    %multiple_of3A_317 = tpu.assume_multiple %mul3A_316, 8 : i32
    "tpu.region"() ({
      %run_scoped3A = tpu.sem_alloc : memref<!tpu.dma_semaphore, #tpu.memory_space<semaphore_mem>>
      %dma_start3A_325 = arith.constant 0 : i32
      %dma_start3A_326 = tpu.memref_slice %arg5[%arg0, %multiple_of3A_317, %dma_start3A_325] : memref<2x10000x128xf32, #tpu.memory_space<hbm>> -> memref<1x624x128xf32, #tpu.memory_space<hbm>>
      %dma_start3A_327 = tpu.memref_squeeze %dma_start3A_326 : memref<1x624x128xf32, #tpu.memory_space<hbm>> -> memref<624x128xf32, #tpu.memory_space<hbm>>
      %dma_start3A_328 = arith.constant 0 : i32
      %dma_start3A_329 = tpu.memref_slice %arg13[%multiple_of3A_317, %dma_start3A_328] : memref<10000x128xf32, #tpu.memory_space<vmem_shared>> -> memref<624x128xf32, #tpu.memory_space<vmem_shared>>
      tpu.enqueue_dma source(%dma_start3A_329 : memref<624x128xf32, #tpu.memory_space<vmem_shared>>) target(%dma_start3A_327 : memref<624x128xf32, #tpu.memory_space<hbm>>) target_semaphore(%run_scoped3A : memref<!tpu.dma_semaphore, #tpu.memory_space<semaphore_mem>>)
      %dma_wait3A_330 = arith.constant 0 : i32
      %dma_wait3A_331 = tpu.memref_slice %arg5[%arg0, %multiple_of3A_317, %dma_wait3A_330] : memref<2x10000x128xf32, #tpu.memory_space<hbm>> -> memref<1x624x128xf32, #tpu.memory_space<hbm>>
      %dma_wait3A_332 = tpu.memref_squeeze %dma_wait3A_331 : memref<1x624x128xf32, #tpu.memory_space<hbm>> -> memref<624x128xf32, #tpu.memory_space<hbm>>
      %dma_wait3A_333 = arith.constant 0 : i32
      %dma_wait3A_334 = tpu.memref_slice %arg13[%multiple_of3A_317, %dma_wait3A_333] : memref<10000x128xf32, #tpu.memory_space<vmem_shared>> -> memref<624x128xf32, #tpu.memory_space<vmem_shared>>
      tpu.wait_dma2 semaphore(%run_scoped3A : memref<!tpu.dma_semaphore, #tpu.memory_space<semaphore_mem>>) src(%dma_wait3A_334 : memref<624x128xf32, #tpu.memory_space<vmem_shared>>) dst(%dma_wait3A_332 : memref<624x128xf32, #tpu.memory_space<hbm>>)
      tpu.yield
    }) : () -> ()
    %eq3A = arith.constant 15 : i32
    %eq3A_318 = arith.cmpi eq, %arg1, %eq3A : i32
    %convert_element_type3A = arith.extui %eq3A_318 : i1 to i32
    %cond3A = arith.constant 0 : i32
    %cond3A_319 = arith.cmpi ne, %convert_element_type3A, %cond3A : i32
    scf.if %cond3A_319 {
      "tpu.region"() ({
        %run_scoped3A = tpu.sem_alloc : memref<!tpu.dma_semaphore, #tpu.memory_space<semaphore_mem>>
        %dma_start3A_325 = arith.constant 9984 : i32
        %dma_start3A_326 = arith.constant 0 : i32
        %dma_start3A_327 = tpu.memref_slice %arg5[%arg0, %dma_start3A_325, %dma_start3A_326] : memref<2x10000x128xf32, #tpu.memory_space<hbm>> -> memref<1x16x128xf32, #tpu.memory_space<hbm>>
        %dma_start3A_328 = tpu.memref_squeeze %dma_start3A_327 : memref<1x16x128xf32, #tpu.memory_space<hbm>> -> memref<16x128xf32, #tpu.memory_space<hbm>>
        %dma_start3A_329 = arith.constant 9984 : i32
        %dma_start3A_330 = arith.constant 0 : i32
        %dma_start3A_331 = tpu.memref_slice %arg13[%dma_start3A_329, %dma_start3A_330] : memref<10000x128xf32, #tpu.memory_space<vmem_shared>> -> memref<16x128xf32, #tpu.memory_space<vmem_shared>>
        tpu.enqueue_dma source(%dma_start3A_331 : memref<16x128xf32, #tpu.memory_space<vmem_shared>>) target(%dma_start3A_328 : memref<16x128xf32, #tpu.memory_space<hbm>>) target_semaphore(%run_scoped3A : memref<!tpu.dma_semaphore, #tpu.memory_space<semaphore_mem>>)
        %dma_wait3A_332 = arith.constant 9984 : i32
        %dma_wait3A_333 = arith.constant 0 : i32
        %dma_wait3A_334 = tpu.memref_slice %arg5[%arg0, %dma_wait3A_332, %dma_wait3A_333] : memref<2x10000x128xf32, #tpu.memory_space<hbm>> -> memref<1x16x128xf32, #tpu.memory_space<hbm>>
        %dma_wait3A_335 = tpu.memref_squeeze %dma_wait3A_334 : memref<1x16x128xf32, #tpu.memory_space<hbm>> -> memref<16x128xf32, #tpu.memory_space<hbm>>
        %dma_wait3A_336 = arith.constant 9984 : i32
        %dma_wait3A_337 = arith.constant 0 : i32
        %dma_wait3A_338 = tpu.memref_slice %arg13[%dma_wait3A_336, %dma_wait3A_337] : memref<10000x128xf32, #tpu.memory_space<vmem_shared>> -> memref<16x128xf32, #tpu.memory_space<vmem_shared>>
        tpu.wait_dma2 semaphore(%run_scoped3A : memref<!tpu.dma_semaphore, #tpu.memory_space<semaphore_mem>>) src(%dma_wait3A_338 : memref<16x128xf32, #tpu.memory_space<vmem_shared>>) dst(%dma_wait3A_335 : memref<16x128xf32, #tpu.memory_space<hbm>>)
        tpu.yield
      }) : () -> ()
    } else {
    }
    %eq3A_320 = arith.constant 0 : i32
    %eq3A_321 = arith.cmpi eq, %arg1, %eq3A_320 : i32
    %convert_element_type3A_322 = arith.extui %eq3A_321 : i1 to i32
    %cond3A_323 = arith.constant 0 : i32
    %cond3A_324 = arith.cmpi ne, %convert_element_type3A_322, %cond3A_323 : i32
    scf.if %cond3A_324 {
      "tpu.region"() ({
        %run_scoped3A = tpu.sem_alloc : memref<!tpu.dma_semaphore, #tpu.memory_space<semaphore_mem>>
        %dma_start3A_325 = arith.constant 0 : i32
        %dma_start3A_326 = tpu.memref_slice %arg6[%arg0, %dma_start3A_325] : memref<2x10240xf32, #tpu.memory_space<hbm>> -> memref<1x10240xf32, #tpu.memory_space<hbm>>
        %dma_start3A_327 = tpu.memref_squeeze %dma_start3A_326 : memref<1x10240xf32, #tpu.memory_space<hbm>> -> memref<10240xf32, #tpu.memory_space<hbm>>
        tpu.enqueue_dma source(%arg14 : memref<10240xf32, #tpu.memory_space<vmem_shared>>) target(%dma_start3A_327 : memref<10240xf32, #tpu.memory_space<hbm>>) target_semaphore(%run_scoped3A : memref<!tpu.dma_semaphore, #tpu.memory_space<semaphore_mem>>)
        %dma_wait3A_328 = arith.constant 0 : i32
        %dma_wait3A_329 = tpu.memref_slice %arg6[%arg0, %dma_wait3A_328] : memref<2x10240xf32, #tpu.memory_space<hbm>> -> memref<1x10240xf32, #tpu.memory_space<hbm>>
        %dma_wait3A_330 = tpu.memref_squeeze %dma_wait3A_329 : memref<1x10240xf32, #tpu.memory_space<hbm>> -> memref<10240xf32, #tpu.memory_space<hbm>>
        tpu.wait_dma2 semaphore(%run_scoped3A : memref<!tpu.dma_semaphore, #tpu.memory_space<semaphore_mem>>) src(%arg14 : memref<10240xf32, #tpu.memory_space<vmem_shared>>) dst(%dma_wait3A_330 : memref<10240xf32, #tpu.memory_space<hbm>>)
        tpu.yield
      }) : () -> ()
    } else {
    }
    return
  }
}

module attributes {stable_mosaic.version = 14 : i64} {
  func.func @body(%arg0: i32, %arg1: memref<2000x128xf32, #tpu.memory_space<vmem>>, %arg2: memref<2x2000x128xf32, #tpu.memory_space<vmem>>, %arg3: memref<2x2000x1xf32, #tpu.memory_space<vmem>>, %arg4: memref<128x128xf32, #tpu.memory_space<vmem>>, %arg5: memref<128x128xf32, #tpu.memory_space<vmem>>, %arg6: memref<1x128xf32, #tpu.memory_space<vmem>>, %arg7: memref<2000x128xf32, #tpu.memory_space<vmem>>) attributes {dimension_semantics = [#tpu.dimension_semantics<arbitrary>], iteration_bounds = array<i64: 5>, scalar_prefetch = 0 : i64, scratch_operands = 0 : i64, tpu.core_type = #tpu.core_type<tc>, window_params = [{transform_indices = @transform_0, window_bounds = array<i64: 2000, 128>}, {transform_indices = @transform_1, window_bounds = array<i64: 2, 2000, 128>}, {transform_indices = @transform_2, window_bounds = array<i64: 2, 2000, 1>}, {pipeline_mode = #tpu.pipeline_mode<synchronous>, transform_indices = @transform_3, window_bounds = array<i64: 128, 128>}, {pipeline_mode = #tpu.pipeline_mode<synchronous>, transform_indices = @transform_4, window_bounds = array<i64: 128, 128>}, {pipeline_mode = #tpu.pipeline_mode<synchronous>, transform_indices = @transform_5, window_bounds = array<i64: 1, 128>}, {transform_indices = @transform_6, window_bounds = array<i64: 2000, 128>}]} {
    %get3A = arith.constant 0 : index
    %get3A_0 = arith.constant 0 : index
    %get3A_1 = arith.constant 0 : index
    %get3A_2 = vector.load %arg2[%get3A, %get3A_0, %get3A_1] : memref<2x2000x128xf32, #tpu.memory_space<vmem>>, vector<1x2000x128xf32>
    %get3A_3 = vector.shape_cast %get3A_2 : vector<1x2000x128xf32> to vector<2000x128xf32>
    %get3A_4 = arith.constant 1 : index
    %get3A_5 = arith.constant 0 : index
    %get3A_6 = arith.constant 0 : index
    %get3A_7 = vector.load %arg2[%get3A_4, %get3A_5, %get3A_6] : memref<2x2000x128xf32, #tpu.memory_space<vmem>>, vector<1x2000x128xf32>
    %get3A_8 = vector.shape_cast %get3A_7 : vector<1x2000x128xf32> to vector<2000x128xf32>
    %add3A = arith.addf %get3A_3, %get3A_8 : vector<2000x128xf32>
    %get3A_9 = arith.constant 0 : index
    %get3A_10 = arith.constant 0 : index
    %get3A_11 = arith.constant 0 : index
    %get3A_12 = vector.load %arg3[%get3A_9, %get3A_10, %get3A_11] : memref<2x2000x1xf32, #tpu.memory_space<vmem>>, vector<1x2000x1xf32>
    %get3A_13 = vector.shape_cast %get3A_12 : vector<1x2000x1xf32> to vector<2000x1xf32>
    %get3A_14 = arith.constant 1 : index
    %get3A_15 = arith.constant 0 : index
    %get3A_16 = arith.constant 0 : index
    %get3A_17 = vector.load %arg3[%get3A_14, %get3A_15, %get3A_16] : memref<2x2000x1xf32, #tpu.memory_space<vmem>>, vector<1x2000x1xf32>
    %get3A_18 = vector.shape_cast %get3A_17 : vector<1x2000x1xf32> to vector<2000x1xf32>
    %add3A_19 = arith.addf %get3A_13, %get3A_18 : vector<2000x1xf32>
    %max3A = arith.constant 1.000000e+00 : f32
    %max3A_20 = vector.broadcast %max3A : f32 to vector<2000x1xf32>
    %max3A_21 = arith.maximumf %add3A_19, %max3A_20 : vector<2000x1xf32>
    %div3A = vector.broadcast %max3A_21 : vector<2000x1xf32> to vector<2000x128xf32>
    %div3A_22 = arith.divf %add3A, %div3A : vector<2000x128xf32>
    %get3A_23 = arith.constant 0 : index
    %get3A_24 = arith.constant 0 : index
    %get3A_25 = vector.load %arg1[%get3A_23, %get3A_24] : memref<2000x128xf32, #tpu.memory_space<vmem>>, vector<2000x128xf32>
    %get3A_26 = arith.constant 0 : index
    %get3A_27 = arith.constant 0 : index
    %get3A_28 = vector.load %arg4[%get3A_26, %get3A_27] : memref<128x128xf32, #tpu.memory_space<vmem>>, vector<128x128xf32>
    %dot_general3A = arith.constant dense<0.000000e+00> : vector<2000x128xf32>
    %dot_general3A_29 = tpu.matmul %get3A_25, %get3A_28, %dot_general3A {dimension_numbers = #tpu.dot_dimension_numbers<[1], [0], [0], [1], [0, 0, 1, 1], [], []>, transpose_lhs_hint = false} : vector<2000x128xf32>, vector<128x128xf32>, vector<2000x128xf32> -> vector<2000x128xf32>
    %get3A_30 = arith.constant 0 : index
    %get3A_31 = arith.constant 0 : index
    %get3A_32 = vector.load %arg5[%get3A_30, %get3A_31] : memref<128x128xf32, #tpu.memory_space<vmem>>, vector<128x128xf32>
    %dot_general3A_33 = arith.constant dense<0.000000e+00> : vector<2000x128xf32>
    %dot_general3A_34 = tpu.matmul %div3A_22, %get3A_32, %dot_general3A_33 {dimension_numbers = #tpu.dot_dimension_numbers<[1], [0], [0], [1], [0, 0, 1, 1], [], []>, transpose_lhs_hint = false} : vector<2000x128xf32>, vector<128x128xf32>, vector<2000x128xf32> -> vector<2000x128xf32>
    %add3A_35 = arith.addf %dot_general3A_29, %dot_general3A_34 : vector<2000x128xf32>
    %get3A_36 = arith.constant 0 : index
    %get3A_37 = arith.constant 0 : index
    %get3A_38 = vector.load %arg6[%get3A_36, %get3A_37] : memref<1x128xf32, #tpu.memory_space<vmem>>, vector<1x128xf32>
    %add3A_39 = vector.broadcast %get3A_38 : vector<1x128xf32> to vector<2000x128xf32>
    %add3A_40 = arith.addf %add3A_35, %add3A_39 : vector<2000x128xf32>
    %swap3A = arith.constant 0 : index
    %swap3A_41 = arith.constant 0 : index
    %swap3A_42 = vector.load %arg7[%swap3A, %swap3A_41] : memref<2000x128xf32, #tpu.memory_space<vmem>>, vector<2000x128xf32>
    tpu.vector_store %arg7[%swap3A, %swap3A_41], %add3A_40 {strides = array<i32>} : memref<2000x128xf32, #tpu.memory_space<vmem>>, vector<2000x128xf32>,
    return
  }
  func.func @transform_0(%arg0: i32) -> (i32, i32) {
    %c0_i32 = arith.constant 0 : i32
    %c0_i32_0 = arith.constant 0 : i32
    return %arg0, %c0_i32 : i32, i32
  }
  func.func @transform_1(%arg0: i32) -> (i32, i32, i32) {
    %c0_i32 = arith.constant 0 : i32
    %c0_i32_0 = arith.constant 0 : i32
    %c0_i32_1 = arith.constant 0 : i32
    return %c0_i32, %arg0, %c0_i32_0 : i32, i32, i32
  }
  func.func @transform_2(%arg0: i32) -> (i32, i32, i32) {
    %c0_i32 = arith.constant 0 : i32
    %c0_i32_0 = arith.constant 0 : i32
    %c0_i32_1 = arith.constant 0 : i32
    return %c0_i32, %arg0, %c0_i32_0 : i32, i32, i32
  }
  func.func @transform_3(%arg0: i32) -> (i32, i32) {
    %c0_i32 = arith.constant 0 : i32
    %c0_i32_0 = arith.constant 0 : i32
    %c0_i32_1 = arith.constant 0 : i32
    return %c0_i32, %c0_i32_0 : i32, i32
  }
  func.func @transform_4(%arg0: i32) -> (i32, i32) {
    %c0_i32 = arith.constant 0 : i32
    %c0_i32_0 = arith.constant 0 : i32
    %c0_i32_1 = arith.constant 0 : i32
    return %c0_i32, %c0_i32_0 : i32, i32
  }
  func.func @transform_5(%arg0: i32) -> (i32, i32) {
    %c0_i32 = arith.constant 0 : i32
    %c0_i32_0 = arith.constant 0 : i32
    %c0_i32_1 = arith.constant 0 : i32
    return %c0_i32, %c0_i32_0 : i32, i32
  }
  func.func @transform_6(%arg0: i32) -> (i32, i32) {
    %c0_i32 = arith.constant 0 : i32
    %c0_i32_0 = arith.constant 0 : i32
    return %arg0, %c0_i32 : i32, i32
  }
}

module attributes {stable_mosaic.version = 14 : i64} {
  func.func @body(%arg0: i32, %arg1: memref<2000x128xf32, #tpu.memory_space<vmem>>, %arg2: memref<2x2000x128xf32, #tpu.memory_space<vmem>>, %arg3: memref<2x2000x1xf32, #tpu.memory_space<vmem>>, %arg4: memref<128x128xf32, #tpu.memory_space<vmem>>, %arg5: memref<128x128xf32, #tpu.memory_space<vmem>>, %arg6: memref<1x128xf32, #tpu.memory_space<vmem>>, %arg7: memref<2000x128xf32, #tpu.memory_space<vmem>>) attributes {dimension_semantics = [#tpu.dimension_semantics<arbitrary>], iteration_bounds = array<i64: 5>, scalar_prefetch = 0 : i64, scratch_operands = 0 : i64, tpu.core_type = #tpu.core_type<tc>, window_params = [{transform_indices = @transform_0, window_bounds = array<i64: 2000, 128>}, {transform_indices = @transform_1, window_bounds = array<i64: 2, 2000, 128>}, {transform_indices = @transform_2, window_bounds = array<i64: 2, 2000, 1>}, {pipeline_mode = #tpu.pipeline_mode<synchronous>, transform_indices = @transform_3, window_bounds = array<i64: 128, 128>}, {pipeline_mode = #tpu.pipeline_mode<synchronous>, transform_indices = @transform_4, window_bounds = array<i64: 128, 128>}, {pipeline_mode = #tpu.pipeline_mode<synchronous>, transform_indices = @transform_5, window_bounds = array<i64: 1, 128>}, {transform_indices = @transform_6, window_bounds = array<i64: 2000, 128>}]} {
    %get3A = arith.constant 0 : index
    %get3A_0 = arith.constant 0 : index
    %get3A_1 = arith.constant 0 : index
    %get3A_2 = vector.load %arg2[%get3A, %get3A_0, %get3A_1] : memref<2x2000x128xf32, #tpu.memory_space<vmem>>, vector<1x2000x128xf32>
    %get3A_3 = vector.shape_cast %get3A_2 : vector<1x2000x128xf32> to vector<2000x128xf32>
    %get3A_4 = arith.constant 1 : index
    %get3A_5 = arith.constant 0 : index
    %get3A_6 = arith.constant 0 : index
    %get3A_7 = vector.load %arg2[%get3A_4, %get3A_5, %get3A_6] : memref<2x2000x128xf32, #tpu.memory_space<vmem>>, vector<1x2000x128xf32>
    %get3A_8 = vector.shape_cast %get3A_7 : vector<1x2000x128xf32> to vector<2000x128xf32>
    %add3A = arith.addf %get3A_3, %get3A_8 : vector<2000x128xf32>
    %get3A_9 = arith.constant 0 : index
    %get3A_10 = arith.constant 0 : index
    %get3A_11 = arith.constant 0 : index
    %get3A_12 = vector.load %arg3[%get3A_9, %get3A_10, %get3A_11] : memref<2x2000x1xf32, #tpu.memory_space<vmem>>, vector<1x2000x1xf32>
    %get3A_13 = vector.shape_cast %get3A_12 : vector<1x2000x1xf32> to vector<2000x1xf32>
    %get3A_14 = arith.constant 1 : index
    %get3A_15 = arith.constant 0 : index
    %get3A_16 = arith.constant 0 : index
    %get3A_17 = vector.load %arg3[%get3A_14, %get3A_15, %get3A_16] : memref<2x2000x1xf32, #tpu.memory_space<vmem>>, vector<1x2000x1xf32>
    %get3A_18 = vector.shape_cast %get3A_17 : vector<1x2000x1xf32> to vector<2000x1xf32>
    %add3A_19 = arith.addf %get3A_13, %get3A_18 : vector<2000x1xf32>
    %max3A = arith.constant 1.000000e+00 : f32
    %max3A_20 = vector.broadcast %max3A : f32 to vector<2000x1xf32>
    %max3A_21 = arith.maximumf %add3A_19, %max3A_20 : vector<2000x1xf32>
    %div3A = vector.broadcast %max3A_21 : vector<2000x1xf32> to vector<2000x128xf32>
    %div3A_22 = arith.divf %add3A, %div3A : vector<2000x128xf32>
    %get3A_23 = arith.constant 0 : index
    %get3A_24 = arith.constant 0 : index
    %get3A_25 = vector.load %arg1[%get3A_23, %get3A_24] : memref<2000x128xf32, #tpu.memory_space<vmem>>, vector<2000x128xf32>
    %get3A_26 = arith.constant 0 : index
    %get3A_27 = arith.constant 0 : index
    %get3A_28 = vector.load %arg4[%get3A_26, %get3A_27] : memref<128x128xf32, #tpu.memory_space<vmem>>, vector<128x128xf32>
    %dot_general3A = arith.constant dense<0.000000e+00> : vector<2000x128xf32>
    %dot_general3A_29 = tpu.matmul %get3A_25, %get3A_28, %dot_general3A {dimension_numbers = #tpu.dot_dimension_numbers<[1], [0], [0], [1], [0, 0, 1, 1], [], []>, transpose_lhs_hint = false} : vector<2000x128xf32>, vector<128x128xf32>, vector<2000x128xf32> -> vector<2000x128xf32>
    %get3A_30 = arith.constant 0 : index
    %get3A_31 = arith.constant 0 : index
    %get3A_32 = vector.load %arg5[%get3A_30, %get3A_31] : memref<128x128xf32, #tpu.memory_space<vmem>>, vector<128x128xf32>
    %dot_general3A_33 = arith.constant dense<0.000000e+00> : vector<2000x128xf32>
    %dot_general3A_34 = tpu.matmul %div3A_22, %get3A_32, %dot_general3A_33 {dimension_numbers = #tpu.dot_dimension_numbers<[1], [0], [0], [1], [0, 0, 1, 1], [], []>, transpose_lhs_hint = false} : vector<2000x128xf32>, vector<128x128xf32>, vector<2000x128xf32> -> vector<2000x128xf32>
    %add3A_35 = arith.addf %dot_general3A_29, %dot_general3A_34 : vector<2000x128xf32>
    %get3A_36 = arith.constant 0 : index
    %get3A_37 = arith.constant 0 : index
    %get3A_38 = vector.load %arg6[%get3A_36, %get3A_37] : memref<1x128xf32, #tpu.memory_space<vmem>>, vector<1x128xf32>
    %add3A_39 = vector.broadcast %get3A_38 : vector<1x128xf32> to vector<2000x128xf32>
    %add3A_40 = arith.addf %add3A_35, %add3A_39 : vector<2000x128xf32>
    %tanh3A = math.tanh %add3A_40 : vector<2000x128xf32>
    %swap3A = arith.constant 0 : index
    %swap3A_41 = arith.constant 0 : index
    %swap3A_42 = vector.load %arg7[%swap3A, %swap3A_41] : memref<2000x128xf32, #tpu.memory_space<vmem>>, vector<2000x128xf32>
    tpu.vector_store %arg7[%swap3A, %swap3A_41], %tanh3A {strides = array<i32>} : memref<2000x128xf32, #tpu.memory_space<vmem>>, vector<2000x128xf32>,
    return
  }
  func.func @transform_0(%arg0: i32) -> (i32, i32) {
    %c0_i32 = arith.constant 0 : i32
    %c0_i32_0 = arith.constant 0 : i32
    return %arg0, %c0_i32 : i32, i32
  }
  func.func @transform_1(%arg0: i32) -> (i32, i32, i32) {
    %c0_i32 = arith.constant 0 : i32
    %c0_i32_0 = arith.constant 0 : i32
    %c0_i32_1 = arith.constant 0 : i32
    return %c0_i32, %arg0, %c0_i32_0 : i32, i32, i32
  }
  func.func @transform_2(%arg0: i32) -> (i32, i32, i32) {
    %c0_i32 = arith.constant 0 : i32
    %c0_i32_0 = arith.constant 0 : i32
    %c0_i32_1 = arith.constant 0 : i32
    return %c0_i32, %arg0, %c0_i32_0 : i32, i32, i32
  }
  func.func @transform_3(%arg0: i32) -> (i32, i32) {
    %c0_i32 = arith.constant 0 : i32
    %c0_i32_0 = arith.constant 0 : i32
    %c0_i32_1 = arith.constant 0 : i32
    return %c0_i32, %c0_i32_0 : i32, i32
  }
  func.func @transform_4(%arg0: i32) -> (i32, i32) {
    %c0_i32 = arith.constant 0 : i32
    %c0_i32_0 = arith.constant 0 : i32
    %c0_i32_1 = arith.constant 0 : i32
    return %c0_i32, %c0_i32_0 : i32, i32
  }
  func.func @transform_5(%arg0: i32) -> (i32, i32) {
    %c0_i32 = arith.constant 0 : i32
    %c0_i32_0 = arith.constant 0 : i32
    %c0_i32_1 = arith.constant 0 : i32
    return %c0_i32, %c0_i32_0 : i32, i32
  }
  func.func @transform_6(%arg0: i32) -> (i32, i32) {
    %c0_i32 = arith.constant 0 : i32
    %c0_i32_0 = arith.constant 0 : i32
    return %arg0, %c0_i32 : i32, i32
  }
}

</mosaic_0001>

<sc_bundles>
// kernel: kernel.6.cloned.1.call-start
scs
__scs_entry_jumppad:
0x0: {  	(pc) =	sbr.rel $0x88, $3  }
0x1: {  	(tag) =	ssettag $0x0;
	lr =	simm.s32 $0x1  }
0x2: {  	[smem:$0x3F99] =	sst lr;
	_ =	strace $0xD0000000  }
0x3: {  	_ = 	snop  }
0x4: {  	_ = 	snop  }
0x5: {  	_ = 	snop  }
0x6: {  	_ = 	snop  }
0x7: {  	_ = 	snop  }
__scs_overlays_trampoline_lowered:
0x8: {  	[smem:$0x3FA8] =	sst s0  }
0x9: {  	[smem:$0x3FA9] =	sst s1  }
0xa: {  	[smem:$0x3FAA] =	sst s2  }
0xb: {  	[smem:$0x3FAB] =	sst s3  }
0xc: {  	[smem:$0x3FAC] =	sst s4  }
0xd: {  	[smem:$0x3FAD] =	sst s5  }
0xe: {  	[smem:$0x3FAE] =	sst s6  }
0xf: {  	[smem:$0x3FAF] =	sst s7  }
0x10: {  	[smem:$0x3FB0] =	sst s8  }
0x11: {  	[smem:$0x3FB1] =	sst s9;
	s0 =	simm.s32 @!p0 $0x0  }
0x12: {  	s1 =	sld [smem:$0x3F97];
	s0 =	simm.s32 @p0 $0x1  }
0x13: {  	[smem:$0x3FB2] =	sst s0;
	s0 =	simm.s32 @!p1 $0x0  }
0x14: {  	s2 =	sld [smem:$0x3F96];
	s0 =	simm.s32 @p1 $0x1  }
0x15: {  	[smem:$0x3FB3] =	sst s0;
	s0 =	simm.s32 @!p2 $0x0  }
0x16: {  	s3 =	sld [smem:$0x3FDB];
	s0 =	simm.s32 @p2 $0x1  }
0x17: {  	s4 =	simm.s32 $0x1BF5;
	[smem:$0x3FB5] =	sst s0  }
0x18: {  	s0 =	sld [smem:$0x3F98];
	_ =	swait.ge [sflag:s4], $0x0  }
0x19: {  	s7 =	sld [smem:$0x3F99]  }
0x1a: {  	s8 =	sadd.s32 $0xFFFFE003, lr  }
0x1b: {  	s9 =	sadd.s32 $0xFFFFFEF7, lr;
	s5 =	simm.s32 $0xFFFFFFFF;
	p2 =	slt.u32 s8, $0xFFFFF086  }
0x1c: {  	p1 =	slt.u32 s9, $0xF7A;
	s5 =	simm.s32 @!p2 $0x0  }
0x1d: {  	s5 =	simm.s32 @p1 $0x1;
	p0 =	seq.s32 s7, s2  }
0x1e: {  	s7 =	smul.u32 @!p0 $0xF7A, s2;
	p2 =	seq.s32 @!p0 s5, $0x0  }
0x1f: {  	s9 =	smul.u32 $0xF7A, s1;
	s8 =	simm.s32 @!p0 $0x1BF5;
	p2 =	por !p2, p0  }
0x20: {  	[sflag:s8] =	ssyncset.s32 @!p0 $0xFFFFF086;
	s6 =	sadd.s32 @!p0 s3, s7;
	s7 =	simm.s32 @!p0 $0x108  }
0x21: {  	s3 =	sadd.s32 s3, s9;
	s6 =	sadd.s32 @!p0 $0x88, s6;
	s7 =	simm.s32 @p2 $0x1082  }
0x22: {  	[simem:s7], [sflag:s8] =	dma.local @!p0 [hbm:s6], $0xF7A  }
0x23: {  	s9 =	sor.u32 $0xD0000000, s2;
	s6 =	simm.s32 $0x108;
	_ =	swait.ge @!p0 [sflag:s8], $0x0  }
0x24: {  	s3 =	sadd.s32 $0x88, s3;
	s6 =	simm.s32 @!p1 $0x1082;
	[sflag:s4] =	ssyncset.s32 $0xFFFFF086  }
0x25: {  	[simem:s6], [sflag:s4] =	dma.local [hbm:s3], $0xF7A  }
0x26: {  	[smem:$0x3F99] =	sst s1;
	(tag) =	ssettag s2;
	_ =	strace s9  }
0x27: {  	s1 =	sld [smem:$0x3FA9]  }
0x28: {  	s2 =	sld [smem:$0x3FAA]  }
0x29: {  	s4 =	sld [smem:$0x3FAC]  }
0x2a: {  	p0 =	seq.s32 s5, $0x0;
	s5 =	sld [smem:$0x3FAD]  }
0x2b: {  	s6 =	sld [smem:$0x3FAE]  }
0x2c: {  	s7 =	sld [smem:$0x3FAF]  }
0x2d: {  	s3 =	simm.s32 $0x108;
	s8 =	sld [smem:$0x3FB0]  }
0x2e: {  	s3 =	simm.s32 @!p0 $0x1082;
	s9 =	sld [smem:$0x3FB1]  }
0x2f: {  	lr =	sadd.s32 s0, s3;
	s0 =	sld [smem:$0x3FA8]  }
0x30: {  	s3 =	sld [smem:$0x3FAB]  }
0x31: {  	[smem:$0x3FB4] =	sst s10  }
0x32: {  	s10 =	sld [smem:$0x3FB2];
	_ =	sdelay $0x3  }
0x33: {  	p0 =	seq.s32 s10, $0x1;
	s10 =	sld [smem:$0x3FB4];
	_ =	sdelay $0x3  }
0x34: {  	[smem:$0x3FB4] =	sst s10  }
0x35: {  	s10 =	sld [smem:$0x3FB3];
	_ =	sdelay $0x3  }
0x36: {  	p1 =	seq.s32 s10, $0x1;
	s10 =	sld [smem:$0x3FB4];
	_ =	sdelay $0x3  }
0x37: {  	[smem:$0x3FB4] =	sst s10  }
0x38: {  	s10 =	sld [smem:$0x3FB5]  }
0x39: {  	_ = 	snop;
	(pc) =	sbr.ind lr, $3  }
0x3a: {  	_ = 	snop  }
0x3b: {  	_ = 	snop  }
0x3c: {  	p2 =	seq.s32 s10, $0x1;
	s10 =	sld [smem:$0x3FB4]  }
0x3d: {  	_ =	shalt  }
0x3e: {  	_ =	shalt  }
0x3f: {  	_ =	shalt  }
0x40: {  	_ =	shalt  }
0x41: {  	_ =	shalt  }
0x42: {  	_ =	shalt  }
0x43: {  	_ =	shalt  }
0x44: {  	_ =	shalt  }
0x45: {  	_ =	shalt  }
0x46: {  	_ =	shalt  }
0x47: {  	_ =	shalt  }
0x48: {  	_ =	shalt  }
0x49: {  	_ =	shalt  }
0x4a: {  	_ =	shalt  }
0x4b: {  	_ =	shalt  }
0x4c: {  	_ =	shalt  }
0x4d: {  	_ =	shalt  }
0x4e: {  	_ =	shalt  }
0x4f: {  	_ =	shalt  }
0x50: {  	_ =	shalt  }
0x51: {  	_ =	shalt  }
0x52: {  	_ =	shalt  }
0x53: {  	_ =	shalt  }
0x54: {  	_ =	shalt  }
0x55: {  	_ =	shalt  }
0x56: {  	_ =	shalt  }
0x57: {  	_ =	shalt  }
0x58: {  	_ =	shalt  }
0x59: {  	_ =	shalt  }
0x5a: {  	_ =	shalt  }
0x5b: {  	_ =	shalt  }
0x5c: {  	_ =	shalt  }
0x5d: {  	_ =	shalt  }
0x5e: {  	_ =	shalt  }
0x5f: {  	_ =	shalt  }
0x60: {  	_ =	shalt  }
0x61: {  	_ =	shalt  }
0x62: {  	_ =	shalt  }
0x63: {  	_ =	shalt  }
0x64: {  	_ =	shalt  }
0x65: {  	_ =	shalt  }
0x66: {  	_ =	shalt  }
0x67: {  	_ =	shalt  }
0x68: {  	_ =	shalt  }
0x69: {  	_ =	shalt  }
0x6a: {  	_ =	shalt  }
0x6b: {  	_ =	shalt  }
0x6c: {  	_ =	shalt  }
0x6d: {  	_ =	shalt  }
0x6e: {  	_ =	shalt  }
0x6f: {  	_ =	shalt  }
0x70: {  	_ =	shalt  }
0x71: {  	_ =	shalt  }
0x72: {  	_ =	shalt  }
0x73: {  	_ =	shalt  }
0x74: {  	_ =	shalt  }
0x75: {  	_ =	shalt  }
0x76: {  	_ =	shalt  }
0x77: {  	_ =	shalt  }
0x78: {  	_ =	shalt  }
0x79: {  	_ =	shalt  }
0x7a: {  	_ =	shalt  }
0x7b: {  	_ =	shalt  }
0x7c: {  	_ =	shalt  }
0x7d: {  	_ =	shalt  }
0x7e: {  	_ =	shalt  }
0x7f: {  	_ =	shalt  }
0x80: {  	_ =	shalt  }
0x81: {  	_ =	shalt  }
0x82: {  	_ =	shalt  }
0x83: {  	_ =	shalt  }
0x84: {  	_ =	shalt  }
0x85: {  	_ =	shalt  }
0x86: {  	_ =	shalt  }
0x87: {  	_ =	shalt  }
.Lfunc_end0:
.L_simem_size_0:
called_computation_lowered:
.L_overlay_start_0:
0x88: {  	s2 =	sld [smem:$0x3FD9]  }
0x89: {  	s3 =	sld [smem:$0x3FFE];
	_ =	sdelay $0x1  }
0x8a: {  	s1 =	srdreg.scid  }
0x8b: {  	s0 =	sand.u32 $0x1, s1  }
0x8c: {  	s17 =	sshll.u32 s0, $0xA;
	s2 =	sadd.s32 s3, s2  }
0x8d: {  	s2 =	sadd.s32 s2, s17  }
0x8e: {  	[smem:$0x3FC0] =	sst s2  }
0x8f: {  	_ = 	snop  }
0x90: {  	s2 =	sld [smem:$0x3FC9]  }
0x91: {  	s18 =	sld [smem:$0x3FD0];
	(tm) =	ssettm $0x1  }
0x92: {  	s4 =	sld [smem:$0x3FFB];
	_ =	sdelay $0x3  }
0x93: {  	_ =	strace s4  }
0x94: {  	s4 =	sld [smem:$0x3FFC];
	_ =	sdelay $0x3  }
0x95: {  	_ =	strace s4  }
0x96: {  	s4 =	sld [smem:$0x3FFD];
	_ =	sdelay $0x3  }
0x97: {  	_ =	strace s4  }
0x98: {  	_ =	strace $0x8FFFFFFF  }
0x99: {  	s19 =	sld [smem:$0x3FDB];
	_ =	sdelay $0x1  }
0x9a: {  	s5 =	simm.s32 $_scs_section_size  }
0x9b: {  	s6 =	simm.s32 $_size__tile_overlayer_lowered;
	s7 =	simm.s32 $_tile_overlayer_lowered  }
0x9c: {  	s22 =	simm.s32 $0x1BFF;
	s21 =	sshll.u32 s7, $0x1;
	s4 =	sadd.s32 s5, s19  }
0x9d: {  	s8 =	simm.s32 $0x0;
	s20 =	sshll.u32 s6, $0x1;
	s6 =	sadd.s32 s21, s4  }
0x9e: {  	[timem:s8], [sflag:s22] =	dma.local [hbm:s6], s20  }
0x9f: {  	_ =	swait.ge [sflag:s22], s20  }
0xa0: {  	s5 =	ssub.s32 $0x0, s20;
	[sflag:s22] =	ssyncset.done $0x0  }
0xa1: {  	[sflag:s22] =	ssyncadd.s32 s5;
	_ =	sdelay $0x1  }
0xa2: {  	s23 =	simm.s32 $0x1B8B  }
0xa3: {  	_ =	swait.ge [sflag:s23], $0x1  }
0xa4: {  	[sflag:s23] =	ssyncset.done $0x0  }
0xa5: {  	s25 =	simm.s32 $0x1B8E;
	s24 =	sld [smem:$0x3FFE];
	[sflag:s23] =	ssyncadd.s32 $0xFFFFFFFF  }
0xa6: {  	s26 =	simm.s32 $execute0_lowered;
	[smem:$0x3FD2] =	sst s25  }
0xa7: {  	s6 =	sshll.u32 s26, $0x1;
	_ =	strace $0x80000046;
	[dreg:$0x1] =	wrdreg $0xFFFFFFFF  }
0xa8: {  	s28 =	simm.s32 $_size_execute0_lowered;
	s4 =	sadd.s32 s4, s6;
	[dreg:$0x0] =	wrdreg $0x0  }
0xa9: {  	s6 =	sshll.u32 s28, $0x1;
	[dreg:$0x2] =	wrdreg s4  }
0xaa: {  	[dreg:$0x3] =	wrdreg s6  }
0xab: {  	[dreg:$0x4] =	wrdreg $0xC0  }
0xac: {  	_ =	task [dreg:s8], $0x5FFFF  }
0xad: {  	[dreg:$0x1] =	wrdreg $0xFFFFFFFF  }
0xae: {  	[dreg:$0x0] =	wrdreg $0x60  }
0xaf: {  	[dreg:$0x2] =	wrdreg s2  }
0xb0: {  	[dreg:$0x3] =	wrdreg s24  }
0xb1: {  	[dreg:$0x4] =	wrdreg s18  }
0xb2: {  	[dreg:$0x5] =	wrdreg $0x93000  }
0xb3: {  	[dreg:$0x6] =	wrdreg $0x1CB800  }
0xb4: {  	[dreg:$0x7] =	wrdreg $0x9  }
0xb5: {  	_ =	task.clear_ibuf [dreg:s8], $0x8FFFF;
	_ =	strace $0x90000046  }
0xb6: {  	s29 =	simm.s32 $0x9;
	_ =	strace $0x80000048  }
0xb7: {  	_ =	swait.ge [sflag:s29], $0x1  }
0xb8: {  	[sflag:s29] =	ssyncadd.s32 $0xFFFFFFFF  }
0xb9: {  	_ =	strace $0x90000048  }
0xba: {  	_ =	sfence  }
0xbb: {  	s30 =	sld [smem:$0x0];
	_ =	sdelay $0x2  }
0xbc: {  	s31 =	sshll.u32 s1, $0xD;
	s1 =	sshrl.u32 s1, $0x2  }
0xbd: {  	s3 =	sand.u32 $0x4000, s31;
	s1 =	sadd.s32 s1, s30  }
0xbe: {  	s0 =	sor.u32 s3, s0;
	s1 =	sshll.u32 s1, $0x11  }
0xbf: {  	s0 =	sor.u32 s1, s0  }
0xc0: {  	s0 =	sadd.s32 $0x8F2B, s0  }
0xc1: {  	[sflag:s0] =	ssyncadd.remote.s32 $0x1  }
0xc2: {  	_ =	sfence.sel $0xFFFF  }
0xc3: {  	[dreg:$0x0] =	wrdreg $0xFFFFFFFF;
	(pc) =	sbr.abs _section_cstart, $3  }
0xc4: {  	[dreg:$0x1] =	wrdreg $0xFFFFFFFF  }
0xc5: {  	_ =	task.clear_ibuf [dreg:s8], $0x2FFFF;
	_ =	strace $0x9FFFFFFF  }
0xc6: {  	(tm) =	ssettm $0x7FFFFFFF  }
0xc7: {  	_ =	shalt  }
tec
execute0_lowered:
.L_overlay_start_1:
0x0: {  	(tag) =	ssettag $0x1  }
0x1: {  	s1 =	rddreg [dreg:$0x0]  }
0x2: {  	s0 =	rddreg [dreg:$0x1]  }
0x3: {  	s4 =	rddreg [dreg:$0x2]  }
0x4: {  	s2 =	rddreg [dreg:$0x3]  }
0x5: {  	s3 =	rddreg [dreg:$0x4];
	s5 =	simm.s32 $0x0;
	s6 =	srdreg.scid  }
0x6: {  	s15 =	stileid.u32;
	s30 =	simm.s32 $0x3;
	s29 =	simm.s32 $0x5000  }
0x7: {  	s31 =	simm.s32 $0x1;
	s28 =	simm.s32 $0x9000;
	[smem:$0x7FF] =	sst s5  }
0x8: {  	s9 =	sand.u32 $0x1, s6;
	s6 =	sadd.s32 $0xC000, s0;
	s10 =	smul.u32 $0x4E200, s15  }
0x9: {  	s7 =	sadd.s32 $0x2000, s0;
	s0 =	sadd.s32 $0x16000, s0;
	s13 =	smul.u32 $0xA00, s15  }
0xa: {  	s21 =	smul.u32 $0x13800, s15;
	p0 =	seq.s32 s15, $0x0;
	_ =	strace $0x80000047  }
0xb: {  	s8 =	ssub.s32 $0x2, s9;
	s12 =	sshll.u32 s9, $0x4;
	s9 =	smul.u32 $0x138800, s9  }
0xc: {  	s11 =	sshrl.u32 s8, $0x1;
	s25 =	sshrl.u32 s10, $0x2;
	s13 =	sshrl.u32 s13, $0x2  }
0xd: {  	s11 =	ssub.s32 s8, s11;
	s8 =	sadd.s32 s25, s2;
	s13 =	sadd.s32 s13, s3  }
0xe: {  	p1 =	sne.s32 @!p0 s15, $0xF;
	s14 =	sadd.s32 $0x3E80, s8;
	[dreg:$0xa] =	wrdreg s13  }
0xf: {  	s26 =	sor.u32 s15, s12;
	s18 =	sadd.s32 $0x7D00, s8;
	[dreg:$0x6] =	wrdreg s14  }
0x10: {  	p1 =	por p1, p0;
	s16 =	sadd.s32 $0xBB80, s8;
	[dreg:$0x7] =	wrdreg s18  }
0x11: {  	s19 =	smul.u32 $0x500, s26;
	s20 =	sadd.s32 $0xFA00, s8;
	[dreg:$0x8] =	wrdreg s16  }
0x12: {  	s13 =	sadd.s32 s21, s9;
	s9 =	sshrl.u32 s9, $0x3;
	[dreg:$0x9] =	wrdreg s20  }
0x13: {  	s22 =	sadd.s32 s6, s19;
	s23 =	sadd.s32 s7, s19;
	s20 =	smul.u32 $0x4E000, s15  }
0x14: {  	s14 =	sor.u32 $0x80, s19;
	s18 =	smul.u32 $0xA, s26;
	[dreg:$0xb] =	wrdreg s22  }
0x15: {  	s25 =	sshrl.u32 s13, $0x3;
	[dreg:$0xc] =	wrdreg s23;
	s24 =	sadd.s32 s6, s14  }
0x16: {  	s17 =	sadd.s32 s7, s14;
	s19 =	sadd.s32 s0, s25;
	s0 =	sadd.s32 s0, s9  }
.Ltmp0:
0x17: {  	s22 =	smax.u32 s11, $0x1;
	s23 =	simm.s32 $0x1000;
	(pc) =	sbr.rel .LBB2_1-.Ltmp0, $4  }
0x18: {  	s9 =	simm.s32 $0x0;
	[dreg:$0xd] =	wrdreg s24;
	s26 =	sshrl.u32 s20, $0x2  }
0x19: {  	s20 =	sadd.s32 s4, s12;
	s21 =	sadd.s32 $0x27000, s0;
	s0 =	sadd.s32 $0x138000, s2  }
0x1a: {  	s4 =	simm.s32 $0x2;
	s10 =	sadd.s32 s26, s2;
	s25 =	sshrl.u32 @!p1 s0, $0x3  }
0x1b: {  	v0 =	vimm.f32 $0.0e+00;
	v1 =	vimm.f32 $1.000000000e+00;
	s26 =	simm.s32 $0x4;
	s0 =	simm.s32 $0x7D;
	s24 =	sshrl.u32 s10, $0x3  }
.LBB2_12:
0x1c: {  	s10 =	stileid.u32  }
0x1d: {  	s10 =	sshll.u32 s10, $0x6  }
0x1e: {  	[bflag:$0x0] =	sbarrier.arrive $0xFFFF;
	s10 =	sor.u32 $0x1C04, s10  }
0x1f: {  	[hbm:s19], [sflag:s10] =	dma.local [spmem:s24], $0x2700  }
0x20: {  	_ =	swait.ge [sflag:s26], $0x2700  }
0x21: {  	s11 =	sshrl.u32 @p0 s3, $0x3;
	s12 =	simm.s32 @p0 $0x1;
	[sflag:s26] =	ssyncset.done $0x0  }
0x22: {  	s13 =	simm.s32 @p0 $0x20;
	s14 =	simm.s32 @p0 $0x10;
	[sflag:s26] =	ssyncadd.s32 $0xFFFFD900  }
0x23: {  	[hbm:s20@s13], [sflag:s10] =	dma.strided @p0 [spmem:s11@s14], $0x500, s12, $0x10   }
0x24: {  	s11 =	simm.s32 @p0 $0x4  }
0x25: {  	_ =	swait.ge @p0 [sflag:s11], $0x500  }
0x26: {  	s9 =	sadd.s32 $0x1, s9;
	[sflag:s11] =	ssyncset.done @p0 $0x0  }
0x27: {  	p2 =	sne.s32 s9, s22;
	[sflag:s11] =	ssyncadd.s32 @p0 $0xFFFFFB00  }
0x28: {  	[hbm:s21], [sflag:s10] =	dma.local @!p1 [spmem:s25], $0x100  }
.Ltmp1:
0x29: {  	_ = 	snop;
	(pc) =	sbr.rel @!p2 .LBB2_13-.Ltmp1, $4  }
0x2a: {  	s10 =	simm.s32 @!p1 $0x4  }
0x2b: {  	_ =	swait.ge @!p1 [sflag:s10], $0x100  }
0x2c: {  	[sflag:s10] =	ssyncset.done @!p1 $0x0  }
0x2d: {  	[sflag:s10] =	ssyncadd.s32 @!p1 $0xFFFFFF00  }
.LBB2_1:
0x2e: {  	s10 =	simm.s32 $0x0;
	s11 =	simm.s32 $0x200  }
.LBB2_2:
0x2f: {  	p2 =	sne.s32 s11, $0xF800;
	[tilespmem:s10+$0x1070] =	vst v0  }
0x30: {  	[tilespmem:s10+$0x1000] =	vst v0  }
0x31: {  	[tilespmem:s10+$0x1010] =	vst v0  }
.Ltmp2:
0x32: {  	[tilespmem:s10+$0x1020] =	vst v0;
	(pc) =	sbr.rel @p2 .LBB2_2-.Ltmp2, $4  }
0x33: {  	[tilespmem:s10+$0x1030] =	vst v0  }
0x34: {  	[tilespmem:s10+$0x1040] =	vst v0  }
0x35: {  	[tilespmem:s10+$0x1050] =	vst v0  }
0x36: {  	[tilespmem:s10+$0x1060] =	vst v0;
	s10 =	sshra.s32 s11, $0x2;
	s11 =	sadd.s32 $0x200, s11  }
0x37: {  	[tilespmem:s10+$0x1070] =	vst v0  }
0x38: {  	[tilespmem:s10+$0x1000] =	vst v0  }
0x39: {  	[tilespmem:s10+$0x1010] =	vst v0  }
0x3a: {  	[tilespmem:s10+$0x1020] =	vst v0  }
0x3b: {  	[tilespmem:s10+$0x1030] =	vst v0  }
0x3c: {  	[tilespmem:s10+$0x1040] =	vst v0  }
0x3d: {  	[tilespmem:s10+$0x1050] =	vst v0  }
0x3e: {  	[tilespmem:s10+$0x1060] =	vst v0  }
0x3f: {  	[tilespmem:$0x9000] =	vst v1  }
0x40: {  	[tilespmem:$0x9010] =	vst v1  }
0x41: {  	[tilespmem:$0x9020] =	vst v1  }
0x42: {  	[tilespmem:$0x9030] =	vst v1  }
0x43: {  	[tilespmem:$0x9040] =	vst v1  }
0x44: {  	[tilespmem:$0x9050] =	vst v1  }
0x45: {  	[tilespmem:$0x9060] =	vst v1  }
0x46: {  	[tilespmem:$0x9070] =	vst v1  }
0x47: {  	[tilespmem:$0x9080] =	vst v0  }
0x48: {  	[tilespmem:$0x9090] =	vst v0  }
0x49: {  	[tilespmem:$0x90A0] =	vst v0  }
0x4a: {  	[tilespmem:$0x90B0] =	vst v0  }
0x4b: {  	[tilespmem:$0x90C0] =	vst v0  }
0x4c: {  	[tilespmem:$0x90D0] =	vst v0  }
0x4d: {  	[tilespmem:$0x90E0] =	vst v0  }
0x4e: {  	[tilespmem:$0x90F0] =	vst v0  }
0x4f: {  	[tilespmem:$0x9100] =	vst v0  }
0x50: {  	[tilespmem:$0x9110] =	vst v0  }
0x51: {  	[tilespmem:$0x9120] =	vst v0  }
0x52: {  	[tilespmem:$0x9130] =	vst v0  }
0x53: {  	[tilespmem:$0x9140] =	vst v0  }
0x54: {  	[tilespmem:$0x9150] =	vst v0  }
0x55: {  	[tilespmem:$0x9160] =	vst v0  }
0x56: {  	[tilespmem:$0x9170] =	vst v0  }
0x57: {  	[tilespmem:$0x9180] =	vst v0  }
0x58: {  	[tilespmem:$0x9190] =	vst v0  }
0x59: {  	[tilespmem:$0x91A0] =	vst v0  }
0x5a: {  	[tilespmem:$0x91B0] =	vst v0  }
0x5b: {  	[tilespmem:$0x91C0] =	vst v0  }
0x5c: {  	[tilespmem:$0x91D0] =	vst v0  }
0x5d: {  	[tilespmem:$0x91E0] =	vst v0  }
0x5e: {  	[tilespmem:$0x91F0] =	vst v0  }
0x5f: {  	[tilespmem:$0x9200] =	vst v0  }
0x60: {  	[tilespmem:$0x9210] =	vst v0  }
0x61: {  	[tilespmem:$0x9220] =	vst v0  }
0x62: {  	[tilespmem:$0x9230] =	vst v0  }
0x63: {  	[tilespmem:$0x9240] =	vst v0  }
0x64: {  	[tilespmem:$0x9250] =	vst v0  }
0x65: {  	[tilespmem:$0x9260] =	vst v0  }
0x66: {  	[tilespmem:$0x9270] =	vst v0  }
0x67: {  	[tilespmem:$0x9280] =	vst v0  }
0x68: {  	[tilespmem:$0x9290] =	vst v0  }
0x69: {  	[tilespmem:$0x92A0] =	vst v0  }
0x6a: {  	[tilespmem:$0x92B0] =	vst v0  }
0x6b: {  	[tilespmem:$0x92C0] =	vst v0  }
0x6c: {  	[tilespmem:$0x92D0] =	vst v0  }
0x6d: {  	[tilespmem:$0x92E0] =	vst v0  }
0x6e: {  	[tilespmem:$0x92F0] =	vst v0  }
0x6f: {  	[spmem:s8] =	stream.linear.scatter [tilespmem:s23], [sflag:$0x4], $0x3E80, $0x38;
	[tilespmem:$0x1CE00] =	vst v63  }
0x70: {  	_ =	swait.ge [sflag:s26], $0x3E80  }
0x71: {  	[sflag:s26] =	ssyncset.done $0x0  }
0x72: {  	s12 =	rddreg [dreg:$0x6];
	[sflag:s26] =	ssyncadd.s32 $0xFFFFC180  }
0x73: {  	[spmem:s12] =	stream.linear.scatter [tilespmem:s23], [sflag:$0x4], $0x3E80, $0x38;
	[tilespmem:$0x1CE00] =	vst v63  }
0x74: {  	_ =	swait.ge [sflag:s26], $0x3E80  }
0x75: {  	[sflag:s26] =	ssyncset.done $0x0  }
0x76: {  	s13 =	rddreg [dreg:$0x7];
	[sflag:s26] =	ssyncadd.s32 $0xFFFFC180  }
0x77: {  	[spmem:s13] =	stream.linear.scatter [tilespmem:s23], [sflag:$0x4], $0x3E80, $0x38;
	[tilespmem:$0x1CE00] =	vst v63  }
0x78: {  	_ =	swait.ge [sflag:s26], $0x3E80  }
0x79: {  	[sflag:s26] =	ssyncset.done $0x0  }
0x7a: {  	s14 =	rddreg [dreg:$0x8];
	[sflag:s26] =	ssyncadd.s32 $0xFFFFC180  }
0x7b: {  	[spmem:s14] =	stream.linear.scatter [tilespmem:s23], [sflag:$0x4], $0x3E80, $0x38;
	[tilespmem:$0x1CE00] =	vst v63  }
0x7c: {  	_ =	swait.ge [sflag:s26], $0x3E80  }
0x7d: {  	[sflag:s26] =	ssyncset.done $0x0  }
0x7e: {  	s15 =	rddreg [dreg:$0x9];
	[sflag:s26] =	ssyncadd.s32 $0xFFFFC180  }
0x7f: {  	[spmem:s15] =	stream.linear.scatter [tilespmem:s23], [sflag:$0x4], $0x3E80, $0x38;
	[tilespmem:$0x1CE00] =	vst v63  }
0x80: {  	_ =	swait.ge [sflag:s26], $0x3E80  }
0x81: {  	[sflag:s26] =	ssyncset.done $0x0  }
0x82: {  	s11 =	simm.s32 $0x9080;
	s16 =	rddreg [dreg:$0xa];
	[sflag:s26] =	ssyncadd.s32 $0xFFFFC180  }
0x83: {  	[spmem:s16] =	stream.linear.scatter [tilespmem:s11], [sflag:$0x4], $0x280, $0x38;
	[tilespmem:$0x1CE00] =	vst v63  }
0x84: {  	_ =	swait.ge [sflag:s26], $0x280  }
0x85: {  	[sflag:s26] =	ssyncset.done $0x0  }
0x86: {  	[sflag:s26] =	ssyncadd.s32 $0xFFFFFD80  }
0x87: {  	[bflag:$0x0] =	sbarrier.arrive $0xFFFF  }
0x88: {  	s10 =	simm.s32 $0x0;
	s12 =	rddreg [dreg:$0xb]  }
0x89: {  	[tilespmem:s10], [sflag:$0x3] =	stream.linear.gather [hbm4b:s12+s10], $0x400, $0x38;
	[tilespmem:$0x1CE00] =	vst v63  }
0x8a: {  	s13 =	rddreg [dreg:$0xc];
	s12 =	simm.s32 $0x800  }
0x8b: {  	[tilespmem:s12], [sflag:$0x3] =	stream.linear.gather [hbm4b:s13+s10], $0x400, $0x38;
	[tilespmem:$0x1CE00] =	vst v63  }
0x8c: {  	_ =	swait.ge [sflag:s30], $0x400  }
0x8d: {  	[sflag:s30] =	ssyncset.done $0x0  }
0x8e: {  	[sflag:s30] =	ssyncadd.s32 $0xFFFFFC00  }
0x8f: {  	_ =	swait.ge [sflag:s30], $0x400  }
0x90: {  	[sflag:s30] =	ssyncset.done $0x0  }
0x91: {  	s11 =	simm.s32 $0x400;
	s14 =	rddreg [dreg:$0xd];
	[sflag:s30] =	ssyncadd.s32 $0xFFFFFC00  }
0x92: {  	[tilespmem:s11], [sflag:$0x3] =	stream.linear.gather [hbm4b:s14+s10], $0x400, $0x38;
	[tilespmem:$0x1CE00] =	vst v63  }
0x93: {  	s15 =	simm.s32 $0xC00  }
0x94: {  	[tilespmem:s15], [sflag:$0x3] =	stream.linear.gather [hbm4b:s17+s10], $0x400, $0x38;
	[tilespmem:$0x1CE00] =	vst v63  }
.Ltmp3:
0x95: {  	_ = 	snop;
	(pc) =	sbr.rel .LBB2_4-.Ltmp3, $4  }
0x96: {  	_ = 	snop  }
0x97: {  	[tilespmem:s23], [sflag:$0x1] =	stream.indirect.gather [hbm4b:s1+s0], $0x80, s10, s0, $0xb8;
	[tilespmem:$0x1CE00] =	vst v63  }
0x98: {  	s16 =	simm.s32 $0x80;
	s12 =	simm.s32 $0x2  }
0x99: {  	[tilespmem:s29], [sflag:$0x2] =	stream.indirect.gather [hbm4b:s1+s0], $0x80, s16, s0, $0xb8;
	[tilespmem:$0x1CE00] =	vst v63  }
.LBB2_9:
0x9a: {  	s14 =	sshrl.u32 s14, $0x3  }
0x9b: {  	s14 =	sadd.s32 $0x1, s14  }
0x9c: {  	s15 =	sadd.s32 s18, s14  }
0x9d: {  	s15 =	sshll.u32 s15, $0x7  }
0x9e: {  	s14 =	sshll.u32 s14, $0xA;
	s15 =	sand.u32 $0x1FFFFF80, s15  }
0x9f: {  	s14 =	sand.u32 $0x400, s14;
	s16 =	sadd.s32 s6, s15  }
0xa0: {  	[tilespmem:s14], [sflag:$0x3] =	stream.linear.gather [hbm4b:s16+s5], $0x400, $0x38;
	[tilespmem:$0x1CE00] =	vst v63  }
0xa1: {  	s15 =	sadd.s32 s7, s15;
	s14 =	sor.u32 $0x800, s14  }
0xa2: {  	[tilespmem:s14], [sflag:$0x3] =	stream.linear.gather [hbm4b:s15+s5], $0x400, $0x38;
	[tilespmem:$0x1CE00] =	vst v63  }
.LBB2_11:
0xa3: {  	s14 =	sadd.s32 $0x200, s11  }
0xa4: {  	s14 =	sand.u32 $0x1000, s14  }
0xa5: {  	s13 =	sshll.u32 s13, $0x7;
	s10 =	sadd.s32 $0x1, s10;
	s14 =	sshrl.u32 s14, $0x2  }
0xa6: {  	s11 =	sadd.s32 $0x400, s11;
	s12 =	sadd.s32 $0x2, s12;
	s13 =	sor.u32 s13, s14  }
0xa7: {  	[tilespmem:s29], [sflag:$0x2] =	stream.indirect.gather [hbm4b:s1+s0], $0x80, s13, s0, $0xb8;
	[tilespmem:$0x1CE00] =	vst v63  }
.LBB2_4:
0xa8: {  	s13 =	sadd.s32 $0xFFFFFC00, s11  }
0xa9: {  	_ =	swait.ge [sflag:s31], $0x3E80;
	s13 =	sand.u32 $0x1C00, s13  }
0xaa: {  	s14 =	sand.u32 $0x6, s12;
	[sflag:s31] =	ssyncset.done $0x0;
	s13 =	sshrl.u32 s13, $0x2  }
0xab: {  	p2 =	seq.s32 s10, $0x27;
	[sflag:s31] =	ssyncadd.s32 $0xFFFFC180;
	s13 =	sor.u32 $0x800, s13  }
0xac: {  	[spmem:s2] =	stream.indirect.scatter.add.f32 [tilespmem:s23], [sflag:$0x4], $0x80, s13, s0, $0xb8;
	[tilespmem:$0x1CE00] =	vst v63  }
0xad: {  	p3 =	sne.s32 @!p2 s14, $0x0;
	_ =	swait.ge [sflag:s26], $0x3E80  }
0xae: {  	p3 =	por p2, p3;
	[sflag:s26] =	ssyncset.done $0x0  }
.Ltmp4:
0xaf: {  	[sflag:s26] =	ssyncadd.s32 $0xFFFFC180;
	(pc) =	sbr.rel @p3 .LBB2_6-.Ltmp4, $4  }
0xb0: {  	[spmem:s3] =	stream.indirect.scatter.add.f32 [tilespmem:s28], [sflag:$0x4], $0x1, s13, s0, $0xb8;
	[tilespmem:$0x1CE00] =	vst v63  }
0xb1: {  	_ =	swait.ge [sflag:s26], $0x7D  }
0xb2: {  	[sflag:s26] =	ssyncset.done $0x0  }
0xb3: {  	[sflag:s26] =	ssyncadd.s32 $0xFFFFFF83  }
0xb4: {  	_ =	swait.ge [sflag:s30], $0x400  }
0xb5: {  	[sflag:s30] =	ssyncset.done $0x0  }
0xb6: {  	[sflag:s30] =	ssyncadd.s32 $0xFFFFFC00  }
0xb7: {  	_ =	swait.ge [sflag:s30], $0x400  }
0xb8: {  	[sflag:s30] =	ssyncset.done $0x0  }
0xb9: {  	[sflag:s30] =	ssyncadd.s32 $0xFFFFFC00  }
.LBB2_7:
0xba: {  	s15 =	sand.u32 $0x1000, s11  }
0xbb: {  	s14 =	sshll.u32 s14, $0x7;
	s15 =	sshrl.u32 s15, $0x2  }
0xbc: {  	s14 =	sor.u32 s14, s15  }
0xbd: {  	[tilespmem:s23], [sflag:$0x1] =	stream.indirect.gather [hbm4b:s1+s0], $0x80, s14, s0, $0xb8;
	[tilespmem:$0x1CE00] =	vst v63  }
.LBB2_8:
0xbe: {  	_ =	swait.ge [sflag:s4], $0x3E80  }
0xbf: {  	[sflag:s4] =	ssyncset.done $0x0  }
0xc0: {  	s13 =	sadd.s32 $0x80, s13;
	[sflag:s4] =	ssyncadd.s32 $0xFFFFC180  }
0xc1: {  	[spmem:s2] =	stream.indirect.scatter.add.f32 [tilespmem:s29], [sflag:$0x4], $0x80, s13, s0, $0xb8;
	[tilespmem:$0x1CE00] =	vst v63  }
0xc2: {  	_ =	swait.ge [sflag:s26], $0x3E80  }
0xc3: {  	[sflag:s26] =	ssyncset.done $0x0  }
0xc4: {  	s14 =	sadd.s32 $0x1, s12;
	[sflag:s26] =	ssyncadd.s32 $0xFFFFC180  }
0xc5: {  	[spmem:s3] =	stream.indirect.scatter.add.f32 [tilespmem:s28], [sflag:$0x4], $0x1, s13, s0, $0xb8;
	[tilespmem:$0x1CE00] =	vst v63  }
0xc6: {  	s13 =	sand.u32 $0x7, s14  }
0xc7: {  	p3 =	sne.s32 @!p2 s13, $0x1  }
0xc8: {  	p3 =	por p2, p3  }
0xc9: {  	p4 =	sgt.u32 @!p3 s10, $0x22  }
0xca: {  	p3 =	por p3, p4  }
.Ltmp5:
0xcb: {  	_ = 	snop;
	(pc) =	sbr.rel @!p3 .LBB2_9-.Ltmp5, $4  }
0xcc: {  	_ = 	snop  }
0xcd: {  	_ =	swait.ge [sflag:s26], $0x7D  }
0xce: {  	[sflag:s26] =	ssyncset.done $0x0  }
0xcf: {  	[sflag:s26] =	ssyncadd.s32 $0xFFFFFF83  }
.Ltmp6:
0xd0: {  	(pc) =	sbr.rel @!p2 .LBB2_11-.Ltmp6, $4  }
.Ltmp7:
0xd1: {  	(pc) =	sbr.rel @p2 .LBB2_12-.Ltmp7, $4  }
0xd2: {  	_ = 	snop  }
0xd3: {  	_ = 	snop  }
0xd4: {  	_ = 	snop  }
0xd5: {  	_ = 	snop  }
.LBB2_6:
.Ltmp8:
0xd6: {  	(pc) =	sbr.rel @p2 .LBB2_8-.Ltmp8, $4  }
.Ltmp9:
0xd7: {  	(pc) =	sbr.rel @!p2 .LBB2_7-.Ltmp9, $4  }
0xd8: {  	_ = 	snop  }
0xd9: {  	_ = 	snop  }
0xda: {  	_ = 	snop  }
0xdb: {  	_ = 	snop  }
.LBB2_13:
0xdc: {  	_ =	sfence.sel $0x180000  }
0xdd: {  	[bflag:$0x0] =	sbarrier.arrive $0xFFFF  }
0xde: {  	_ =	strace $0x90000047  }
0xdf: {  	s0 =	stileid.u32;
	[bflag:$0x2] =	sbarrier.arrive $0xFFFF  }
0xe0: {  	p0 =	sne.s32 s0, $0x0;
	s0 =	rddreg [dreg:$0x5]  }
0xe1: {  	s0 =	sadd.s32 @!p0 $0x100000, s0  }
0xe2: {  	[sflag:s0] =	ssyncadd.tile.s32 @!p0 $0x1;
	_ =	shalt  }
.Lfunc_end2:
_tile_overlayer_lowered:
.L_overlay_start_2:
0xe3: {  	(tag) =	ssettag $0x2  }
0xe4: {  	s0 =	rddreg [dreg:$0x0];
	s2 =	stileid.u32  }
0xe5: {  	s1 =	rddreg [dreg:$0x1];
	p0 =	sne.s32 s2, $0x0  }
0xe6: {  	s3 =	rddreg [dreg:$0x2];
	[bflag:$0x3] =	sbarrier.arrive $0xFFFF;
	s2 =	simm.s32 @!p0 $0x1C04  }
0xe7: {  	[timem:s3], [sflag:s2] =	dma.local @!p0 [hbm:s0], s1  }
0xe8: {  	s0 =	simm.s32 @!p0 $0x4  }
0xe9: {  	_ =	swait.ge @!p0 [sflag:s0], s1  }
0xea: {  	s1 =	ssub.s32 @!p0 $0x0, s1;
	[sflag:s0] =	ssyncset.done @!p0 $0x0  }
0xeb: {  	[sflag:s0] =	ssyncadd.s32 @!p0 s1  }
0xec: {  	[bflag:$0x3] =	sbarrier.arrive $0xFFFF  }
0xed: {  	_ =	shalt  }

// kernel: kernel.9.cloned.1.call-start
scs
__scs_entry_jumppad:
0x0: {  	(pc) =	sbr.rel $0x88, $3  }
0x1: {  	(tag) =	ssettag $0x0;
	lr =	simm.s32 $0x1  }
0x2: {  	[smem:$0x3F99] =	sst lr;
	_ =	strace $0xD0000000  }
0x3: {  	_ = 	snop  }
0x4: {  	_ = 	snop  }
0x5: {  	_ = 	snop  }
0x6: {  	_ = 	snop  }
0x7: {  	_ = 	snop  }
__scs_overlays_trampoline_lowered:
0x8: {  	[smem:$0x3FA8] =	sst s0  }
0x9: {  	[smem:$0x3FA9] =	sst s1  }
0xa: {  	[smem:$0x3FAA] =	sst s2  }
0xb: {  	[smem:$0x3FAB] =	sst s3  }
0xc: {  	[smem:$0x3FAC] =	sst s4  }
0xd: {  	[smem:$0x3FAD] =	sst s5  }
0xe: {  	[smem:$0x3FAE] =	sst s6  }
0xf: {  	[smem:$0x3FAF] =	sst s7  }
0x10: {  	[smem:$0x3FB0] =	sst s8  }
0x11: {  	[smem:$0x3FB1] =	sst s9;
	s0 =	simm.s32 @!p0 $0x0  }
0x12: {  	s1 =	sld [smem:$0x3F97];
	s0 =	simm.s32 @p0 $0x1  }
0x13: {  	[smem:$0x3FB2] =	sst s0;
	s0 =	simm.s32 @!p1 $0x0  }
0x14: {  	s2 =	sld [smem:$0x3F96];
	s0 =	simm.s32 @p1 $0x1  }
0x15: {  	[smem:$0x3FB3] =	sst s0;
	s0 =	simm.s32 @!p2 $0x0  }
0x16: {  	s3 =	sld [smem:$0x3FDB];
	s0 =	simm.s32 @p2 $0x1  }
0x17: {  	s4 =	simm.s32 $0x1BF5;
	[smem:$0x3FB5] =	sst s0  }
0x18: {  	s0 =	sld [smem:$0x3F98];
	_ =	swait.ge [sflag:s4], $0x0  }
0x19: {  	s7 =	sld [smem:$0x3F99]  }
0x1a: {  	s8 =	sadd.s32 $0xFFFFE003, lr  }
0x1b: {  	s9 =	sadd.s32 $0xFFFFFEF7, lr;
	s5 =	simm.s32 $0xFFFFFFFF;
	p2 =	slt.u32 s8, $0xFFFFF086  }
0x1c: {  	p1 =	slt.u32 s9, $0xF7A;
	s5 =	simm.s32 @!p2 $0x0  }
0x1d: {  	s5 =	simm.s32 @p1 $0x1;
	p0 =	seq.s32 s7, s2  }
0x1e: {  	s7 =	smul.u32 @!p0 $0xF7A, s2;
	p2 =	seq.s32 @!p0 s5, $0x0  }
0x1f: {  	s9 =	smul.u32 $0xF7A, s1;
	s8 =	simm.s32 @!p0 $0x1BF5;
	p2 =	por !p2, p0  }
0x20: {  	[sflag:s8] =	ssyncset.s32 @!p0 $0xFFFFF086;
	s6 =	sadd.s32 @!p0 s3, s7;
	s7 =	simm.s32 @!p0 $0x108  }
0x21: {  	s3 =	sadd.s32 s3, s9;
	s6 =	sadd.s32 @!p0 $0x88, s6;
	s7 =	simm.s32 @p2 $0x1082  }
0x22: {  	[simem:s7], [sflag:s8] =	dma.local @!p0 [hbm:s6], $0xF7A  }
0x23: {  	s9 =	sor.u32 $0xD0000000, s2;
	s6 =	simm.s32 $0x108;
	_ =	swait.ge @!p0 [sflag:s8], $0x0  }
0x24: {  	s3 =	sadd.s32 $0x88, s3;
	s6 =	simm.s32 @!p1 $0x1082;
	[sflag:s4] =	ssyncset.s32 $0xFFFFF086  }
0x25: {  	[simem:s6], [sflag:s4] =	dma.local [hbm:s3], $0xF7A  }
0x26: {  	[smem:$0x3F99] =	sst s1;
	(tag) =	ssettag s2;
	_ =	strace s9  }
0x27: {  	s1 =	sld [smem:$0x3FA9]  }
0x28: {  	s2 =	sld [smem:$0x3FAA]  }
0x29: {  	s4 =	sld [smem:$0x3FAC]  }
0x2a: {  	p0 =	seq.s32 s5, $0x0;
	s5 =	sld [smem:$0x3FAD]  }
0x2b: {  	s6 =	sld [smem:$0x3FAE]  }
0x2c: {  	s7 =	sld [smem:$0x3FAF]  }
0x2d: {  	s3 =	simm.s32 $0x108;
	s8 =	sld [smem:$0x3FB0]  }
0x2e: {  	s3 =	simm.s32 @!p0 $0x1082;
	s9 =	sld [smem:$0x3FB1]  }
0x2f: {  	lr =	sadd.s32 s0, s3;
	s0 =	sld [smem:$0x3FA8]  }
0x30: {  	s3 =	sld [smem:$0x3FAB]  }
0x31: {  	[smem:$0x3FB4] =	sst s10  }
0x32: {  	s10 =	sld [smem:$0x3FB2];
	_ =	sdelay $0x3  }
0x33: {  	p0 =	seq.s32 s10, $0x1;
	s10 =	sld [smem:$0x3FB4];
	_ =	sdelay $0x3  }
0x34: {  	[smem:$0x3FB4] =	sst s10  }
0x35: {  	s10 =	sld [smem:$0x3FB3];
	_ =	sdelay $0x3  }
0x36: {  	p1 =	seq.s32 s10, $0x1;
	s10 =	sld [smem:$0x3FB4];
	_ =	sdelay $0x3  }
0x37: {  	[smem:$0x3FB4] =	sst s10  }
0x38: {  	s10 =	sld [smem:$0x3FB5]  }
0x39: {  	_ = 	snop;
	(pc) =	sbr.ind lr, $3  }
0x3a: {  	_ = 	snop  }
0x3b: {  	_ = 	snop  }
0x3c: {  	p2 =	seq.s32 s10, $0x1;
	s10 =	sld [smem:$0x3FB4]  }
0x3d: {  	_ =	shalt  }
0x3e: {  	_ =	shalt  }
0x3f: {  	_ =	shalt  }
0x40: {  	_ =	shalt  }
0x41: {  	_ =	shalt  }
0x42: {  	_ =	shalt  }
0x43: {  	_ =	shalt  }
0x44: {  	_ =	shalt  }
0x45: {  	_ =	shalt  }
0x46: {  	_ =	shalt  }
0x47: {  	_ =	shalt  }
0x48: {  	_ =	shalt  }
0x49: {  	_ =	shalt  }
0x4a: {  	_ =	shalt  }
0x4b: {  	_ =	shalt  }
0x4c: {  	_ =	shalt  }
0x4d: {  	_ =	shalt  }
0x4e: {  	_ =	shalt  }
0x4f: {  	_ =	shalt  }
0x50: {  	_ =	shalt  }
0x51: {  	_ =	shalt  }
0x52: {  	_ =	shalt  }
0x53: {  	_ =	shalt  }
0x54: {  	_ =	shalt  }
0x55: {  	_ =	shalt  }
0x56: {  	_ =	shalt  }
0x57: {  	_ =	shalt  }
0x58: {  	_ =	shalt  }
0x59: {  	_ =	shalt  }
0x5a: {  	_ =	shalt  }
0x5b: {  	_ =	shalt  }
0x5c: {  	_ =	shalt  }
0x5d: {  	_ =	shalt  }
0x5e: {  	_ =	shalt  }
0x5f: {  	_ =	shalt  }
0x60: {  	_ =	shalt  }
0x61: {  	_ =	shalt  }
0x62: {  	_ =	shalt  }
0x63: {  	_ =	shalt  }
0x64: {  	_ =	shalt  }
0x65: {  	_ =	shalt  }
0x66: {  	_ =	shalt  }
0x67: {  	_ =	shalt  }
0x68: {  	_ =	shalt  }
0x69: {  	_ =	shalt  }
0x6a: {  	_ =	shalt  }
0x6b: {  	_ =	shalt  }
0x6c: {  	_ =	shalt  }
0x6d: {  	_ =	shalt  }
0x6e: {  	_ =	shalt  }
0x6f: {  	_ =	shalt  }
0x70: {  	_ =	shalt  }
0x71: {  	_ =	shalt  }
0x72: {  	_ =	shalt  }
0x73: {  	_ =	shalt  }
0x74: {  	_ =	shalt  }
0x75: {  	_ =	shalt  }
0x76: {  	_ =	shalt  }
0x77: {  	_ =	shalt  }
0x78: {  	_ =	shalt  }
0x79: {  	_ =	shalt  }
0x7a: {  	_ =	shalt  }
0x7b: {  	_ =	shalt  }
0x7c: {  	_ =	shalt  }
0x7d: {  	_ =	shalt  }
0x7e: {  	_ =	shalt  }
0x7f: {  	_ =	shalt  }
0x80: {  	_ =	shalt  }
0x81: {  	_ =	shalt  }
0x82: {  	_ =	shalt  }
0x83: {  	_ =	shalt  }
0x84: {  	_ =	shalt  }
0x85: {  	_ =	shalt  }
0x86: {  	_ =	shalt  }
0x87: {  	_ =	shalt  }
.Lfunc_end0:
.L_simem_size_0:
called_computation.1_lowered:
.L_overlay_start_0:
0x88: {  	s2 =	sld [smem:$0x3FD9]  }
0x89: {  	s3 =	sld [smem:$0x3FFE];
	_ =	sdelay $0x1  }
0x8a: {  	s1 =	srdreg.scid  }
0x8b: {  	s0 =	sand.u32 $0x1, s1  }
0x8c: {  	s17 =	sshll.u32 s0, $0xA;
	s2 =	sadd.s32 s3, s2  }
0x8d: {  	s2 =	sadd.s32 s2, s17  }
0x8e: {  	[smem:$0x3FC0] =	sst s2  }
0x8f: {  	_ = 	snop  }
0x90: {  	s2 =	sld [smem:$0x3FD0];
	(tm) =	ssettm $0x1  }
0x91: {  	s18 =	sld [smem:$0x3FFB];
	_ =	sdelay $0x3  }
0x92: {  	_ =	strace s18  }
0x93: {  	s3 =	sld [smem:$0x3FFC];
	_ =	sdelay $0x3  }
0x94: {  	_ =	strace s3  }
0x95: {  	s3 =	sld [smem:$0x3FFD];
	_ =	sdelay $0x3  }
0x96: {  	_ =	strace s3  }
0x97: {  	_ =	strace $0x8FFFFFFF  }
0x98: {  	s19 =	sld [smem:$0x3FDB];
	_ =	sdelay $0x1  }
0x99: {  	s4 =	simm.s32 $_scs_section_size  }
0x9a: {  	s5 =	simm.s32 $_size__tile_overlayer_lowered;
	s6 =	simm.s32 $_tile_overlayer_lowered  }
0x9b: {  	s22 =	simm.s32 $0x1BFF;
	s21 =	sshll.u32 s6, $0x1;
	s3 =	sadd.s32 s4, s19  }
0x9c: {  	s7 =	simm.s32 $0x0;
	s20 =	sshll.u32 s5, $0x1;
	s5 =	sadd.s32 s21, s3  }
0x9d: {  	[timem:s7], [sflag:s22] =	dma.local [hbm:s5], s20  }
0x9e: {  	_ =	swait.ge [sflag:s22], s20  }
0x9f: {  	s4 =	ssub.s32 $0x0, s20;
	[sflag:s22] =	ssyncset.done $0x0  }
0xa0: {  	[sflag:s22] =	ssyncadd.s32 s4;
	_ =	sdelay $0x1  }
0xa1: {  	s23 =	simm.s32 $0x1B8B  }
0xa2: {  	_ =	swait.ge [sflag:s23], $0x1  }
0xa3: {  	[sflag:s23] =	ssyncset.done $0x0  }
0xa4: {  	s25 =	simm.s32 $0x1B8E;
	s24 =	sld [smem:$0x3FFE];
	[sflag:s23] =	ssyncadd.s32 $0xFFFFFFFF  }
0xa5: {  	s26 =	simm.s32 $execute0_lowered;
	[smem:$0x3FD2] =	sst s25  }
0xa6: {  	s5 =	sshll.u32 s26, $0x1;
	_ =	strace $0x80000049;
	[dreg:$0x1] =	wrdreg $0xFFFFFFFF  }
0xa7: {  	s28 =	simm.s32 $_size_execute0_lowered;
	s3 =	sadd.s32 s3, s5;
	[dreg:$0x0] =	wrdreg $0x0  }
0xa8: {  	s5 =	sshll.u32 s28, $0x1;
	[dreg:$0x2] =	wrdreg s3  }
0xa9: {  	[dreg:$0x3] =	wrdreg s5  }
0xaa: {  	[dreg:$0x4] =	wrdreg $0xC0  }
0xab: {  	_ =	task [dreg:s7], $0x5FFFF  }
0xac: {  	[dreg:$0x1] =	wrdreg $0xFFFFFFFF  }
0xad: {  	[dreg:$0x0] =	wrdreg $0x60  }
0xae: {  	[dreg:$0x2] =	wrdreg s2  }
0xaf: {  	[dreg:$0x3] =	wrdreg s24  }
0xb0: {  	[dreg:$0x4] =	wrdreg $0x90000  }
0xb1: {  	[dreg:$0x5] =	wrdreg $0x9  }
0xb2: {  	_ =	task.clear_ibuf [dreg:s7], $0x6FFFF;
	_ =	strace $0x90000049  }
0xb3: {  	s29 =	simm.s32 $0x9;
	_ =	strace $0x8000004B  }
0xb4: {  	_ =	swait.ge [sflag:s29], $0x1  }
0xb5: {  	[sflag:s29] =	ssyncadd.s32 $0xFFFFFFFF  }
0xb6: {  	_ =	strace $0x9000004B  }
0xb7: {  	_ =	sfence  }
0xb8: {  	s30 =	sld [smem:$0x0];
	_ =	sdelay $0x2  }
0xb9: {  	s31 =	sshll.u32 s1, $0xD;
	s1 =	sshrl.u32 s1, $0x2  }
0xba: {  	s3 =	sand.u32 $0x4000, s31;
	s1 =	sadd.s32 s1, s30  }
0xbb: {  	s0 =	sor.u32 s3, s0;
	s1 =	sshll.u32 s1, $0x11  }
0xbc: {  	s0 =	sor.u32 s1, s0  }
0xbd: {  	s0 =	sadd.s32 $0x8F2B, s0  }
0xbe: {  	[sflag:s0] =	ssyncadd.remote.s32 $0x1  }
0xbf: {  	_ =	sfence.sel $0xFFFF  }
0xc0: {  	[dreg:$0x0] =	wrdreg $0xFFFFFFFF;
	(pc) =	sbr.abs _section_cstart, $3  }
0xc1: {  	[dreg:$0x1] =	wrdreg $0xFFFFFFFF  }
0xc2: {  	_ =	task.clear_ibuf [dreg:s7], $0x2FFFF;
	_ =	strace $0x9FFFFFFF  }
0xc3: {  	(tm) =	ssettm $0x7FFFFFFF  }
tec
execute0_lowered:
.L_overlay_start_1:
0x0: {  	(tag) =	ssettag $0x1  }
0x1: {  	s1 =	rddreg [dreg:$0x0]  }
0x2: {  	s0 =	rddreg [dreg:$0x1]  }
0x3: {  	s2 =	rddreg [dreg:$0x2];
	s3 =	simm.s32 $0x0  }
0x4: {  	s4 =	srdreg.scid;
	s22 =	stileid.u32;
	s20 =	simm.s32 $0x4  }
0x5: {  	s29 =	simm.s32 $0x5000;
	s30 =	simm.s32 $0x1;
	s31 =	simm.s32 $0x2  }
0x6: {  	[smem:$0x7FF] =	sst s3;
	s5 =	sadd.s32 $0xC000, s0;
	s7 =	smul.u32 $0x4E200, s22  }
0x7: {  	s6 =	sadd.s32 $0x2000, s0;
	s4 =	sand.u32 $0x1, s4;
	s17 =	smul.u32 $0x13800, s22  }
0x8: {  	s0 =	sadd.s32 $0x16000, s0;
	s19 =	smul.u32 $0x4E000, s22;
	p0 =	sne.s32 s22, $0xF  }
0x9: {  	_ =	strace $0x8000004A;
	s8 =	ssub.s32 $0x2, s4;
	s9 =	sshll.u32 s4, $0x4  }
0xa: {  	s4 =	smul.u32 $0x138800, s4;
	s10 =	sshrl.u32 s8, $0x1;
	s7 =	sshrl.u32 s7, $0x2  }
0xb: {  	s11 =	sor.u32 s22, s9;
	s28 =	sshrl.u32 s19, $0x2;
	s7 =	sadd.s32 s7, s2  }
0xc: {  	s19 =	simm.s32 $0x1000;
	s18 =	ssub.s32 s8, s10;
	s21 =	sadd.s32 $0x3E80, s7  }
0xd: {  	s13 =	smul.u32 $0x500, s11;
	s23 =	sadd.s32 $0x7D00, s7;
	[dreg:$0x5] =	wrdreg s21  }
0xe: {  	s16 =	smul.u32 $0xA, s11;
	s24 =	sadd.s32 $0xBB80, s7;
	[dreg:$0x6] =	wrdreg s23  }
0xf: {  	s26 =	sadd.s32 s17, s4;
	s25 =	sadd.s32 $0xFA00, s7;
	[dreg:$0x7] =	wrdreg s24  }
0x10: {  	s4 =	sshrl.u32 s4, $0x3;
	s18 =	smax.u32 s18, $0x1;
	[dreg:$0x8] =	wrdreg s25  }
0x11: {  	s12 =	sadd.s32 s5, s13;
	s15 =	sor.u32 $0x80, s13;
	s13 =	sadd.s32 s6, s13  }
0x12: {  	[dreg:$0x4] =	wrdreg s16;
	s16 =	sshrl.u32 s26, $0x3;
	s21 =	sadd.s32 s28, s2  }
0x13: {  	s26 =	simm.s32 $0x7D;
	s16 =	sadd.s32 s0, s16;
	s0 =	sadd.s32 s0, s4  }
0x14: {  	s14 =	sadd.s32 s5, s15;
	s17 =	sadd.s32 $0x27000, s0;
	s0 =	sadd.s32 $0x138000, s2  }
0x15: {  	v0 =	vimm.f32 $0.0e+00;
	s15 =	sadd.s32 s6, s15;
	s24 =	sshrl.u32 s21, $0x3;
	s25 =	sshrl.u32 @!p0 s0, $0x3  }
.LBB2_1:
0x16: {  	s0 =	simm.s32 $0x0;
	s4 =	simm.s32 $0x200  }
.LBB2_2:
0x17: {  	p1 =	sne.s32 s4, $0xF800;
	[tilespmem:s0+$0x1070] =	vst v0  }
0x18: {  	[tilespmem:s0+$0x1000] =	vst v0  }
0x19: {  	[tilespmem:s0+$0x1010] =	vst v0  }
.Ltmp0:
0x1a: {  	[tilespmem:s0+$0x1020] =	vst v0;
	(pc) =	sbr.rel @p1 .LBB2_2-.Ltmp0, $4  }
0x1b: {  	[tilespmem:s0+$0x1030] =	vst v0  }
0x1c: {  	[tilespmem:s0+$0x1040] =	vst v0  }
0x1d: {  	[tilespmem:s0+$0x1050] =	vst v0  }
0x1e: {  	[tilespmem:s0+$0x1060] =	vst v0;
	s0 =	sshra.s32 s4, $0x2;
	s4 =	sadd.s32 $0x200, s4  }
0x1f: {  	[tilespmem:s0+$0x1070] =	vst v0  }
0x20: {  	[tilespmem:s0+$0x1000] =	vst v0  }
0x21: {  	[tilespmem:s0+$0x1010] =	vst v0  }
0x22: {  	[tilespmem:s0+$0x1020] =	vst v0  }
0x23: {  	[tilespmem:s0+$0x1030] =	vst v0  }
0x24: {  	[tilespmem:s0+$0x1040] =	vst v0  }
0x25: {  	[tilespmem:s0+$0x1050] =	vst v0  }
0x26: {  	[tilespmem:s0+$0x1060] =	vst v0  }
0x27: {  	[spmem:s7] =	stream.linear.scatter [tilespmem:s19], [sflag:$0x4], $0x3E80, $0x38;
	[tilespmem:$0x1C880] =	vst v63  }
0x28: {  	_ =	swait.ge [sflag:s20], $0x3E80  }
0x29: {  	[sflag:s20] =	ssyncset.done $0x0  }
0x2a: {  	s21 =	rddreg [dreg:$0x5];
	[sflag:s20] =	ssyncadd.s32 $0xFFFFC180  }
0x2b: {  	[spmem:s21] =	stream.linear.scatter [tilespmem:s19], [sflag:$0x4], $0x3E80, $0x38;
	[tilespmem:$0x1C880] =	vst v63  }
0x2c: {  	_ =	swait.ge [sflag:s20], $0x3E80  }
0x2d: {  	[sflag:s20] =	ssyncset.done $0x0  }
0x2e: {  	s22 =	rddreg [dreg:$0x6];
	[sflag:s20] =	ssyncadd.s32 $0xFFFFC180  }
0x2f: {  	[spmem:s22] =	stream.linear.scatter [tilespmem:s19], [sflag:$0x4], $0x3E80, $0x38;
	[tilespmem:$0x1C880] =	vst v63  }
0x30: {  	_ =	swait.ge [sflag:s20], $0x3E80  }
0x31: {  	[sflag:s20] =	ssyncset.done $0x0  }
0x32: {  	s23 =	rddreg [dreg:$0x7];
	[sflag:s20] =	ssyncadd.s32 $0xFFFFC180  }
0x33: {  	[spmem:s23] =	stream.linear.scatter [tilespmem:s19], [sflag:$0x4], $0x3E80, $0x38;
	[tilespmem:$0x1C880] =	vst v63  }
0x34: {  	_ =	swait.ge [sflag:s20], $0x3E80  }
0x35: {  	[sflag:s20] =	ssyncset.done $0x0  }
0x36: {  	s4 =	rddreg [dreg:$0x8];
	[sflag:s20] =	ssyncadd.s32 $0xFFFFC180  }
0x37: {  	[spmem:s4] =	stream.linear.scatter [tilespmem:s19], [sflag:$0x4], $0x3E80, $0x38;
	[tilespmem:$0x1C880] =	vst v63  }
0x38: {  	_ =	swait.ge [sflag:s20], $0x3E80  }
0x39: {  	[sflag:s20] =	ssyncset.done $0x0  }
0x3a: {  	[sflag:s20] =	ssyncadd.s32 $0xFFFFC180  }
0x3b: {  	s22 =	simm.s32 $0x0;
	[bflag:$0x0] =	sbarrier.arrive $0xFFFF  }
0x3c: {  	[tilespmem:s22], [sflag:$0x3] =	stream.linear.gather [hbm4b:s12+s22], $0x400, $0x38;
	[tilespmem:$0x1C880] =	vst v63  }
0x3d: {  	s8 =	simm.s32 $0x800;
	s0 =	simm.s32 $0x3  }
0x3e: {  	[tilespmem:s8], [sflag:$0x3] =	stream.linear.gather [hbm4b:s13+s22], $0x400, $0x38;
	[tilespmem:$0x1C880] =	vst v63  }
0x3f: {  	_ =	swait.ge [sflag:s0], $0x400  }
0x40: {  	[sflag:s0] =	ssyncset.done $0x0  }
0x41: {  	[sflag:s0] =	ssyncadd.s32 $0xFFFFFC00  }
0x42: {  	_ =	swait.ge [sflag:s0], $0x400  }
0x43: {  	[sflag:s0] =	ssyncset.done $0x0  }
0x44: {  	s4 =	simm.s32 $0x400;
	[sflag:s0] =	ssyncadd.s32 $0xFFFFFC00  }
0x45: {  	[tilespmem:s4], [sflag:$0x3] =	stream.linear.gather [hbm4b:s14+s22], $0x400, $0x38;
	[tilespmem:$0x1C880] =	vst v63  }
0x46: {  	s9 =	simm.s32 $0xC00  }
0x47: {  	[tilespmem:s9], [sflag:$0x3] =	stream.linear.gather [hbm4b:s15+s22], $0x400, $0x38;
	[tilespmem:$0x1C880] =	vst v63  }
0x48: {  	_ = 	snop  }
0x49: {  	[tilespmem:s19], [sflag:$0x1] =	stream.indirect.gather [hbm4b:s1+s26], $0x80, s22, s26, $0xb8;
	[tilespmem:$0x1C880] =	vst v63  }
0x4a: {  	s10 =	simm.s32 $0x80  }
0x4b: {  	[tilespmem:s29], [sflag:$0x2] =	stream.indirect.gather [hbm4b:s1+s26], $0x80, s10, s26, $0xb8;
	[tilespmem:$0x1C880] =	vst v63  }
0x4c: {  	s11 =	sand.u32 $0x1C00, s22;
	_ =	swait.ge [sflag:s30], $0x3E80  }
0x4d: {  	s4 =	sshrl.u32 s11, $0x2;
	[sflag:s30] =	ssyncset.done $0x0  }
0x4e: {  	s23 =	simm.s32 $0x2;
	s4 =	sor.u32 $0x800, s4;
	[sflag:s30] =	ssyncadd.s32 $0xFFFFC180  }
0x4f: {  	[spmem:s2] =	stream.indirect.scatter.add.f32 [tilespmem:s19], [sflag:$0x4], $0x80, s4, s26, $0xb8;
	[tilespmem:$0x1C880] =	vst v63  }
0x50: {  	s28 =	sand.u32 $0x6, s23;
	_ =	swait.ge [sflag:s20], $0x3E80  }
0x51: {  	p1 =	sne.s32 s28, $0x0;
	[sflag:s20] =	ssyncset.done $0x0  }
0x52: {  	s21 =	simm.s32 @!p1 $0x3;
	[sflag:s20] =	ssyncadd.s32 $0xFFFFC180  }
0x53: {  	_ =	swait.ge @!p1 [sflag:s21], $0x400  }
0x54: {  	[sflag:s21] =	ssyncset.done @!p1 $0x0  }
0x55: {  	s23 =	simm.s32 $0x400;
	[sflag:s21] =	ssyncadd.s32 @!p1 $0xFFFFFC00  }
0x56: {  	s8 =	sand.u32 $0x1000, s23;
	_ =	swait.ge @!p1 [sflag:s21], $0x400  }
0x57: {  	s28 =	sshll.u32 s28, $0x7;
	s8 =	sshrl.u32 s8, $0x2;
	[sflag:s21] =	ssyncset.done @!p1 $0x0  }
0x58: {  	s8 =	sor.u32 s28, s8;
	[sflag:s21] =	ssyncadd.s32 @!p1 $0xFFFFFC00  }
0x59: {  	[tilespmem:s19], [sflag:$0x1] =	stream.indirect.gather [hbm4b:s1+s26], $0x80, s8, s26, $0xb8;
	[tilespmem:$0x1C880] =	vst v63  }
0x5a: {  	_ =	swait.ge [sflag:s31], $0x3E80  }
0x5b: {  	s0 =	sand.u32 $0x7, s0;
	[sflag:s31] =	ssyncset.done $0x0  }
0x5c: {  	s4 =	sadd.s32 $0x80, s4;
	p1 =	sne.s32 s0, $0x1;
	[sflag:s31] =	ssyncadd.s32 $0xFFFFC180  }
0x5d: {  	[spmem:s2] =	stream.indirect.scatter.add.f32 [tilespmem:s29], [sflag:$0x4], $0x80, s4, s26, $0xb8;
	[tilespmem:$0x1C880] =	vst v63  }
0x5e: {  	p2 =	por @!p1 $0x0, $0x0;
	_ =	swait.ge [sflag:s20], $0x3E80  }
0x5f: {  	p1 =	por p2, p1;
	s4 =	rddreg [dreg:$0x4]  }
0x60: {  	s4 =	sadd.s32 @!p1 $0x1, s4  }
0x61: {  	s8 =	simm.s32 @!p1 $0x0;
	s4 =	sshll.u32 @!p1 s4, $0x7  }
0x62: {  	s21 =	simm.s32 @!p1 $0x400;
	[sflag:s20] =	ssyncset.done $0x0;
	s4 =	sand.u32 @!p1 $0x1FFFFF80, s4  }
0x63: {  	s21 =	sand.u32 @!p1 $0x400, s21;
	[sflag:s20] =	ssyncadd.s32 $0xFFFFC180;
	s28 =	sadd.s32 @!p1 s5, s4  }
0x64: {  	[tilespmem:s21], [sflag:$0x3] =	stream.linear.gather @!p1 [hbm4b:s28+s8], $0x400, $0x38;
	[tilespmem:$0x1C880] =	vst v63  }
0x65: {  	s4 =	sadd.s32 @!p1 s6, s4;
	s21 =	sor.u32 @!p1 $0x800, s21  }
0x66: {  	[tilespmem:s21], [sflag:$0x3] =	stream.linear.gather @!p1 [hbm4b:s4+s8], $0x400, $0x38;
	[tilespmem:$0x1C880] =	vst v63  }
0x67: {  	s21 =	simm.s32 $0x600  }
0x68: {  	s4 =	sand.u32 $0x1000, s21  }
0x69: {  	s0 =	sshll.u32 s0, $0x7;
	s4 =	sshrl.u32 s4, $0x2  }
0x6a: {  	s28 =	simm.s32 $0x5;
	s0 =	sor.u32 s0, s4  }
.LBB2_4:
0x6b: {  	[tilespmem:s29], [sflag:$0x2] =	stream.indirect.gather [hbm4b:s1+s26], $0x80, s0, s26, $0xb8;
	[tilespmem:$0x1C880] =	vst v63  }
0x6c: {  	s10 =	sand.u32 $0x1C00, s23;
	_ =	swait.ge [sflag:s30], $0x3E80  }
0x6d: {  	s4 =	smov.u32 s28;
	s8 =	sshrl.u32 s10, $0x2;
	[sflag:s30] =	ssyncset.done $0x0  }
0x6e: {  	s21 =	sadd.s32 $0xFFFFFFFF, s4;
	s8 =	sor.u32 $0x800, s8;
	[sflag:s30] =	ssyncadd.s32 $0xFFFFC180  }
0x6f: {  	[spmem:s2] =	stream.indirect.scatter.add.f32 [tilespmem:s19], [sflag:$0x4], $0x80, s8, s26, $0xb8;
	[tilespmem:$0x1C880] =	vst v63  }
0x70: {  	s21 =	sand.u32 $0x6, s21;
	_ =	swait.ge [sflag:s20], $0x3E80  }
0x71: {  	p2 =	sne.s32 s21, $0x0;
	[sflag:s20] =	ssyncset.done $0x0  }
0x72: {  	s9 =	simm.s32 @!p2 $0x3;
	[sflag:s20] =	ssyncadd.s32 $0xFFFFC180  }
0x73: {  	_ =	swait.ge @!p2 [sflag:s9], $0x400  }
0x74: {  	[sflag:s9] =	ssyncset.done @!p2 $0x0  }
0x75: {  	s0 =	smov.u32 s23;
	s23 =	sadd.s32 $0x400, s23;
	[sflag:s9] =	ssyncadd.s32 @!p2 $0xFFFFFC00  }
0x76: {  	s22 =	sadd.s32 $0x1, s22;
	s10 =	sand.u32 $0x1000, s23;
	_ =	swait.ge @!p2 [sflag:s9], $0x400  }
0x77: {  	s10 =	sshrl.u32 s10, $0x2;
	s21 =	sshll.u32 s21, $0x7;
	[sflag:s9] =	ssyncset.done @!p2 $0x0  }
0x78: {  	s11 =	sor.u32 s21, s10;
	s21 =	sand.u32 $0x7, s4;
	[sflag:s9] =	ssyncadd.s32 @!p2 $0xFFFFFC00  }
0x79: {  	[tilespmem:s19], [sflag:$0x1] =	stream.indirect.gather [hbm4b:s1+s26], $0x80, s11, s26, $0xb8;
	[tilespmem:$0x1C880] =	vst v63  }
0x7a: {  	s28 =	sadd.s32 $0x2, s28;
	p2 =	sne.s32 s21, $0x1;
	_ =	swait.ge [sflag:s31], $0x3E80  }
0x7b: {  	p1 =	sne.s32 s28, $0x51;
	p3 =	sgt.u32 @!p2 s22, $0x22;
	[sflag:s31] =	ssyncset.done $0x0  }
0x7c: {  	s8 =	sadd.s32 $0x80, s8;
	p2 =	por p3, p2;
	[sflag:s31] =	ssyncadd.s32 $0xFFFFC180  }
0x7d: {  	[spmem:s2] =	stream.indirect.scatter.add.f32 [tilespmem:s29], [sflag:$0x4], $0x80, s8, s26, $0xb8;
	[tilespmem:$0x1C880] =	vst v63  }
0x7e: {  	s0 =	sadd.s32 $0x600, s0;
	s4 =	sshrl.u32 @!p2 s4, $0x3;
	_ =	swait.ge [sflag:s20], $0x3E80  }
0x7f: {  	s0 =	sand.u32 $0x1000, s0;
	s4 =	sadd.s32 @!p2 $0x1, s4;
	s9 =	rddreg [dreg:$0x4]  }
0x80: {  	s0 =	sshrl.u32 s0, $0x2;
	s10 =	simm.s32 @!p2 $0x0;
	s9 =	sadd.s32 @!p2 s9, s4  }
0x81: {  	s8 =	sshll.u32 s21, $0x7;
	[sflag:s20] =	ssyncset.done $0x0;
	s9 =	sshll.u32 @!p2 s9, $0x7  }
.Ltmp1:
0x82: {  	s4 =	sshll.u32 @!p2 s4, $0xA;
	s9 =	sand.u32 @!p2 $0x1FFFFF80, s9;
	(pc) =	sbr.rel @p1 .LBB2_4-.Ltmp1, $4  }
0x83: {  	[sflag:s20] =	ssyncadd.s32 $0xFFFFC180;
	s4 =	sand.u32 @!p2 $0x400, s4;
	s11 =	sadd.s32 @!p2 s5, s9  }
0x84: {  	[tilespmem:s4], [sflag:$0x3] =	stream.linear.gather @!p2 [hbm4b:s11+s10], $0x400, $0x38;
	[tilespmem:$0x1C880] =	vst v63  }
0x85: {  	s0 =	sor.u32 s8, s0;
	s21 =	sor.u32 @!p2 $0x800, s4;
	s9 =	sadd.s32 @!p2 s6, s9  }
0x86: {  	[tilespmem:s21], [sflag:$0x3] =	stream.linear.gather @!p2 [hbm4b:s9+s10], $0x400, $0x38;
	[tilespmem:$0x1C880] =	vst v63  }
0x87: {  	[tilespmem:s29], [sflag:$0x2] =	stream.indirect.gather [hbm4b:s1+s26], $0x80, s0, s26, $0xb8;
	[tilespmem:$0x1C880] =	vst v63  }
0x88: {  	_ =	swait.ge [sflag:s30], $0x3E80  }
0x89: {  	[sflag:s30] =	ssyncset.done $0x0  }
0x8a: {  	s22 =	simm.s32 $0xF00;
	[sflag:s30] =	ssyncadd.s32 $0xFFFFC180  }
0x8b: {  	[spmem:s2] =	stream.indirect.scatter.add.f32 [tilespmem:s19], [sflag:$0x4], $0x80, s22, s26, $0xb8;
	[tilespmem:$0x1C880] =	vst v63  }
0x8c: {  	_ =	swait.ge [sflag:s20], $0x3E80  }
0x8d: {  	[sflag:s20] =	ssyncset.done $0x0  }
0x8e: {  	[sflag:s20] =	ssyncadd.s32 $0xFFFFC180  }
0x8f: {  	_ =	swait.ge [sflag:s31], $0x3E80  }
0x90: {  	[sflag:s31] =	ssyncset.done $0x0  }
0x91: {  	s23 =	simm.s32 $0xF80;
	[sflag:s31] =	ssyncadd.s32 $0xFFFFC180  }
0x92: {  	[spmem:s2] =	stream.indirect.scatter.add.f32 [tilespmem:s29], [sflag:$0x4], $0x80, s23, s26, $0xb8;
	[tilespmem:$0x1C880] =	vst v63  }
0x93: {  	_ =	swait.ge [sflag:s20], $0x3E80  }
0x94: {  	s28 =	stileid.u32;
	[sflag:s20] =	ssyncset.done $0x0  }
0x95: {  	s0 =	sshll.u32 s28, $0x6;
	[sflag:s20] =	ssyncadd.s32 $0xFFFFC180  }
0x96: {  	s0 =	sor.u32 $0x1C04, s0;
	[bflag:$0x0] =	sbarrier.arrive $0xFFFF  }
0x97: {  	[hbm:s16], [sflag:s0] =	dma.local [spmem:s24], $0x2700  }
0x98: {  	_ =	swait.ge [sflag:s20], $0x2700  }
0x99: {  	s3 =	sadd.s32 $0x1, s3;
	[sflag:s20] =	ssyncset.done $0x0  }
0x9a: {  	p1 =	sne.s32 s3, s18;
	[sflag:s20] =	ssyncadd.s32 $0xFFFFD900  }
0x9b: {  	[hbm:s17], [sflag:s0] =	dma.local @!p0 [spmem:s25], $0x100  }
.Ltmp2:
0x9c: {  	_ = 	snop;
	(pc) =	sbr.rel @p1 .LBB2_1-.Ltmp2, $4  }
0x9d: {  	s0 =	simm.s32 @!p0 $0x4  }
0x9e: {  	_ =	swait.ge @!p0 [sflag:s0], $0x100  }
0x9f: {  	[sflag:s0] =	ssyncset.done @!p0 $0x0  }
0xa0: {  	[sflag:s0] =	ssyncadd.s32 @!p0 $0xFFFFFF00  }
0xa1: {  	_ =	sfence.sel $0x180000  }
0xa2: {  	[bflag:$0x0] =	sbarrier.arrive $0xFFFF  }
0xa3: {  	_ =	strace $0x9000004A  }
0xa4: {  	s0 =	stileid.u32;
	[bflag:$0x2] =	sbarrier.arrive $0xFFFF  }
0xa5: {  	p0 =	sne.s32 s0, $0x0;
	s0 =	rddreg [dreg:$0x3]  }
0xa6: {  	s0 =	sadd.s32 @!p0 $0x100000, s0  }
0xa7: {  	[sflag:s0] =	ssyncadd.tile.s32 @!p0 $0x1;
	_ =	shalt  }
.Lfunc_end2:
_tile_overlayer_lowered:
.L_overlay_start_2:
0xa8: {  	(tag) =	ssettag $0x2  }
0xa9: {  	s0 =	rddreg [dreg:$0x0];
	s2 =	stileid.u32  }
0xaa: {  	s1 =	rddreg [dreg:$0x1];
	p0 =	sne.s32 s2, $0x0  }
0xab: {  	s3 =	rddreg [dreg:$0x2];
	[bflag:$0x3] =	sbarrier.arrive $0xFFFF;
	s2 =	simm.s32 @!p0 $0x1C04  }
0xac: {  	[timem:s3], [sflag:s2] =	dma.local @!p0 [hbm:s0], s1  }
0xad: {  	s0 =	simm.s32 @!p0 $0x4  }
0xae: {  	_ =	swait.ge @!p0 [sflag:s0], s1  }
0xaf: {  	s1 =	ssub.s32 @!p0 $0x0, s1;
	[sflag:s0] =	ssyncset.done @!p0 $0x0  }
0xb0: {  	[sflag:s0] =	ssyncadd.s32 @!p0 s1  }
0xb1: {  	[bflag:$0x3] =	sbarrier.arrive $0xFFFF  }
0xb2: {  	_ =	shalt  }

</sc_bundles>
